<compile_context>
chip_gen: v7x
topology: tpu7x:2x2x1
jax: 0.10.2.dev20260603
libtpu: 0.0.44.dev20260713+nightly
codegen_flags: <defaults>
</compile_context>

<pallas_src>
import functools

import jax
import jax.numpy as jnp
from jax import lax
from jax.experimental import pallas as pl
from jax.experimental.pallas import tpu as pltpu
from jax.experimental.pallas import tpu_sc as plsc

N_POINTS = 1048576
NUM_WORKERS = 32
ALL_ROWS = N_POINTS // 128

SC_ROWS_PER_W = 32
SC_ROWS = SC_ROWS_PER_W * NUM_WORKERS
SC_PTS = SC_ROWS * 128
TC_ROWS = ALL_ROWS - SC_ROWS
TC_PTS = TC_ROWS * 128
TC_BLK_ROWS = 1024
TC_GRID = TC_ROWS // TC_BLK_ROWS

_CONST = 1.3862943611198906 - 1.8378770664093453 - 2.772588722239781

_LN2 = 0.6931471805599453
_SQRT2 = 1.4142135623730951
_LOG_POLY = (
    7.0376836292e-2, -1.1514610310e-1, 1.1676998740e-1, -1.2420140846e-1,
    1.4249322787e-1, -1.6668057665e-1, 2.0000714765e-1, -2.4999993993e-1,
    3.3333331174e-1,
)


def _sum_exp(v):
    u = v * jnp.float32(4.0)
    return (jnp.float32(1.0)
            + jnp.exp(u - jnp.float32(2.0))
            + jnp.exp(u + u - jnp.float32(8.0))
            + jnp.exp(u * jnp.float32(3.0) - jnp.float32(18.0)))



def _fast_log(s):
    bits = lax.bitcast_convert_type(s, jnp.int32)
    e = lax.shift_right_logical(bits, 23) - 127
    m = lax.bitcast_convert_type(
        jnp.bitwise_or(jnp.bitwise_and(bits, 0x007FFFFF), 0x3F800000),
        jnp.float32)
    big = m > jnp.float32(_SQRT2)
    m = jnp.where(big, m * jnp.float32(0.5), m)
    ef = e.astype(jnp.float32) + jnp.where(big, jnp.float32(1.0),
                                           jnp.float32(0.0))
    z = m - jnp.float32(1.0)
    r = jnp.float32(_LOG_POLY[0])
    for c in _LOG_POLY[1:]:
        r = r * z + jnp.float32(c)
    z2 = z * z
    y = z * z2 * r - jnp.float32(0.5) * z2 + z
    return y + ef * jnp.float32(_LN2)


def _axis_term_sc(v):
    return _fast_log(_sum_exp(v)) - jnp.float32(2.0) * v * v


_MESH = plsc.VectorSubcoreMesh(core_axis_name="c", subcore_axis_name="s")


@functools.partial(
    pl.kernel,
    mesh=_MESH,
    out_type=jax.ShapeDtypeStruct((SC_ROWS, 128), jnp.float32),
    scratch_types=[
        pltpu.VMEM((SC_ROWS_PER_W, 128), jnp.float32),
        pltpu.VMEM((SC_ROWS_PER_W, 128), jnp.float32),
        pltpu.VMEM((SC_ROWS_PER_W, 128), jnp.float32),
    ],
)
def _gmm_sc(xt_hbm, out_hbm, xv0, xv1, ov):
    wid = lax.axis_index("s") * 2 + lax.axis_index("c")
    r0 = TC_ROWS + wid * SC_ROWS_PER_W
    pltpu.sync_copy(xt_hbm.at[pl.ds(r0, SC_ROWS_PER_W)], xv0)
    pltpu.sync_copy(xt_hbm.at[pl.ds(ALL_ROWS + r0, SC_ROWS_PER_W)], xv1)

    def body(r, carry):
        for c in range(8):
            o = c * 16
            x0 = xv0[r, pl.ds(o, 16)]
            x1 = xv1[r, pl.ds(o, 16)]
            ov[r, pl.ds(o, 16)] = (_axis_term_sc(x0) + _axis_term_sc(x1)
                                   + jnp.float32(_CONST))
        return carry

    lax.fori_loop(0, SC_ROWS_PER_W, body, 0)
    pltpu.sync_copy(ov, out_hbm.at[pl.ds(wid * SC_ROWS_PER_W,
                                         SC_ROWS_PER_W)])



def _tc_body(x0_ref, x1_ref, out):
    x0 = x0_ref[...]
    x1 = x1_ref[...]
    t = (jnp.log(_sum_exp(x0)) + jnp.log(_sum_exp(x1))
         - jnp.float32(2.0) * (x0 * x0 + x1 * x1))
    out[...] = t + jnp.float32(_CONST)


def _gmm_tc(xt_rows):
    return pl.pallas_call(
        _tc_body,
        grid=(TC_GRID,),
        in_specs=[
            pl.BlockSpec((TC_BLK_ROWS, 128), lambda i: (i, 0)),
            pl.BlockSpec((TC_BLK_ROWS, 128),
                         lambda i: (ALL_ROWS // TC_BLK_ROWS + i, 0)),
        ],
        out_specs=pl.BlockSpec((TC_BLK_ROWS, 128), lambda i: (i, 0)),
        out_shape=jax.ShapeDtypeStruct((TC_ROWS, 128), jnp.float32),
    )(xt_rows, xt_rows)


def kernel(x):
    xt_rows = x.T.reshape(2 * ALL_ROWS, 128)
    tc_out = _gmm_tc(xt_rows)
    sc_out = _gmm_sc(xt_rows)
    return jnp.concatenate([tc_out, sc_out], axis=0).reshape(N_POINTS)

# --- scband reference (transcript-rebuilt; emitter-appended) ---
"""Pipeline reference for scband-gaussian-grid-7988639170597 (READ-ONLY COPY).

The authoritative reference and input builder live on the scoring server;
editing this copy changes nothing except your own understanding.
"""

import jax, jax.numpy as jnp
import numpy as np

DIMENSIONS = 2
GRID_SIZE = 4
VARIANCE = 0.5  # used as the Normal scale (std), matching torch.distributions.Normal(loc, variance*ones)
N_POINTS = 1048576


def _grid_means():
    # Reproduces get_all_vects ordering: coordinate 0 varies fastest.
    g, d = GRID_SIZE, DIMENSIONS
    k = np.arange(g ** d)
    cols = [((k // (g ** i)) % g).astype(np.float32) for i in range(d)]
    return jnp.asarray(np.stack(cols, axis=1))  # [K, D]


def setup_inputs(seed: int = 0) -> dict:
    key = jax.random.key(seed)
    x = jax.random.normal(key, (N_POINTS, DIMENSIONS), dtype=jnp.float32)
    return {"x": x}


def reference(x):
    # Faithful MixtureSameFamily(Categorical(uniform), Independent(Normal(mu, sigma), 1)).log_prob(x)
    mu = _grid_means()                      # [K, D]
    K = mu.shape[0]
    sigma = VARIANCE
    log_w = jnp.full((K,), -jnp.log(float(K)), dtype=jnp.float32)  # uniform mixture weights
    # ||x - mu||^2 expanded to avoid materializing [N, K, D]
    sq = (jnp.sum(x * x, axis=1, keepdims=True)
          - 2.0 * (x @ mu.T)
          + jnp.sum(mu * mu, axis=1)[None, :])  # [N, K]
    comp_lp = (-0.5 * sq / (sigma ** 2)
               - DIMENSIONS * jnp.log(sigma)
               - 0.5 * DIMENSIONS * jnp.log(2.0 * jnp.pi))  # Independent Normal log_prob, [N, K]
    return jax.scipy.special.logsumexp(comp_lp + log_w[None, :], axis=1)  # [N]

if __name__ == "__main__":
    import jax
    _d = setup_inputs()
    print(jax.jit(kernel)(*tuple(_d.values())))

</pallas_src>

<mosaic_0001>
#map = affine_map<(d0, d1) -> (0, 0)>
module attributes {stable_mosaic.version = 14 : i64} {
  func.func @_gmm_sc(%arg0: i32, %arg1: i32, %arg2: memref<16384x128xf32, #tpu.memory_space<hbm>>, %arg3: memref<1024x128xf32, #tpu.memory_space<hbm>>, %arg4: memref<32x128xf32, #tpu.memory_space<vmem>>, %arg5: memref<32x128xf32, #tpu.memory_space<vmem>>, %arg6: memref<32x128xf32, #tpu.memory_space<vmem>>) attributes {dimension_semantics = [#tpu.dimension_semantics<core_parallel>, #tpu.dimension_semantics<subcore_parallel>], iteration_bounds = array<i64: 2, 16>, scalar_prefetch = 0 : i64, scratch_operands = 3 : i64, tpu.core_type = #tpu.core_type<sc_vector_subcore>, window_params = [{transform_indices = #map}, {transform_indices = #map}]} {
    %mul3A = arith.constant 2 : i32
    %mul3A_0 = arith.muli %arg1, %mul3A : i32
    %add3A = arith.addi %mul3A_0, %arg0 : i32
    %mul3A_1 = arith.constant 32 : i32
    %mul3A_2 = arith.muli %add3A, %mul3A_1 : i32
    %add3A_3 = arith.constant 7168 : i32
    %add3A_4 = arith.addi %add3A_3, %mul3A_2 : i32
    "tpu.region"() ({
      %run_scoped3A = tpu.sem_alloc : memref<!tpu.dma_semaphore, #tpu.memory_space<semaphore_mem>>
      %dma_start3A = arith.constant 0 : i32
      %dma_start3A_14 = tpu.memref_slice %arg2[%add3A_4, %dma_start3A] : memref<16384x128xf32, #tpu.memory_space<hbm>> -> memref<32x128xf32, #tpu.memory_space<hbm>>
      %dma_start3A_15 = arith.constant 0 : i32
      %dma_start3A_16 = tpu.memref_slice %arg2[%add3A_4, %dma_start3A_15] : memref<16384x128xf32, #tpu.memory_space<hbm>> -> memref<32x128xf32, #tpu.memory_space<hbm>>
      tpu.enqueue_dma source(%dma_start3A_16 : memref<32x128xf32, #tpu.memory_space<hbm>>) target(%arg4 : memref<32x128xf32, #tpu.memory_space<vmem>>) target_semaphore(%run_scoped3A : memref<!tpu.dma_semaphore, #tpu.memory_space<semaphore_mem>>)
      %dma_wait3A = arith.constant 0 : i32
      %dma_wait3A_17 = tpu.memref_slice %arg2[%add3A_4, %dma_wait3A] : memref<16384x128xf32, #tpu.memory_space<hbm>> -> memref<32x128xf32, #tpu.memory_space<hbm>>
      %dma_wait3A_18 = arith.constant 0 : i32
      %dma_wait3A_19 = tpu.memref_slice %arg2[%add3A_4, %dma_wait3A_18] : memref<16384x128xf32, #tpu.memory_space<hbm>> -> memref<32x128xf32, #tpu.memory_space<hbm>>
      tpu.wait_dma2 semaphore(%run_scoped3A : memref<!tpu.dma_semaphore, #tpu.memory_space<semaphore_mem>>) src(%dma_wait3A_19 : memref<32x128xf32, #tpu.memory_space<hbm>>) dst(%arg4 : memref<32x128xf32, #tpu.memory_space<vmem>>)
      tpu.yield
    }) : () -> ()
    %add3A_5 = arith.constant 8192 : i32
    %add3A_6 = arith.addi %add3A_5, %add3A_4 : i32
    "tpu.region"() ({
      %run_scoped3A = tpu.sem_alloc : memref<!tpu.dma_semaphore, #tpu.memory_space<semaphore_mem>>
      %dma_start3A = arith.constant 0 : i32
      %dma_start3A_14 = tpu.memref_slice %arg2[%add3A_6, %dma_start3A] : memref<16384x128xf32, #tpu.memory_space<hbm>> -> memref<32x128xf32, #tpu.memory_space<hbm>>
      %dma_start3A_15 = arith.constant 0 : i32
      %dma_start3A_16 = tpu.memref_slice %arg2[%add3A_6, %dma_start3A_15] : memref<16384x128xf32, #tpu.memory_space<hbm>> -> memref<32x128xf32, #tpu.memory_space<hbm>>
      tpu.enqueue_dma source(%dma_start3A_16 : memref<32x128xf32, #tpu.memory_space<hbm>>) target(%arg5 : memref<32x128xf32, #tpu.memory_space<vmem>>) target_semaphore(%run_scoped3A : memref<!tpu.dma_semaphore, #tpu.memory_space<semaphore_mem>>)
      %dma_wait3A = arith.constant 0 : i32
      %dma_wait3A_17 = tpu.memref_slice %arg2[%add3A_6, %dma_wait3A] : memref<16384x128xf32, #tpu.memory_space<hbm>> -> memref<32x128xf32, #tpu.memory_space<hbm>>
      %dma_wait3A_18 = arith.constant 0 : i32
      %dma_wait3A_19 = tpu.memref_slice %arg2[%add3A_6, %dma_wait3A_18] : memref<16384x128xf32, #tpu.memory_space<hbm>> -> memref<32x128xf32, #tpu.memory_space<hbm>>
      tpu.wait_dma2 semaphore(%run_scoped3A : memref<!tpu.dma_semaphore, #tpu.memory_space<semaphore_mem>>) src(%dma_wait3A_19 : memref<32x128xf32, #tpu.memory_space<hbm>>) dst(%arg5 : memref<32x128xf32, #tpu.memory_space<vmem>>)
      tpu.yield
    }) : () -> ()
    %scan3A = arith.constant 0 : i32
    %scan3A_7 = arith.constant 0 : i32
    %scan3A_8 = arith.constant 32 : i32
    %scan3A_9 = arith.addi %scan3A_7, %scan3A_8 : i32
    %scan3A_10 = arith.constant 1 : i32
    scf.for %scan3A_14 = %scan3A_7 to %scan3A_9 step %scan3A_10  : i32 {
      %get3A = arith.index_cast %scan3A_14 : i32 to index
      %get3A_15 = arith.constant 0 : index
      %get3A_16 = tpu.vector_load %arg4[%get3A, %get3A_15] {strides = array<i32>} : memref<32x128xf32, #tpu.memory_space<vmem>>, vector<1x16xf32>,
      %get3A_17 = vector.shape_cast %get3A_16 : vector<1x16xf32> to vector<16xf32>
      %get3A_18 = arith.index_cast %scan3A_14 : i32 to index
      %get3A_19 = arith.constant 0 : index
      %get3A_20 = tpu.vector_load %arg5[%get3A_18, %get3A_19] {strides = array<i32>} : memref<32x128xf32, #tpu.memory_space<vmem>>, vector<1x16xf32>,
      %get3A_21 = vector.shape_cast %get3A_20 : vector<1x16xf32> to vector<16xf32>
      %mul3A_22 = arith.constant 4.000000e+00 : f32
      %mul3A_23 = vector.broadcast %mul3A_22 : f32 to vector<16xf32>
      %mul3A_24 = arith.mulf %get3A_17, %mul3A_23 : vector<16xf32>
      %sub3A = arith.constant 2.000000e+00 : f32
      %sub3A_25 = vector.broadcast %sub3A : f32 to vector<16xf32>
      %sub3A_26 = arith.subf %mul3A_24, %sub3A_25 : vector<16xf32>
      %exp3A = math.exp %sub3A_26 : vector<16xf32>
      %add3A_27 = arith.constant 1.000000e+00 : f32
      %add3A_28 = vector.broadcast %add3A_27 : f32 to vector<16xf32>
      %add3A_29 = arith.addf %add3A_28, %exp3A : vector<16xf32>
      %add3A_30 = arith.addf %mul3A_24, %mul3A_24 : vector<16xf32>
      %sub3A_31 = arith.constant 8.000000e+00 : f32
      %sub3A_32 = vector.broadcast %sub3A_31 : f32 to vector<16xf32>
      %sub3A_33 = arith.subf %add3A_30, %sub3A_32 : vector<16xf32>
      %exp3A_34 = math.exp %sub3A_33 : vector<16xf32>
      %add3A_35 = arith.addf %add3A_29, %exp3A_34 : vector<16xf32>
      %mul3A_36 = arith.constant 3.000000e+00 : f32
      %mul3A_37 = vector.broadcast %mul3A_36 : f32 to vector<16xf32>
      %mul3A_38 = arith.mulf %mul3A_24, %mul3A_37 : vector<16xf32>
      %sub3A_39 = arith.constant 1.800000e+01 : f32
      %sub3A_40 = vector.broadcast %sub3A_39 : f32 to vector<16xf32>
      %sub3A_41 = arith.subf %mul3A_38, %sub3A_40 : vector<16xf32>
      %exp3A_42 = math.exp %sub3A_41 : vector<16xf32>
      %add3A_43 = arith.addf %add3A_35, %exp3A_42 : vector<16xf32>
      %bitcast_convert_type3A = tpu.bitcast %add3A_43 : vector<16xf32> -> vector<16xi32>
      %shift_right_logical3A = arith.constant 23 : i32
      %shift_right_logical3A_44 = vector.broadcast %shift_right_logical3A : i32 to vector<16xi32>
      %shift_right_logical3A_45 = arith.shrui %bitcast_convert_type3A, %shift_right_logical3A_44 : vector<16xi32>
      %sub3A_46 = arith.constant 127 : i32
      %sub3A_47 = vector.broadcast %sub3A_46 : i32 to vector<16xi32>
      %sub3A_48 = arith.subi %shift_right_logical3A_45, %sub3A_47 : vector<16xi32>
      %and3A = arith.constant 8388607 : i32
      %and3A_49 = vector.broadcast %and3A : i32 to vector<16xi32>
      %and3A_50 = arith.andi %bitcast_convert_type3A, %and3A_49 : vector<16xi32>
      %or3A = arith.constant 1065353216 : i32
      %or3A_51 = vector.broadcast %or3A : i32 to vector<16xi32>
      %or3A_52 = arith.ori %and3A_50, %or3A_51 : vector<16xi32>
      %bitcast_convert_type3A_53 = tpu.bitcast %or3A_52 : vector<16xi32> -> vector<16xf32>
      %gt3A = arith.constant 1.41421354 : f32
      %gt3A_54 = vector.broadcast %gt3A : f32 to vector<16xf32>
      %gt3A_55 = arith.cmpf ogt, %bitcast_convert_type3A_53, %gt3A_54 : vector<16xf32>
      %mul3A_56 = arith.constant 5.000000e-01 : f32
      %mul3A_57 = vector.broadcast %mul3A_56 : f32 to vector<16xf32>
      %mul3A_58 = arith.mulf %bitcast_convert_type3A_53, %mul3A_57 : vector<16xf32>
      %select_n3A = arith.select %gt3A_55, %mul3A_58, %bitcast_convert_type3A_53 : vector<16xi1>, vector<16xf32>
      %convert_element_type3A = arith.sitofp %sub3A_48 : vector<16xi32> to vector<16xf32>
      %jit3A = arith.constant 1.000000e+00 : f32
      %jit3A_59 = arith.constant 0.000000e+00 : f32
      %broadcast_in_dim3A = vector.broadcast %jit3A : f32 to vector<16xf32>
      %broadcast_in_dim3A_60 = vector.broadcast %jit3A_59 : f32 to vector<16xf32>
      %select_n3A_61 = arith.select %gt3A_55, %broadcast_in_dim3A, %broadcast_in_dim3A_60 : vector<16xi1>, vector<16xf32>
      %add3A_62 = arith.addf %convert_element_type3A, %select_n3A_61 : vector<16xf32>
      %sub3A_63 = arith.constant 1.000000e+00 : f32
      %sub3A_64 = vector.broadcast %sub3A_63 : f32 to vector<16xf32>
      %sub3A_65 = arith.subf %select_n3A, %sub3A_64 : vector<16xf32>
      %mul3A_66 = arith.constant 0.0703768358 : f32
      %mul3A_67 = vector.broadcast %mul3A_66 : f32 to vector<16xf32>
      %mul3A_68 = arith.mulf %mul3A_67, %sub3A_65 : vector<16xf32>
      %add3A_69 = arith.constant -0.115146101 : f32
      %add3A_70 = vector.broadcast %add3A_69 : f32 to vector<16xf32>
      %add3A_71 = arith.addf %mul3A_68, %add3A_70 : vector<16xf32>
      %mul3A_72 = arith.mulf %add3A_71, %sub3A_65 : vector<16xf32>
      %add3A_73 = arith.constant 0.116769984 : f32
      %add3A_74 = vector.broadcast %add3A_73 : f32 to vector<16xf32>
      %add3A_75 = arith.addf %mul3A_72, %add3A_74 : vector<16xf32>
      %mul3A_76 = arith.mulf %add3A_75, %sub3A_65 : vector<16xf32>
      %add3A_77 = arith.constant -0.12420141 : f32
      %add3A_78 = vector.broadcast %add3A_77 : f32 to vector<16xf32>
      %add3A_79 = arith.addf %mul3A_76, %add3A_78 : vector<16xf32>
      %mul3A_80 = arith.mulf %add3A_79, %sub3A_65 : vector<16xf32>
      %add3A_81 = arith.constant 0.142493233 : f32
      %add3A_82 = vector.broadcast %add3A_81 : f32 to vector<16xf32>
      %add3A_83 = arith.addf %mul3A_80, %add3A_82 : vector<16xf32>
      %mul3A_84 = arith.mulf %add3A_83, %sub3A_65 : vector<16xf32>
      %add3A_85 = arith.constant -0.166680574 : f32
      %add3A_86 = vector.broadcast %add3A_85 : f32 to vector<16xf32>
      %add3A_87 = arith.addf %mul3A_84, %add3A_86 : vector<16xf32>
      %mul3A_88 = arith.mulf %add3A_87, %sub3A_65 : vector<16xf32>
      %add3A_89 = arith.constant 0.200007141 : f32
      %add3A_90 = vector.broadcast %add3A_89 : f32 to vector<16xf32>
      %add3A_91 = arith.addf %mul3A_88, %add3A_90 : vector<16xf32>
      %mul3A_92 = arith.mulf %add3A_91, %sub3A_65 : vector<16xf32>
      %add3A_93 = arith.constant -0.24999994 : f32
      %add3A_94 = vector.broadcast %add3A_93 : f32 to vector<16xf32>
      %add3A_95 = arith.addf %mul3A_92, %add3A_94 : vector<16xf32>
      %mul3A_96 = arith.mulf %add3A_95, %sub3A_65 : vector<16xf32>
      %add3A_97 = arith.constant 0.333333313 : f32
      %add3A_98 = vector.broadcast %add3A_97 : f32 to vector<16xf32>
      %add3A_99 = arith.addf %mul3A_96, %add3A_98 : vector<16xf32>
      %mul3A_100 = arith.mulf %sub3A_65, %sub3A_65 : vector<16xf32>
      %mul3A_101 = arith.mulf %sub3A_65, %mul3A_100 : vector<16xf32>
      %mul3A_102 = arith.mulf %mul3A_101, %add3A_99 : vector<16xf32>
      %mul3A_103 = arith.constant 5.000000e-01 : f32
      %mul3A_104 = vector.broadcast %mul3A_103 : f32 to vector<16xf32>
      %mul3A_105 = arith.mulf %mul3A_104, %mul3A_100 : vector<16xf32>
      %sub3A_106 = arith.subf %mul3A_102, %mul3A_105 : vector<16xf32>
      %add3A_107 = arith.addf %sub3A_106, %sub3A_65 : vector<16xf32>
      %mul3A_108 = arith.constant 0.693147182 : f32
      %mul3A_109 = vector.broadcast %mul3A_108 : f32 to vector<16xf32>
      %mul3A_110 = arith.mulf %add3A_62, %mul3A_109 : vector<16xf32>
      %add3A_111 = arith.addf %add3A_107, %mul3A_110 : vector<16xf32>
      %mul3A_112 = arith.constant 2.000000e+00 : f32
      %mul3A_113 = vector.broadcast %mul3A_112 : f32 to vector<16xf32>
      %mul3A_114 = arith.mulf %mul3A_113, %get3A_17 : vector<16xf32>
      %mul3A_115 = arith.mulf %mul3A_114, %get3A_17 : vector<16xf32>
      %sub3A_116 = arith.subf %add3A_111, %mul3A_115 : vector<16xf32>
      %mul3A_117 = arith.constant 4.000000e+00 : f32
      %mul3A_118 = vector.broadcast %mul3A_117 : f32 to vector<16xf32>
      %mul3A_119 = arith.mulf %get3A_21, %mul3A_118 : vector<16xf32>
      %sub3A_120 = arith.constant 2.000000e+00 : f32
      %sub3A_121 = vector.broadcast %sub3A_120 : f32 to vector<16xf32>
      %sub3A_122 = arith.subf %mul3A_119, %sub3A_121 : vector<16xf32>
      %exp3A_123 = math.exp %sub3A_122 : vector<16xf32>
      %add3A_124 = arith.constant 1.000000e+00 : f32
      %add3A_125 = vector.broadcast %add3A_124 : f32 to vector<16xf32>
      %add3A_126 = arith.addf %add3A_125, %exp3A_123 : vector<16xf32>
      %add3A_127 = arith.addf %mul3A_119, %mul3A_119 : vector<16xf32>
      %sub3A_128 = arith.constant 8.000000e+00 : f32
      %sub3A_129 = vector.broadcast %sub3A_128 : f32 to vector<16xf32>
      %sub3A_130 = arith.subf %add3A_127, %sub3A_129 : vector<16xf32>
      %exp3A_131 = math.exp %sub3A_130 : vector<16xf32>
      %add3A_132 = arith.addf %add3A_126, %exp3A_131 : vector<16xf32>
      %mul3A_133 = arith.constant 3.000000e+00 : f32
      %mul3A_134 = vector.broadcast %mul3A_133 : f32 to vector<16xf32>
      %mul3A_135 = arith.mulf %mul3A_119, %mul3A_134 : vector<16xf32>
      %sub3A_136 = arith.constant 1.800000e+01 : f32
      %sub3A_137 = vector.broadcast %sub3A_136 : f32 to vector<16xf32>
      %sub3A_138 = arith.subf %mul3A_135, %sub3A_137 : vector<16xf32>
      %exp3A_139 = math.exp %sub3A_138 : vector<16xf32>
      %add3A_140 = arith.addf %add3A_132, %exp3A_139 : vector<16xf32>
      %bitcast_convert_type3A_141 = tpu.bitcast %add3A_140 : vector<16xf32> -> vector<16xi32>
      %shift_right_logical3A_142 = arith.constant 23 : i32
      %shift_right_logical3A_143 = vector.broadcast %shift_right_logical3A_142 : i32 to vector<16xi32>
      %shift_right_logical3A_144 = arith.shrui %bitcast_convert_type3A_141, %shift_right_logical3A_143 : vector<16xi32>
      %sub3A_145 = arith.constant 127 : i32
      %sub3A_146 = vector.broadcast %sub3A_145 : i32 to vector<16xi32>
      %sub3A_147 = arith.subi %shift_right_logical3A_144, %sub3A_146 : vector<16xi32>
      %and3A_148 = arith.constant 8388607 : i32
      %and3A_149 = vector.broadcast %and3A_148 : i32 to vector<16xi32>
      %and3A_150 = arith.andi %bitcast_convert_type3A_141, %and3A_149 : vector<16xi32>
      %or3A_151 = arith.constant 1065353216 : i32
      %or3A_152 = vector.broadcast %or3A_151 : i32 to vector<16xi32>
      %or3A_153 = arith.ori %and3A_150, %or3A_152 : vector<16xi32>
      %bitcast_convert_type3A_154 = tpu.bitcast %or3A_153 : vector<16xi32> -> vector<16xf32>
      %gt3A_155 = arith.constant 1.41421354 : f32
      %gt3A_156 = vector.broadcast %gt3A_155 : f32 to vector<16xf32>
      %gt3A_157 = arith.cmpf ogt, %bitcast_convert_type3A_154, %gt3A_156 : vector<16xf32>
      %mul3A_158 = arith.constant 5.000000e-01 : f32
      %mul3A_159 = vector.broadcast %mul3A_158 : f32 to vector<16xf32>
      %mul3A_160 = arith.mulf %bitcast_convert_type3A_154, %mul3A_159 : vector<16xf32>
      %select_n3A_161 = arith.select %gt3A_157, %mul3A_160, %bitcast_convert_type3A_154 : vector<16xi1>, vector<16xf32>
      %convert_element_type3A_162 = arith.sitofp %sub3A_147 : vector<16xi32> to vector<16xf32>
      %jit3A_163 = arith.constant 1.000000e+00 : f32
      %jit3A_164 = arith.constant 0.000000e+00 : f32
      %broadcast_in_dim3A_165 = vector.broadcast %jit3A_163 : f32 to vector<16xf32>
      %broadcast_in_dim3A_166 = vector.broadcast %jit3A_164 : f32 to vector<16xf32>
      %select_n3A_167 = arith.select %gt3A_157, %broadcast_in_dim3A_165, %broadcast_in_dim3A_166 : vector<16xi1>, vector<16xf32>
      %add3A_168 = arith.addf %convert_element_type3A_162, %select_n3A_167 : vector<16xf32>
      %sub3A_169 = arith.constant 1.000000e+00 : f32
      %sub3A_170 = vector.broadcast %sub3A_169 : f32 to vector<16xf32>
      %sub3A_171 = arith.subf %select_n3A_161, %sub3A_170 : vector<16xf32>
      %mul3A_172 = arith.constant 0.0703768358 : f32
      %mul3A_173 = vector.broadcast %mul3A_172 : f32 to vector<16xf32>
      %mul3A_174 = arith.mulf %mul3A_173, %sub3A_171 : vector<16xf32>
      %add3A_175 = arith.constant -0.115146101 : f32
      %add3A_176 = vector.broadcast %add3A_175 : f32 to vector<16xf32>
      %add3A_177 = arith.addf %mul3A_174, %add3A_176 : vector<16xf32>
      %mul3A_178 = arith.mulf %add3A_177, %sub3A_171 : vector<16xf32>
      %add3A_179 = arith.constant 0.116769984 : f32
      %add3A_180 = vector.broadcast %add3A_179 : f32 to vector<16xf32>
      %add3A_181 = arith.addf %mul3A_178, %add3A_180 : vector<16xf32>
      %mul3A_182 = arith.mulf %add3A_181, %sub3A_171 : vector<16xf32>
      %add3A_183 = arith.constant -0.12420141 : f32
      %add3A_184 = vector.broadcast %add3A_183 : f32 to vector<16xf32>
      %add3A_185 = arith.addf %mul3A_182, %add3A_184 : vector<16xf32>
      %mul3A_186 = arith.mulf %add3A_185, %sub3A_171 : vector<16xf32>
      %add3A_187 = arith.constant 0.142493233 : f32
      %add3A_188 = vector.broadcast %add3A_187 : f32 to vector<16xf32>
      %add3A_189 = arith.addf %mul3A_186, %add3A_188 : vector<16xf32>
      %mul3A_190 = arith.mulf %add3A_189, %sub3A_171 : vector<16xf32>
      %add3A_191 = arith.constant -0.166680574 : f32
      %add3A_192 = vector.broadcast %add3A_191 : f32 to vector<16xf32>
      %add3A_193 = arith.addf %mul3A_190, %add3A_192 : vector<16xf32>
      %mul3A_194 = arith.mulf %add3A_193, %sub3A_171 : vector<16xf32>
      %add3A_195 = arith.constant 0.200007141 : f32
      %add3A_196 = vector.broadcast %add3A_195 : f32 to vector<16xf32>
      %add3A_197 = arith.addf %mul3A_194, %add3A_196 : vector<16xf32>
      %mul3A_198 = arith.mulf %add3A_197, %sub3A_171 : vector<16xf32>
      %add3A_199 = arith.constant -0.24999994 : f32
      %add3A_200 = vector.broadcast %add3A_199 : f32 to vector<16xf32>
      %add3A_201 = arith.addf %mul3A_198, %add3A_200 : vector<16xf32>
      %mul3A_202 = arith.mulf %add3A_201, %sub3A_171 : vector<16xf32>
      %add3A_203 = arith.constant 0.333333313 : f32
      %add3A_204 = vector.broadcast %add3A_203 : f32 to vector<16xf32>
      %add3A_205 = arith.addf %mul3A_202, %add3A_204 : vector<16xf32>
      %mul3A_206 = arith.mulf %sub3A_171, %sub3A_171 : vector<16xf32>
      %mul3A_207 = arith.mulf %sub3A_171, %mul3A_206 : vector<16xf32>
      %mul3A_208 = arith.mulf %mul3A_207, %add3A_205 : vector<16xf32>
      %mul3A_209 = arith.constant 5.000000e-01 : f32
      %mul3A_210 = vector.broadcast %mul3A_209 : f32 to vector<16xf32>
      %mul3A_211 = arith.mulf %mul3A_210, %mul3A_206 : vector<16xf32>
      %sub3A_212 = arith.subf %mul3A_208, %mul3A_211 : vector<16xf32>
      %add3A_213 = arith.addf %sub3A_212, %sub3A_171 : vector<16xf32>
      %mul3A_214 = arith.constant 0.693147182 : f32
      %mul3A_215 = vector.broadcast %mul3A_214 : f32 to vector<16xf32>
      %mul3A_216 = arith.mulf %add3A_168, %mul3A_215 : vector<16xf32>
      %add3A_217 = arith.addf %add3A_213, %mul3A_216 : vector<16xf32>
      %mul3A_218 = arith.constant 2.000000e+00 : f32
      %mul3A_219 = vector.broadcast %mul3A_218 : f32 to vector<16xf32>
      %mul3A_220 = arith.mulf %mul3A_219, %get3A_21 : vector<16xf32>
      %mul3A_221 = arith.mulf %mul3A_220, %get3A_21 : vector<16xf32>
      %sub3A_222 = arith.subf %add3A_217, %mul3A_221 : vector<16xf32>
      %add3A_223 = arith.addf %sub3A_116, %sub3A_222 : vector<16xf32>
      %add3A_224 = arith.constant -3.2241714 : f32
      %add3A_225 = vector.broadcast %add3A_224 : f32 to vector<16xf32>
      %add3A_226 = arith.addf %add3A_223, %add3A_225 : vector<16xf32>
      %swap3A = arith.index_cast %scan3A_14 : i32 to index
      %swap3A_227 = arith.constant 0 : index
      %swap3A_228 = tpu.vector_load %arg6[%swap3A, %swap3A_227] {strides = array<i32>} : memref<32x128xf32, #tpu.memory_space<vmem>>, vector<1x16xf32>,
      %swap3A_229 = vector.shape_cast %swap3A_228 : vector<1x16xf32> to vector<16xf32>
      %swap3A_230 = vector.shape_cast %add3A_226 : vector<16xf32> to vector<1x16xf32>
      tpu.vector_store %arg6[%swap3A, %swap3A_227], %swap3A_230 {strides = array<i32>} : memref<32x128xf32, #tpu.memory_space<vmem>>, vector<1x16xf32>,
      %get3A_231 = arith.index_cast %scan3A_14 : i32 to index
      %get3A_232 = arith.constant 16 : index
      %get3A_233 = tpu.vector_load %arg4[%get3A_231, %get3A_232] {strides = array<i32>} : memref<32x128xf32, #tpu.memory_space<vmem>>, vector<1x16xf32>,
      %get3A_234 = vector.shape_cast %get3A_233 : vector<1x16xf32> to vector<16xf32>
      %get3A_235 = arith.index_cast %scan3A_14 : i32 to index
      %get3A_236 = arith.constant 16 : index
      %get3A_237 = tpu.vector_load %arg5[%get3A_235, %get3A_236] {strides = array<i32>} : memref<32x128xf32, #tpu.memory_space<vmem>>, vector<1x16xf32>,
      %get3A_238 = vector.shape_cast %get3A_237 : vector<1x16xf32> to vector<16xf32>
      %mul3A_239 = arith.constant 4.000000e+00 : f32
      %mul3A_240 = vector.broadcast %mul3A_239 : f32 to vector<16xf32>
      %mul3A_241 = arith.mulf %get3A_234, %mul3A_240 : vector<16xf32>
      %sub3A_242 = arith.constant 2.000000e+00 : f32
      %sub3A_243 = vector.broadcast %sub3A_242 : f32 to vector<16xf32>
      %sub3A_244 = arith.subf %mul3A_241, %sub3A_243 : vector<16xf32>
      %exp3A_245 = math.exp %sub3A_244 : vector<16xf32>
      %add3A_246 = arith.constant 1.000000e+00 : f32
      %add3A_247 = vector.broadcast %add3A_246 : f32 to vector<16xf32>
      %add3A_248 = arith.addf %add3A_247, %exp3A_245 : vector<16xf32>
      %add3A_249 = arith.addf %mul3A_241, %mul3A_241 : vector<16xf32>
      %sub3A_250 = arith.constant 8.000000e+00 : f32
      %sub3A_251 = vector.broadcast %sub3A_250 : f32 to vector<16xf32>
      %sub3A_252 = arith.subf %add3A_249, %sub3A_251 : vector<16xf32>
      %exp3A_253 = math.exp %sub3A_252 : vector<16xf32>
      %add3A_254 = arith.addf %add3A_248, %exp3A_253 : vector<16xf32>
      %mul3A_255 = arith.constant 3.000000e+00 : f32
      %mul3A_256 = vector.broadcast %mul3A_255 : f32 to vector<16xf32>
      %mul3A_257 = arith.mulf %mul3A_241, %mul3A_256 : vector<16xf32>
      %sub3A_258 = arith.constant 1.800000e+01 : f32
      %sub3A_259 = vector.broadcast %sub3A_258 : f32 to vector<16xf32>
      %sub3A_260 = arith.subf %mul3A_257, %sub3A_259 : vector<16xf32>
      %exp3A_261 = math.exp %sub3A_260 : vector<16xf32>
      %add3A_262 = arith.addf %add3A_254, %exp3A_261 : vector<16xf32>
      %bitcast_convert_type3A_263 = tpu.bitcast %add3A_262 : vector<16xf32> -> vector<16xi32>
      %shift_right_logical3A_264 = arith.constant 23 : i32
      %shift_right_logical3A_265 = vector.broadcast %shift_right_logical3A_264 : i32 to vector<16xi32>
      %shift_right_logical3A_266 = arith.shrui %bitcast_convert_type3A_263, %shift_right_logical3A_265 : vector<16xi32>
      %sub3A_267 = arith.constant 127 : i32
      %sub3A_268 = vector.broadcast %sub3A_267 : i32 to vector<16xi32>
      %sub3A_269 = arith.subi %shift_right_logical3A_266, %sub3A_268 : vector<16xi32>
      %and3A_270 = arith.constant 8388607 : i32
      %and3A_271 = vector.broadcast %and3A_270 : i32 to vector<16xi32>
      %and3A_272 = arith.andi %bitcast_convert_type3A_263, %and3A_271 : vector<16xi32>
      %or3A_273 = arith.constant 1065353216 : i32
      %or3A_274 = vector.broadcast %or3A_273 : i32 to vector<16xi32>
      %or3A_275 = arith.ori %and3A_272, %or3A_274 : vector<16xi32>
      %bitcast_convert_type3A_276 = tpu.bitcast %or3A_275 : vector<16xi32> -> vector<16xf32>
      %gt3A_277 = arith.constant 1.41421354 : f32
      %gt3A_278 = vector.broadcast %gt3A_277 : f32 to vector<16xf32>
      %gt3A_279 = arith.cmpf ogt, %bitcast_convert_type3A_276, %gt3A_278 : vector<16xf32>
      %mul3A_280 = arith.constant 5.000000e-01 : f32
      %mul3A_281 = vector.broadcast %mul3A_280 : f32 to vector<16xf32>
      %mul3A_282 = arith.mulf %bitcast_convert_type3A_276, %mul3A_281 : vector<16xf32>
      %select_n3A_283 = arith.select %gt3A_279, %mul3A_282, %bitcast_convert_type3A_276 : vector<16xi1>, vector<16xf32>
      %convert_element_type3A_284 = arith.sitofp %sub3A_269 : vector<16xi32> to vector<16xf32>
      %jit3A_285 = arith.constant 1.000000e+00 : f32
      %jit3A_286 = arith.constant 0.000000e+00 : f32
      %broadcast_in_dim3A_287 = vector.broadcast %jit3A_285 : f32 to vector<16xf32>
      %broadcast_in_dim3A_288 = vector.broadcast %jit3A_286 : f32 to vector<16xf32>
      %select_n3A_289 = arith.select %gt3A_279, %broadcast_in_dim3A_287, %broadcast_in_dim3A_288 : vector<16xi1>, vector<16xf32>
      %add3A_290 = arith.addf %convert_element_type3A_284, %select_n3A_289 : vector<16xf32>
      %sub3A_291 = arith.constant 1.000000e+00 : f32
      %sub3A_292 = vector.broadcast %sub3A_291 : f32 to vector<16xf32>
      %sub3A_293 = arith.subf %select_n3A_283, %sub3A_292 : vector<16xf32>
      %mul3A_294 = arith.constant 0.0703768358 : f32
      %mul3A_295 = vector.broadcast %mul3A_294 : f32 to vector<16xf32>
      %mul3A_296 = arith.mulf %mul3A_295, %sub3A_293 : vector<16xf32>
      %add3A_297 = arith.constant -0.115146101 : f32
      %add3A_298 = vector.broadcast %add3A_297 : f32 to vector<16xf32>
      %add3A_299 = arith.addf %mul3A_296, %add3A_298 : vector<16xf32>
      %mul3A_300 = arith.mulf %add3A_299, %sub3A_293 : vector<16xf32>
      %add3A_301 = arith.constant 0.116769984 : f32
      %add3A_302 = vector.broadcast %add3A_301 : f32 to vector<16xf32>
      %add3A_303 = arith.addf %mul3A_300, %add3A_302 : vector<16xf32>
      %mul3A_304 = arith.mulf %add3A_303, %sub3A_293 : vector<16xf32>
      %add3A_305 = arith.constant -0.12420141 : f32
      %add3A_306 = vector.broadcast %add3A_305 : f32 to vector<16xf32>
      %add3A_307 = arith.addf %mul3A_304, %add3A_306 : vector<16xf32>
      %mul3A_308 = arith.mulf %add3A_307, %sub3A_293 : vector<16xf32>
      %add3A_309 = arith.constant 0.142493233 : f32
      %add3A_310 = vector.broadcast %add3A_309 : f32 to vector<16xf32>
      %add3A_311 = arith.addf %mul3A_308, %add3A_310 : vector<16xf32>
      %mul3A_312 = arith.mulf %add3A_311, %sub3A_293 : vector<16xf32>
      %add3A_313 = arith.constant -0.166680574 : f32
      %add3A_314 = vector.broadcast %add3A_313 : f32 to vector<16xf32>
      %add3A_315 = arith.addf %mul3A_312, %add3A_314 : vector<16xf32>
      %mul3A_316 = arith.mulf %add3A_315, %sub3A_293 : vector<16xf32>
      %add3A_317 = arith.constant 0.200007141 : f32
      %add3A_318 = vector.broadcast %add3A_317 : f32 to vector<16xf32>
      %add3A_319 = arith.addf %mul3A_316, %add3A_318 : vector<16xf32>
      %mul3A_320 = arith.mulf %add3A_319, %sub3A_293 : vector<16xf32>
      %add3A_321 = arith.constant -0.24999994 : f32
      %add3A_322 = vector.broadcast %add3A_321 : f32 to vector<16xf32>
      %add3A_323 = arith.addf %mul3A_320, %add3A_322 : vector<16xf32>
      %mul3A_324 = arith.mulf %add3A_323, %sub3A_293 : vector<16xf32>
      %add3A_325 = arith.constant 0.333333313 : f32
      %add3A_326 = vector.broadcast %add3A_325 : f32 to vector<16xf32>
      %add3A_327 = arith.addf %mul3A_324, %add3A_326 : vector<16xf32>
      %mul3A_328 = arith.mulf %sub3A_293, %sub3A_293 : vector<16xf32>
      %mul3A_329 = arith.mulf %sub3A_293, %mul3A_328 : vector<16xf32>
      %mul3A_330 = arith.mulf %mul3A_329, %add3A_327 : vector<16xf32>
      %mul3A_331 = arith.constant 5.000000e-01 : f32
      %mul3A_332 = vector.broadcast %mul3A_331 : f32 to vector<16xf32>
      %mul3A_333 = arith.mulf %mul3A_332, %mul3A_328 : vector<16xf32>
      %sub3A_334 = arith.subf %mul3A_330, %mul3A_333 : vector<16xf32>
      %add3A_335 = arith.addf %sub3A_334, %sub3A_293 : vector<16xf32>
      %mul3A_336 = arith.constant 0.693147182 : f32
      %mul3A_337 = vector.broadcast %mul3A_336 : f32 to vector<16xf32>
      %mul3A_338 = arith.mulf %add3A_290, %mul3A_337 : vector<16xf32>
      %add3A_339 = arith.addf %add3A_335, %mul3A_338 : vector<16xf32>
      %mul3A_340 = arith.constant 2.000000e+00 : f32
      %mul3A_341 = vector.broadcast %mul3A_340 : f32 to vector<16xf32>
      %mul3A_342 = arith.mulf %mul3A_341, %get3A_234 : vector<16xf32>
      %mul3A_343 = arith.mulf %mul3A_342, %get3A_234 : vector<16xf32>
      %sub3A_344 = arith.subf %add3A_339, %mul3A_343 : vector<16xf32>
      %mul3A_345 = arith.constant 4.000000e+00 : f32
      %mul3A_346 = vector.broadcast %mul3A_345 : f32 to vector<16xf32>
      %mul3A_347 = arith.mulf %get3A_238, %mul3A_346 : vector<16xf32>
      %sub3A_348 = arith.constant 2.000000e+00 : f32
      %sub3A_349 = vector.broadcast %sub3A_348 : f32 to vector<16xf32>
      %sub3A_350 = arith.subf %mul3A_347, %sub3A_349 : vector<16xf32>
      %exp3A_351 = math.exp %sub3A_350 : vector<16xf32>
      %add3A_352 = arith.constant 1.000000e+00 : f32
      %add3A_353 = vector.broadcast %add3A_352 : f32 to vector<16xf32>
      %add3A_354 = arith.addf %add3A_353, %exp3A_351 : vector<16xf32>
      %add3A_355 = arith.addf %mul3A_347, %mul3A_347 : vector<16xf32>
      %sub3A_356 = arith.constant 8.000000e+00 : f32
      %sub3A_357 = vector.broadcast %sub3A_356 : f32 to vector<16xf32>
      %sub3A_358 = arith.subf %add3A_355, %sub3A_357 : vector<16xf32>
      %exp3A_359 = math.exp %sub3A_358 : vector<16xf32>
      %add3A_360 = arith.addf %add3A_354, %exp3A_359 : vector<16xf32>
      %mul3A_361 = arith.constant 3.000000e+00 : f32
      %mul3A_362 = vector.broadcast %mul3A_361 : f32 to vector<16xf32>
      %mul3A_363 = arith.mulf %mul3A_347, %mul3A_362 : vector<16xf32>
      %sub3A_364 = arith.constant 1.800000e+01 : f32
      %sub3A_365 = vector.broadcast %sub3A_364 : f32 to vector<16xf32>
      %sub3A_366 = arith.subf %mul3A_363, %sub3A_365 : vector<16xf32>
      %exp3A_367 = math.exp %sub3A_366 : vector<16xf32>
      %add3A_368 = arith.addf %add3A_360, %exp3A_367 : vector<16xf32>
      %bitcast_convert_type3A_369 = tpu.bitcast %add3A_368 : vector<16xf32> -> vector<16xi32>
      %shift_right_logical3A_370 = arith.constant 23 : i32
      %shift_right_logical3A_371 = vector.broadcast %shift_right_logical3A_370 : i32 to vector<16xi32>
      %shift_right_logical3A_372 = arith.shrui %bitcast_convert_type3A_369, %shift_right_logical3A_371 : vector<16xi32>
      %sub3A_373 = arith.constant 127 : i32
      %sub3A_374 = vector.broadcast %sub3A_373 : i32 to vector<16xi32>
      %sub3A_375 = arith.subi %shift_right_logical3A_372, %sub3A_374 : vector<16xi32>
      %and3A_376 = arith.constant 8388607 : i32
      %and3A_377 = vector.broadcast %and3A_376 : i32 to vector<16xi32>
      %and3A_378 = arith.andi %bitcast_convert_type3A_369, %and3A_377 : vector<16xi32>
      %or3A_379 = arith.constant 1065353216 : i32
      %or3A_380 = vector.broadcast %or3A_379 : i32 to vector<16xi32>
      %or3A_381 = arith.ori %and3A_378, %or3A_380 : vector<16xi32>
      %bitcast_convert_type3A_382 = tpu.bitcast %or3A_381 : vector<16xi32> -> vector<16xf32>
      %gt3A_383 = arith.constant 1.41421354 : f32
      %gt3A_384 = vector.broadcast %gt3A_383 : f32 to vector<16xf32>
      %gt3A_385 = arith.cmpf ogt, %bitcast_convert_type3A_382, %gt3A_384 : vector<16xf32>
      %mul3A_386 = arith.constant 5.000000e-01 : f32
      %mul3A_387 = vector.broadcast %mul3A_386 : f32 to vector<16xf32>
      %mul3A_388 = arith.mulf %bitcast_convert_type3A_382, %mul3A_387 : vector<16xf32>
      %select_n3A_389 = arith.select %gt3A_385, %mul3A_388, %bitcast_convert_type3A_382 : vector<16xi1>, vector<16xf32>
      %convert_element_type3A_390 = arith.sitofp %sub3A_375 : vector<16xi32> to vector<16xf32>
      %jit3A_391 = arith.constant 1.000000e+00 : f32
      %jit3A_392 = arith.constant 0.000000e+00 : f32
      %broadcast_in_dim3A_393 = vector.broadcast %jit3A_391 : f32 to vector<16xf32>
      %broadcast_in_dim3A_394 = vector.broadcast %jit3A_392 : f32 to vector<16xf32>
      %select_n3A_395 = arith.select %gt3A_385, %broadcast_in_dim3A_393, %broadcast_in_dim3A_394 : vector<16xi1>, vector<16xf32>
      %add3A_396 = arith.addf %convert_element_type3A_390, %select_n3A_395 : vector<16xf32>
      %sub3A_397 = arith.constant 1.000000e+00 : f32
      %sub3A_398 = vector.broadcast %sub3A_397 : f32 to vector<16xf32>
      %sub3A_399 = arith.subf %select_n3A_389, %sub3A_398 : vector<16xf32>
      %mul3A_400 = arith.constant 0.0703768358 : f32
      %mul3A_401 = vector.broadcast %mul3A_400 : f32 to vector<16xf32>
      %mul3A_402 = arith.mulf %mul3A_401, %sub3A_399 : vector<16xf32>
      %add3A_403 = arith.constant -0.115146101 : f32
      %add3A_404 = vector.broadcast %add3A_403 : f32 to vector<16xf32>
      %add3A_405 = arith.addf %mul3A_402, %add3A_404 : vector<16xf32>
      %mul3A_406 = arith.mulf %add3A_405, %sub3A_399 : vector<16xf32>
      %add3A_407 = arith.constant 0.116769984 : f32
      %add3A_408 = vector.broadcast %add3A_407 : f32 to vector<16xf32>
      %add3A_409 = arith.addf %mul3A_406, %add3A_408 : vector<16xf32>
      %mul3A_410 = arith.mulf %add3A_409, %sub3A_399 : vector<16xf32>
      %add3A_411 = arith.constant -0.12420141 : f32
      %add3A_412 = vector.broadcast %add3A_411 : f32 to vector<16xf32>
      %add3A_413 = arith.addf %mul3A_410, %add3A_412 : vector<16xf32>
      %mul3A_414 = arith.mulf %add3A_413, %sub3A_399 : vector<16xf32>
      %add3A_415 = arith.constant 0.142493233 : f32
      %add3A_416 = vector.broadcast %add3A_415 : f32 to vector<16xf32>
      %add3A_417 = arith.addf %mul3A_414, %add3A_416 : vector<16xf32>
      %mul3A_418 = arith.mulf %add3A_417, %sub3A_399 : vector<16xf32>
      %add3A_419 = arith.constant -0.166680574 : f32
      %add3A_420 = vector.broadcast %add3A_419 : f32 to vector<16xf32>
      %add3A_421 = arith.addf %mul3A_418, %add3A_420 : vector<16xf32>
      %mul3A_422 = arith.mulf %add3A_421, %sub3A_399 : vector<16xf32>
      %add3A_423 = arith.constant 0.200007141 : f32
      %add3A_424 = vector.broadcast %add3A_423 : f32 to vector<16xf32>
      %add3A_425 = arith.addf %mul3A_422, %add3A_424 : vector<16xf32>
      %mul3A_426 = arith.mulf %add3A_425, %sub3A_399 : vector<16xf32>
      %add3A_427 = arith.constant -0.24999994 : f32
      %add3A_428 = vector.broadcast %add3A_427 : f32 to vector<16xf32>
      %add3A_429 = arith.addf %mul3A_426, %add3A_428 : vector<16xf32>
      %mul3A_430 = arith.mulf %add3A_429, %sub3A_399 : vector<16xf32>
      %add3A_431 = arith.constant 0.333333313 : f32
      %add3A_432 = vector.broadcast %add3A_431 : f32 to vector<16xf32>
      %add3A_433 = arith.addf %mul3A_430, %add3A_432 : vector<16xf32>
      %mul3A_434 = arith.mulf %sub3A_399, %sub3A_399 : vector<16xf32>
      %mul3A_435 = arith.mulf %sub3A_399, %mul3A_434 : vector<16xf32>
      %mul3A_436 = arith.mulf %mul3A_435, %add3A_433 : vector<16xf32>
      %mul3A_437 = arith.constant 5.000000e-01 : f32
      %mul3A_438 = vector.broadcast %mul3A_437 : f32 to vector<16xf32>
      %mul3A_439 = arith.mulf %mul3A_438, %mul3A_434 : vector<16xf32>
      %sub3A_440 = arith.subf %mul3A_436, %mul3A_439 : vector<16xf32>
      %add3A_441 = arith.addf %sub3A_440, %sub3A_399 : vector<16xf32>
      %mul3A_442 = arith.constant 0.693147182 : f32
      %mul3A_443 = vector.broadcast %mul3A_442 : f32 to vector<16xf32>
      %mul3A_444 = arith.mulf %add3A_396, %mul3A_443 : vector<16xf32>
      %add3A_445 = arith.addf %add3A_441, %mul3A_444 : vector<16xf32>
      %mul3A_446 = arith.constant 2.000000e+00 : f32
      %mul3A_447 = vector.broadcast %mul3A_446 : f32 to vector<16xf32>
      %mul3A_448 = arith.mulf %mul3A_447, %get3A_238 : vector<16xf32>
      %mul3A_449 = arith.mulf %mul3A_448, %get3A_238 : vector<16xf32>
      %sub3A_450 = arith.subf %add3A_445, %mul3A_449 : vector<16xf32>
      %add3A_451 = arith.addf %sub3A_344, %sub3A_450 : vector<16xf32>
      %add3A_452 = arith.constant -3.2241714 : f32
      %add3A_453 = vector.broadcast %add3A_452 : f32 to vector<16xf32>
      %add3A_454 = arith.addf %add3A_451, %add3A_453 : vector<16xf32>
      %swap3A_455 = arith.index_cast %scan3A_14 : i32 to index
      %swap3A_456 = arith.constant 16 : index
      %swap3A_457 = tpu.vector_load %arg6[%swap3A_455, %swap3A_456] {strides = array<i32>} : memref<32x128xf32, #tpu.memory_space<vmem>>, vector<1x16xf32>,
      %swap3A_458 = vector.shape_cast %swap3A_457 : vector<1x16xf32> to vector<16xf32>
      %swap3A_459 = vector.shape_cast %add3A_454 : vector<16xf32> to vector<1x16xf32>
      tpu.vector_store %arg6[%swap3A_455, %swap3A_456], %swap3A_459 {strides = array<i32>} : memref<32x128xf32, #tpu.memory_space<vmem>>, vector<1x16xf32>,
      %get3A_460 = arith.index_cast %scan3A_14 : i32 to index
      %get3A_461 = arith.constant 32 : index
      %get3A_462 = tpu.vector_load %arg4[%get3A_460, %get3A_461] {strides = array<i32>} : memref<32x128xf32, #tpu.memory_space<vmem>>, vector<1x16xf32>,
      %get3A_463 = vector.shape_cast %get3A_462 : vector<1x16xf32> to vector<16xf32>
      %get3A_464 = arith.index_cast %scan3A_14 : i32 to index
      %get3A_465 = arith.constant 32 : index
      %get3A_466 = tpu.vector_load %arg5[%get3A_464, %get3A_465] {strides = array<i32>} : memref<32x128xf32, #tpu.memory_space<vmem>>, vector<1x16xf32>,
      %get3A_467 = vector.shape_cast %get3A_466 : vector<1x16xf32> to vector<16xf32>
      %mul3A_468 = arith.constant 4.000000e+00 : f32
      %mul3A_469 = vector.broadcast %mul3A_468 : f32 to vector<16xf32>
      %mul3A_470 = arith.mulf %get3A_463, %mul3A_469 : vector<16xf32>
      %sub3A_471 = arith.constant 2.000000e+00 : f32
      %sub3A_472 = vector.broadcast %sub3A_471 : f32 to vector<16xf32>
      %sub3A_473 = arith.subf %mul3A_470, %sub3A_472 : vector<16xf32>
      %exp3A_474 = math.exp %sub3A_473 : vector<16xf32>
      %add3A_475 = arith.constant 1.000000e+00 : f32
      %add3A_476 = vector.broadcast %add3A_475 : f32 to vector<16xf32>
      %add3A_477 = arith.addf %add3A_476, %exp3A_474 : vector<16xf32>
      %add3A_478 = arith.addf %mul3A_470, %mul3A_470 : vector<16xf32>
      %sub3A_479 = arith.constant 8.000000e+00 : f32
      %sub3A_480 = vector.broadcast %sub3A_479 : f32 to vector<16xf32>
      %sub3A_481 = arith.subf %add3A_478, %sub3A_480 : vector<16xf32>
      %exp3A_482 = math.exp %sub3A_481 : vector<16xf32>
      %add3A_483 = arith.addf %add3A_477, %exp3A_482 : vector<16xf32>
      %mul3A_484 = arith.constant 3.000000e+00 : f32
      %mul3A_485 = vector.broadcast %mul3A_484 : f32 to vector<16xf32>
      %mul3A_486 = arith.mulf %mul3A_470, %mul3A_485 : vector<16xf32>
      %sub3A_487 = arith.constant 1.800000e+01 : f32
      %sub3A_488 = vector.broadcast %sub3A_487 : f32 to vector<16xf32>
      %sub3A_489 = arith.subf %mul3A_486, %sub3A_488 : vector<16xf32>
      %exp3A_490 = math.exp %sub3A_489 : vector<16xf32>
      %add3A_491 = arith.addf %add3A_483, %exp3A_490 : vector<16xf32>
      %bitcast_convert_type3A_492 = tpu.bitcast %add3A_491 : vector<16xf32> -> vector<16xi32>
      %shift_right_logical3A_493 = arith.constant 23 : i32
      %shift_right_logical3A_494 = vector.broadcast %shift_right_logical3A_493 : i32 to vector<16xi32>
      %shift_right_logical3A_495 = arith.shrui %bitcast_convert_type3A_492, %shift_right_logical3A_494 : vector<16xi32>
      %sub3A_496 = arith.constant 127 : i32
      %sub3A_497 = vector.broadcast %sub3A_496 : i32 to vector<16xi32>
      %sub3A_498 = arith.subi %shift_right_logical3A_495, %sub3A_497 : vector<16xi32>
      %and3A_499 = arith.constant 8388607 : i32
      %and3A_500 = vector.broadcast %and3A_499 : i32 to vector<16xi32>
      %and3A_501 = arith.andi %bitcast_convert_type3A_492, %and3A_500 : vector<16xi32>
      %or3A_502 = arith.constant 1065353216 : i32
      %or3A_503 = vector.broadcast %or3A_502 : i32 to vector<16xi32>
      %or3A_504 = arith.ori %and3A_501, %or3A_503 : vector<16xi32>
      %bitcast_convert_type3A_505 = tpu.bitcast %or3A_504 : vector<16xi32> -> vector<16xf32>
      %gt3A_506 = arith.constant 1.41421354 : f32
      %gt3A_507 = vector.broadcast %gt3A_506 : f32 to vector<16xf32>
      %gt3A_508 = arith.cmpf ogt, %bitcast_convert_type3A_505, %gt3A_507 : vector<16xf32>
      %mul3A_509 = arith.constant 5.000000e-01 : f32
      %mul3A_510 = vector.broadcast %mul3A_509 : f32 to vector<16xf32>
      %mul3A_511 = arith.mulf %bitcast_convert_type3A_505, %mul3A_510 : vector<16xf32>
      %select_n3A_512 = arith.select %gt3A_508, %mul3A_511, %bitcast_convert_type3A_505 : vector<16xi1>, vector<16xf32>
      %convert_element_type3A_513 = arith.sitofp %sub3A_498 : vector<16xi32> to vector<16xf32>
      %jit3A_514 = arith.constant 1.000000e+00 : f32
      %jit3A_515 = arith.constant 0.000000e+00 : f32
      %broadcast_in_dim3A_516 = vector.broadcast %jit3A_514 : f32 to vector<16xf32>
      %broadcast_in_dim3A_517 = vector.broadcast %jit3A_515 : f32 to vector<16xf32>
      %select_n3A_518 = arith.select %gt3A_508, %broadcast_in_dim3A_516, %broadcast_in_dim3A_517 : vector<16xi1>, vector<16xf32>
      %add3A_519 = arith.addf %convert_element_type3A_513, %select_n3A_518 : vector<16xf32>
      %sub3A_520 = arith.constant 1.000000e+00 : f32
      %sub3A_521 = vector.broadcast %sub3A_520 : f32 to vector<16xf32>
      %sub3A_522 = arith.subf %select_n3A_512, %sub3A_521 : vector<16xf32>
      %mul3A_523 = arith.constant 0.0703768358 : f32
      %mul3A_524 = vector.broadcast %mul3A_523 : f32 to vector<16xf32>
      %mul3A_525 = arith.mulf %mul3A_524, %sub3A_522 : vector<16xf32>
      %add3A_526 = arith.constant -0.115146101 : f32
      %add3A_527 = vector.broadcast %add3A_526 : f32 to vector<16xf32>
      %add3A_528 = arith.addf %mul3A_525, %add3A_527 : vector<16xf32>
      %mul3A_529 = arith.mulf %add3A_528, %sub3A_522 : vector<16xf32>
      %add3A_530 = arith.constant 0.116769984 : f32
      %add3A_531 = vector.broadcast %add3A_530 : f32 to vector<16xf32>
      %add3A_532 = arith.addf %mul3A_529, %add3A_531 : vector<16xf32>
      %mul3A_533 = arith.mulf %add3A_532, %sub3A_522 : vector<16xf32>
      %add3A_534 = arith.constant -0.12420141 : f32
      %add3A_535 = vector.broadcast %add3A_534 : f32 to vector<16xf32>
      %add3A_536 = arith.addf %mul3A_533, %add3A_535 : vector<16xf32>
      %mul3A_537 = arith.mulf %add3A_536, %sub3A_522 : vector<16xf32>
      %add3A_538 = arith.constant 0.142493233 : f32
      %add3A_539 = vector.broadcast %add3A_538 : f32 to vector<16xf32>
      %add3A_540 = arith.addf %mul3A_537, %add3A_539 : vector<16xf32>
      %mul3A_541 = arith.mulf %add3A_540, %sub3A_522 : vector<16xf32>
      %add3A_542 = arith.constant -0.166680574 : f32
      %add3A_543 = vector.broadcast %add3A_542 : f32 to vector<16xf32>
      %add3A_544 = arith.addf %mul3A_541, %add3A_543 : vector<16xf32>
      %mul3A_545 = arith.mulf %add3A_544, %sub3A_522 : vector<16xf32>
      %add3A_546 = arith.constant 0.200007141 : f32
      %add3A_547 = vector.broadcast %add3A_546 : f32 to vector<16xf32>
      %add3A_548 = arith.addf %mul3A_545, %add3A_547 : vector<16xf32>
      %mul3A_549 = arith.mulf %add3A_548, %sub3A_522 : vector<16xf32>
      %add3A_550 = arith.constant -0.24999994 : f32
      %add3A_551 = vector.broadcast %add3A_550 : f32 to vector<16xf32>
      %add3A_552 = arith.addf %mul3A_549, %add3A_551 : vector<16xf32>
      %mul3A_553 = arith.mulf %add3A_552, %sub3A_522 : vector<16xf32>
      %add3A_554 = arith.constant 0.333333313 : f32
      %add3A_555 = vector.broadcast %add3A_554 : f32 to vector<16xf32>
      %add3A_556 = arith.addf %mul3A_553, %add3A_555 : vector<16xf32>
      %mul3A_557 = arith.mulf %sub3A_522, %sub3A_522 : vector<16xf32>
      %mul3A_558 = arith.mulf %sub3A_522, %mul3A_557 : vector<16xf32>
      %mul3A_559 = arith.mulf %mul3A_558, %add3A_556 : vector<16xf32>
      %mul3A_560 = arith.constant 5.000000e-01 : f32
      %mul3A_561 = vector.broadcast %mul3A_560 : f32 to vector<16xf32>
      %mul3A_562 = arith.mulf %mul3A_561, %mul3A_557 : vector<16xf32>
      %sub3A_563 = arith.subf %mul3A_559, %mul3A_562 : vector<16xf32>
      %add3A_564 = arith.addf %sub3A_563, %sub3A_522 : vector<16xf32>
      %mul3A_565 = arith.constant 0.693147182 : f32
      %mul3A_566 = vector.broadcast %mul3A_565 : f32 to vector<16xf32>
      %mul3A_567 = arith.mulf %add3A_519, %mul3A_566 : vector<16xf32>
      %add3A_568 = arith.addf %add3A_564, %mul3A_567 : vector<16xf32>
      %mul3A_569 = arith.constant 2.000000e+00 : f32
      %mul3A_570 = vector.broadcast %mul3A_569 : f32 to vector<16xf32>
      %mul3A_571 = arith.mulf %mul3A_570, %get3A_463 : vector<16xf32>
      %mul3A_572 = arith.mulf %mul3A_571, %get3A_463 : vector<16xf32>
      %sub3A_573 = arith.subf %add3A_568, %mul3A_572 : vector<16xf32>
      %mul3A_574 = arith.constant 4.000000e+00 : f32
      %mul3A_575 = vector.broadcast %mul3A_574 : f32 to vector<16xf32>
      %mul3A_576 = arith.mulf %get3A_467, %mul3A_575 : vector<16xf32>
      %sub3A_577 = arith.constant 2.000000e+00 : f32
      %sub3A_578 = vector.broadcast %sub3A_577 : f32 to vector<16xf32>
      %sub3A_579 = arith.subf %mul3A_576, %sub3A_578 : vector<16xf32>
      %exp3A_580 = math.exp %sub3A_579 : vector<16xf32>
      %add3A_581 = arith.constant 1.000000e+00 : f32
      %add3A_582 = vector.broadcast %add3A_581 : f32 to vector<16xf32>
      %add3A_583 = arith.addf %add3A_582, %exp3A_580 : vector<16xf32>
      %add3A_584 = arith.addf %mul3A_576, %mul3A_576 : vector<16xf32>
      %sub3A_585 = arith.constant 8.000000e+00 : f32
      %sub3A_586 = vector.broadcast %sub3A_585 : f32 to vector<16xf32>
      %sub3A_587 = arith.subf %add3A_584, %sub3A_586 : vector<16xf32>
      %exp3A_588 = math.exp %sub3A_587 : vector<16xf32>
      %add3A_589 = arith.addf %add3A_583, %exp3A_588 : vector<16xf32>
      %mul3A_590 = arith.constant 3.000000e+00 : f32
      %mul3A_591 = vector.broadcast %mul3A_590 : f32 to vector<16xf32>
      %mul3A_592 = arith.mulf %mul3A_576, %mul3A_591 : vector<16xf32>
      %sub3A_593 = arith.constant 1.800000e+01 : f32
      %sub3A_594 = vector.broadcast %sub3A_593 : f32 to vector<16xf32>
      %sub3A_595 = arith.subf %mul3A_592, %sub3A_594 : vector<16xf32>
      %exp3A_596 = math.exp %sub3A_595 : vector<16xf32>
      %add3A_597 = arith.addf %add3A_589, %exp3A_596 : vector<16xf32>
      %bitcast_convert_type3A_598 = tpu.bitcast %add3A_597 : vector<16xf32> -> vector<16xi32>
      %shift_right_logical3A_599 = arith.constant 23 : i32
      %shift_right_logical3A_600 = vector.broadcast %shift_right_logical3A_599 : i32 to vector<16xi32>
      %shift_right_logical3A_601 = arith.shrui %bitcast_convert_type3A_598, %shift_right_logical3A_600 : vector<16xi32>
      %sub3A_602 = arith.constant 127 : i32
      %sub3A_603 = vector.broadcast %sub3A_602 : i32 to vector<16xi32>
      %sub3A_604 = arith.subi %shift_right_logical3A_601, %sub3A_603 : vector<16xi32>
      %and3A_605 = arith.constant 8388607 : i32
      %and3A_606 = vector.broadcast %and3A_605 : i32 to vector<16xi32>
      %and3A_607 = arith.andi %bitcast_convert_type3A_598, %and3A_606 : vector<16xi32>
      %or3A_608 = arith.constant 1065353216 : i32
      %or3A_609 = vector.broadcast %or3A_608 : i32 to vector<16xi32>
      %or3A_610 = arith.ori %and3A_607, %or3A_609 : vector<16xi32>
      %bitcast_convert_type3A_611 = tpu.bitcast %or3A_610 : vector<16xi32> -> vector<16xf32>
      %gt3A_612 = arith.constant 1.41421354 : f32
      %gt3A_613 = vector.broadcast %gt3A_612 : f32 to vector<16xf32>
      %gt3A_614 = arith.cmpf ogt, %bitcast_convert_type3A_611, %gt3A_613 : vector<16xf32>
      %mul3A_615 = arith.constant 5.000000e-01 : f32
      %mul3A_616 = vector.broadcast %mul3A_615 : f32 to vector<16xf32>
      %mul3A_617 = arith.mulf %bitcast_convert_type3A_611, %mul3A_616 : vector<16xf32>
      %select_n3A_618 = arith.select %gt3A_614, %mul3A_617, %bitcast_convert_type3A_611 : vector<16xi1>, vector<16xf32>
      %convert_element_type3A_619 = arith.sitofp %sub3A_604 : vector<16xi32> to vector<16xf32>
      %jit3A_620 = arith.constant 1.000000e+00 : f32
      %jit3A_621 = arith.constant 0.000000e+00 : f32
      %broadcast_in_dim3A_622 = vector.broadcast %jit3A_620 : f32 to vector<16xf32>
      %broadcast_in_dim3A_623 = vector.broadcast %jit3A_621 : f32 to vector<16xf32>
      %select_n3A_624 = arith.select %gt3A_614, %broadcast_in_dim3A_622, %broadcast_in_dim3A_623 : vector<16xi1>, vector<16xf32>
      %add3A_625 = arith.addf %convert_element_type3A_619, %select_n3A_624 : vector<16xf32>
      %sub3A_626 = arith.constant 1.000000e+00 : f32
      %sub3A_627 = vector.broadcast %sub3A_626 : f32 to vector<16xf32>
      %sub3A_628 = arith.subf %select_n3A_618, %sub3A_627 : vector<16xf32>
      %mul3A_629 = arith.constant 0.0703768358 : f32
      %mul3A_630 = vector.broadcast %mul3A_629 : f32 to vector<16xf32>
      %mul3A_631 = arith.mulf %mul3A_630, %sub3A_628 : vector<16xf32>
      %add3A_632 = arith.constant -0.115146101 : f32
      %add3A_633 = vector.broadcast %add3A_632 : f32 to vector<16xf32>
      %add3A_634 = arith.addf %mul3A_631, %add3A_633 : vector<16xf32>
      %mul3A_635 = arith.mulf %add3A_634, %sub3A_628 : vector<16xf32>
      %add3A_636 = arith.constant 0.116769984 : f32
      %add3A_637 = vector.broadcast %add3A_636 : f32 to vector<16xf32>
      %add3A_638 = arith.addf %mul3A_635, %add3A_637 : vector<16xf32>
      %mul3A_639 = arith.mulf %add3A_638, %sub3A_628 : vector<16xf32>
      %add3A_640 = arith.constant -0.12420141 : f32
      %add3A_641 = vector.broadcast %add3A_640 : f32 to vector<16xf32>
      %add3A_642 = arith.addf %mul3A_639, %add3A_641 : vector<16xf32>
      %mul3A_643 = arith.mulf %add3A_642, %sub3A_628 : vector<16xf32>
      %add3A_644 = arith.constant 0.142493233 : f32
      %add3A_645 = vector.broadcast %add3A_644 : f32 to vector<16xf32>
      %add3A_646 = arith.addf %mul3A_643, %add3A_645 : vector<16xf32>
      %mul3A_647 = arith.mulf %add3A_646, %sub3A_628 : vector<16xf32>
      %add3A_648 = arith.constant -0.166680574 : f32
      %add3A_649 = vector.broadcast %add3A_648 : f32 to vector<16xf32>
      %add3A_650 = arith.addf %mul3A_647, %add3A_649 : vector<16xf32>
      %mul3A_651 = arith.mulf %add3A_650, %sub3A_628 : vector<16xf32>
      %add3A_652 = arith.constant 0.200007141 : f32
      %add3A_653 = vector.broadcast %add3A_652 : f32 to vector<16xf32>
      %add3A_654 = arith.addf %mul3A_651, %add3A_653 : vector<16xf32>
      %mul3A_655 = arith.mulf %add3A_654, %sub3A_628 : vector<16xf32>
      %add3A_656 = arith.constant -0.24999994 : f32
      %add3A_657 = vector.broadcast %add3A_656 : f32 to vector<16xf32>
      %add3A_658 = arith.addf %mul3A_655, %add3A_657 : vector<16xf32>
      %mul3A_659 = arith.mulf %add3A_658, %sub3A_628 : vector<16xf32>
      %add3A_660 = arith.constant 0.333333313 : f32
      %add3A_661 = vector.broadcast %add3A_660 : f32 to vector<16xf32>
      %add3A_662 = arith.addf %mul3A_659, %add3A_661 : vector<16xf32>
      %mul3A_663 = arith.mulf %sub3A_628, %sub3A_628 : vector<16xf32>
      %mul3A_664 = arith.mulf %sub3A_628, %mul3A_663 : vector<16xf32>
      %mul3A_665 = arith.mulf %mul3A_664, %add3A_662 : vector<16xf32>
      %mul3A_666 = arith.constant 5.000000e-01 : f32
      %mul3A_667 = vector.broadcast %mul3A_666 : f32 to vector<16xf32>
      %mul3A_668 = arith.mulf %mul3A_667, %mul3A_663 : vector<16xf32>
      %sub3A_669 = arith.subf %mul3A_665, %mul3A_668 : vector<16xf32>
      %add3A_670 = arith.addf %sub3A_669, %sub3A_628 : vector<16xf32>
      %mul3A_671 = arith.constant 0.693147182 : f32
      %mul3A_672 = vector.broadcast %mul3A_671 : f32 to vector<16xf32>
      %mul3A_673 = arith.mulf %add3A_625, %mul3A_672 : vector<16xf32>
      %add3A_674 = arith.addf %add3A_670, %mul3A_673 : vector<16xf32>
      %mul3A_675 = arith.constant 2.000000e+00 : f32
      %mul3A_676 = vector.broadcast %mul3A_675 : f32 to vector<16xf32>
      %mul3A_677 = arith.mulf %mul3A_676, %get3A_467 : vector<16xf32>
      %mul3A_678 = arith.mulf %mul3A_677, %get3A_467 : vector<16xf32>
      %sub3A_679 = arith.subf %add3A_674, %mul3A_678 : vector<16xf32>
      %add3A_680 = arith.addf %sub3A_573, %sub3A_679 : vector<16xf32>
      %add3A_681 = arith.constant -3.2241714 : f32
      %add3A_682 = vector.broadcast %add3A_681 : f32 to vector<16xf32>
      %add3A_683 = arith.addf %add3A_680, %add3A_682 : vector<16xf32>
      %swap3A_684 = arith.index_cast %scan3A_14 : i32 to index
      %swap3A_685 = arith.constant 32 : index
      %swap3A_686 = tpu.vector_load %arg6[%swap3A_684, %swap3A_685] {strides = array<i32>} : memref<32x128xf32, #tpu.memory_space<vmem>>, vector<1x16xf32>,
      %swap3A_687 = vector.shape_cast %swap3A_686 : vector<1x16xf32> to vector<16xf32>
      %swap3A_688 = vector.shape_cast %add3A_683 : vector<16xf32> to vector<1x16xf32>
      tpu.vector_store %arg6[%swap3A_684, %swap3A_685], %swap3A_688 {strides = array<i32>} : memref<32x128xf32, #tpu.memory_space<vmem>>, vector<1x16xf32>,
      %get3A_689 = arith.index_cast %scan3A_14 : i32 to index
      %get3A_690 = arith.constant 48 : index
      %get3A_691 = tpu.vector_load %arg4[%get3A_689, %get3A_690] {strides = array<i32>} : memref<32x128xf32, #tpu.memory_space<vmem>>, vector<1x16xf32>,
      %get3A_692 = vector.shape_cast %get3A_691 : vector<1x16xf32> to vector<16xf32>
      %get3A_693 = arith.index_cast %scan3A_14 : i32 to index
      %get3A_694 = arith.constant 48 : index
      %get3A_695 = tpu.vector_load %arg5[%get3A_693, %get3A_694] {strides = array<i32>} : memref<32x128xf32, #tpu.memory_space<vmem>>, vector<1x16xf32>,
      %get3A_696 = vector.shape_cast %get3A_695 : vector<1x16xf32> to vector<16xf32>
      %mul3A_697 = arith.constant 4.000000e+00 : f32
      %mul3A_698 = vector.broadcast %mul3A_697 : f32 to vector<16xf32>
      %mul3A_699 = arith.mulf %get3A_692, %mul3A_698 : vector<16xf32>
      %sub3A_700 = arith.constant 2.000000e+00 : f32
      %sub3A_701 = vector.broadcast %sub3A_700 : f32 to vector<16xf32>
      %sub3A_702 = arith.subf %mul3A_699, %sub3A_701 : vector<16xf32>
      %exp3A_703 = math.exp %sub3A_702 : vector<16xf32>
      %add3A_704 = arith.constant 1.000000e+00 : f32
      %add3A_705 = vector.broadcast %add3A_704 : f32 to vector<16xf32>
      %add3A_706 = arith.addf %add3A_705, %exp3A_703 : vector<16xf32>
      %add3A_707 = arith.addf %mul3A_699, %mul3A_699 : vector<16xf32>
      %sub3A_708 = arith.constant 8.000000e+00 : f32
      %sub3A_709 = vector.broadcast %sub3A_708 : f32 to vector<16xf32>
      %sub3A_710 = arith.subf %add3A_707, %sub3A_709 : vector<16xf32>
      %exp3A_711 = math.exp %sub3A_710 : vector<16xf32>
      %add3A_712 = arith.addf %add3A_706, %exp3A_711 : vector<16xf32>
      %mul3A_713 = arith.constant 3.000000e+00 : f32
      %mul3A_714 = vector.broadcast %mul3A_713 : f32 to vector<16xf32>
      %mul3A_715 = arith.mulf %mul3A_699, %mul3A_714 : vector<16xf32>
      %sub3A_716 = arith.constant 1.800000e+01 : f32
      %sub3A_717 = vector.broadcast %sub3A_716 : f32 to vector<16xf32>
      %sub3A_718 = arith.subf %mul3A_715, %sub3A_717 : vector<16xf32>
      %exp3A_719 = math.exp %sub3A_718 : vector<16xf32>
      %add3A_720 = arith.addf %add3A_712, %exp3A_719 : vector<16xf32>
      %bitcast_convert_type3A_721 = tpu.bitcast %add3A_720 : vector<16xf32> -> vector<16xi32>
      %shift_right_logical3A_722 = arith.constant 23 : i32
      %shift_right_logical3A_723 = vector.broadcast %shift_right_logical3A_722 : i32 to vector<16xi32>
      %shift_right_logical3A_724 = arith.shrui %bitcast_convert_type3A_721, %shift_right_logical3A_723 : vector<16xi32>
      %sub3A_725 = arith.constant 127 : i32
      %sub3A_726 = vector.broadcast %sub3A_725 : i32 to vector<16xi32>
      %sub3A_727 = arith.subi %shift_right_logical3A_724, %sub3A_726 : vector<16xi32>
      %and3A_728 = arith.constant 8388607 : i32
      %and3A_729 = vector.broadcast %and3A_728 : i32 to vector<16xi32>
      %and3A_730 = arith.andi %bitcast_convert_type3A_721, %and3A_729 : vector<16xi32>
      %or3A_731 = arith.constant 1065353216 : i32
      %or3A_732 = vector.broadcast %or3A_731 : i32 to vector<16xi32>
      %or3A_733 = arith.ori %and3A_730, %or3A_732 : vector<16xi32>
      %bitcast_convert_type3A_734 = tpu.bitcast %or3A_733 : vector<16xi32> -> vector<16xf32>
      %gt3A_735 = arith.constant 1.41421354 : f32
      %gt3A_736 = vector.broadcast %gt3A_735 : f32 to vector<16xf32>
      %gt3A_737 = arith.cmpf ogt, %bitcast_convert_type3A_734, %gt3A_736 : vector<16xf32>
      %mul3A_738 = arith.constant 5.000000e-01 : f32
      %mul3A_739 = vector.broadcast %mul3A_738 : f32 to vector<16xf32>
      %mul3A_740 = arith.mulf %bitcast_convert_type3A_734, %mul3A_739 : vector<16xf32>
      %select_n3A_741 = arith.select %gt3A_737, %mul3A_740, %bitcast_convert_type3A_734 : vector<16xi1>, vector<16xf32>
      %convert_element_type3A_742 = arith.sitofp %sub3A_727 : vector<16xi32> to vector<16xf32>
      %jit3A_743 = arith.constant 1.000000e+00 : f32
      %jit3A_744 = arith.constant 0.000000e+00 : f32
      %broadcast_in_dim3A_745 = vector.broadcast %jit3A_743 : f32 to vector<16xf32>
      %broadcast_in_dim3A_746 = vector.broadcast %jit3A_744 : f32 to vector<16xf32>
      %select_n3A_747 = arith.select %gt3A_737, %broadcast_in_dim3A_745, %broadcast_in_dim3A_746 : vector<16xi1>, vector<16xf32>
      %add3A_748 = arith.addf %convert_element_type3A_742, %select_n3A_747 : vector<16xf32>
      %sub3A_749 = arith.constant 1.000000e+00 : f32
      %sub3A_750 = vector.broadcast %sub3A_749 : f32 to vector<16xf32>
      %sub3A_751 = arith.subf %select_n3A_741, %sub3A_750 : vector<16xf32>
      %mul3A_752 = arith.constant 0.0703768358 : f32
      %mul3A_753 = vector.broadcast %mul3A_752 : f32 to vector<16xf32>
      %mul3A_754 = arith.mulf %mul3A_753, %sub3A_751 : vector<16xf32>
      %add3A_755 = arith.constant -0.115146101 : f32
      %add3A_756 = vector.broadcast %add3A_755 : f32 to vector<16xf32>
      %add3A_757 = arith.addf %mul3A_754, %add3A_756 : vector<16xf32>
      %mul3A_758 = arith.mulf %add3A_757, %sub3A_751 : vector<16xf32>
      %add3A_759 = arith.constant 0.116769984 : f32
      %add3A_760 = vector.broadcast %add3A_759 : f32 to vector<16xf32>
      %add3A_761 = arith.addf %mul3A_758, %add3A_760 : vector<16xf32>
      %mul3A_762 = arith.mulf %add3A_761, %sub3A_751 : vector<16xf32>
      %add3A_763 = arith.constant -0.12420141 : f32
      %add3A_764 = vector.broadcast %add3A_763 : f32 to vector<16xf32>
      %add3A_765 = arith.addf %mul3A_762, %add3A_764 : vector<16xf32>
      %mul3A_766 = arith.mulf %add3A_765, %sub3A_751 : vector<16xf32>
      %add3A_767 = arith.constant 0.142493233 : f32
      %add3A_768 = vector.broadcast %add3A_767 : f32 to vector<16xf32>
      %add3A_769 = arith.addf %mul3A_766, %add3A_768 : vector<16xf32>
      %mul3A_770 = arith.mulf %add3A_769, %sub3A_751 : vector<16xf32>
      %add3A_771 = arith.constant -0.166680574 : f32
      %add3A_772 = vector.broadcast %add3A_771 : f32 to vector<16xf32>
      %add3A_773 = arith.addf %mul3A_770, %add3A_772 : vector<16xf32>
      %mul3A_774 = arith.mulf %add3A_773, %sub3A_751 : vector<16xf32>
      %add3A_775 = arith.constant 0.200007141 : f32
      %add3A_776 = vector.broadcast %add3A_775 : f32 to vector<16xf32>
      %add3A_777 = arith.addf %mul3A_774, %add3A_776 : vector<16xf32>
      %mul3A_778 = arith.mulf %add3A_777, %sub3A_751 : vector<16xf32>
      %add3A_779 = arith.constant -0.24999994 : f32
      %add3A_780 = vector.broadcast %add3A_779 : f32 to vector<16xf32>
      %add3A_781 = arith.addf %mul3A_778, %add3A_780 : vector<16xf32>
      %mul3A_782 = arith.mulf %add3A_781, %sub3A_751 : vector<16xf32>
      %add3A_783 = arith.constant 0.333333313 : f32
      %add3A_784 = vector.broadcast %add3A_783 : f32 to vector<16xf32>
      %add3A_785 = arith.addf %mul3A_782, %add3A_784 : vector<16xf32>
      %mul3A_786 = arith.mulf %sub3A_751, %sub3A_751 : vector<16xf32>
      %mul3A_787 = arith.mulf %sub3A_751, %mul3A_786 : vector<16xf32>
      %mul3A_788 = arith.mulf %mul3A_787, %add3A_785 : vector<16xf32>
      %mul3A_789 = arith.constant 5.000000e-01 : f32
      %mul3A_790 = vector.broadcast %mul3A_789 : f32 to vector<16xf32>
      %mul3A_791 = arith.mulf %mul3A_790, %mul3A_786 : vector<16xf32>
      %sub3A_792 = arith.subf %mul3A_788, %mul3A_791 : vector<16xf32>
      %add3A_793 = arith.addf %sub3A_792, %sub3A_751 : vector<16xf32>
      %mul3A_794 = arith.constant 0.693147182 : f32
      %mul3A_795 = vector.broadcast %mul3A_794 : f32 to vector<16xf32>
      %mul3A_796 = arith.mulf %add3A_748, %mul3A_795 : vector<16xf32>
      %add3A_797 = arith.addf %add3A_793, %mul3A_796 : vector<16xf32>
      %mul3A_798 = arith.constant 2.000000e+00 : f32
      %mul3A_799 = vector.broadcast %mul3A_798 : f32 to vector<16xf32>
      %mul3A_800 = arith.mulf %mul3A_799, %get3A_692 : vector<16xf32>
      %mul3A_801 = arith.mulf %mul3A_800, %get3A_692 : vector<16xf32>
      %sub3A_802 = arith.subf %add3A_797, %mul3A_801 : vector<16xf32>
      %mul3A_803 = arith.constant 4.000000e+00 : f32
      %mul3A_804 = vector.broadcast %mul3A_803 : f32 to vector<16xf32>
      %mul3A_805 = arith.mulf %get3A_696, %mul3A_804 : vector<16xf32>
      %sub3A_806 = arith.constant 2.000000e+00 : f32
      %sub3A_807 = vector.broadcast %sub3A_806 : f32 to vector<16xf32>
      %sub3A_808 = arith.subf %mul3A_805, %sub3A_807 : vector<16xf32>
      %exp3A_809 = math.exp %sub3A_808 : vector<16xf32>
      %add3A_810 = arith.constant 1.000000e+00 : f32
      %add3A_811 = vector.broadcast %add3A_810 : f32 to vector<16xf32>
      %add3A_812 = arith.addf %add3A_811, %exp3A_809 : vector<16xf32>
      %add3A_813 = arith.addf %mul3A_805, %mul3A_805 : vector<16xf32>
      %sub3A_814 = arith.constant 8.000000e+00 : f32
      %sub3A_815 = vector.broadcast %sub3A_814 : f32 to vector<16xf32>
      %sub3A_816 = arith.subf %add3A_813, %sub3A_815 : vector<16xf32>
      %exp3A_817 = math.exp %sub3A_816 : vector<16xf32>
      %add3A_818 = arith.addf %add3A_812, %exp3A_817 : vector<16xf32>
      %mul3A_819 = arith.constant 3.000000e+00 : f32
      %mul3A_820 = vector.broadcast %mul3A_819 : f32 to vector<16xf32>
      %mul3A_821 = arith.mulf %mul3A_805, %mul3A_820 : vector<16xf32>
      %sub3A_822 = arith.constant 1.800000e+01 : f32
      %sub3A_823 = vector.broadcast %sub3A_822 : f32 to vector<16xf32>
      %sub3A_824 = arith.subf %mul3A_821, %sub3A_823 : vector<16xf32>
      %exp3A_825 = math.exp %sub3A_824 : vector<16xf32>
      %add3A_826 = arith.addf %add3A_818, %exp3A_825 : vector<16xf32>
      %bitcast_convert_type3A_827 = tpu.bitcast %add3A_826 : vector<16xf32> -> vector<16xi32>
      %shift_right_logical3A_828 = arith.constant 23 : i32
      %shift_right_logical3A_829 = vector.broadcast %shift_right_logical3A_828 : i32 to vector<16xi32>
      %shift_right_logical3A_830 = arith.shrui %bitcast_convert_type3A_827, %shift_right_logical3A_829 : vector<16xi32>
      %sub3A_831 = arith.constant 127 : i32
      %sub3A_832 = vector.broadcast %sub3A_831 : i32 to vector<16xi32>
      %sub3A_833 = arith.subi %shift_right_logical3A_830, %sub3A_832 : vector<16xi32>
      %and3A_834 = arith.constant 8388607 : i32
      %and3A_835 = vector.broadcast %and3A_834 : i32 to vector<16xi32>
      %and3A_836 = arith.andi %bitcast_convert_type3A_827, %and3A_835 : vector<16xi32>
      %or3A_837 = arith.constant 1065353216 : i32
      %or3A_838 = vector.broadcast %or3A_837 : i32 to vector<16xi32>
      %or3A_839 = arith.ori %and3A_836, %or3A_838 : vector<16xi32>
      %bitcast_convert_type3A_840 = tpu.bitcast %or3A_839 : vector<16xi32> -> vector<16xf32>
      %gt3A_841 = arith.constant 1.41421354 : f32
      %gt3A_842 = vector.broadcast %gt3A_841 : f32 to vector<16xf32>
      %gt3A_843 = arith.cmpf ogt, %bitcast_convert_type3A_840, %gt3A_842 : vector<16xf32>
      %mul3A_844 = arith.constant 5.000000e-01 : f32
      %mul3A_845 = vector.broadcast %mul3A_844 : f32 to vector<16xf32>
      %mul3A_846 = arith.mulf %bitcast_convert_type3A_840, %mul3A_845 : vector<16xf32>
      %select_n3A_847 = arith.select %gt3A_843, %mul3A_846, %bitcast_convert_type3A_840 : vector<16xi1>, vector<16xf32>
      %convert_element_type3A_848 = arith.sitofp %sub3A_833 : vector<16xi32> to vector<16xf32>
      %jit3A_849 = arith.constant 1.000000e+00 : f32
      %jit3A_850 = arith.constant 0.000000e+00 : f32
      %broadcast_in_dim3A_851 = vector.broadcast %jit3A_849 : f32 to vector<16xf32>
      %broadcast_in_dim3A_852 = vector.broadcast %jit3A_850 : f32 to vector<16xf32>
      %select_n3A_853 = arith.select %gt3A_843, %broadcast_in_dim3A_851, %broadcast_in_dim3A_852 : vector<16xi1>, vector<16xf32>
      %add3A_854 = arith.addf %convert_element_type3A_848, %select_n3A_853 : vector<16xf32>
      %sub3A_855 = arith.constant 1.000000e+00 : f32
      %sub3A_856 = vector.broadcast %sub3A_855 : f32 to vector<16xf32>
      %sub3A_857 = arith.subf %select_n3A_847, %sub3A_856 : vector<16xf32>
      %mul3A_858 = arith.constant 0.0703768358 : f32
      %mul3A_859 = vector.broadcast %mul3A_858 : f32 to vector<16xf32>
      %mul3A_860 = arith.mulf %mul3A_859, %sub3A_857 : vector<16xf32>
      %add3A_861 = arith.constant -0.115146101 : f32
      %add3A_862 = vector.broadcast %add3A_861 : f32 to vector<16xf32>
      %add3A_863 = arith.addf %mul3A_860, %add3A_862 : vector<16xf32>
      %mul3A_864 = arith.mulf %add3A_863, %sub3A_857 : vector<16xf32>
      %add3A_865 = arith.constant 0.116769984 : f32
      %add3A_866 = vector.broadcast %add3A_865 : f32 to vector<16xf32>
      %add3A_867 = arith.addf %mul3A_864, %add3A_866 : vector<16xf32>
      %mul3A_868 = arith.mulf %add3A_867, %sub3A_857 : vector<16xf32>
      %add3A_869 = arith.constant -0.12420141 : f32
      %add3A_870 = vector.broadcast %add3A_869 : f32 to vector<16xf32>
      %add3A_871 = arith.addf %mul3A_868, %add3A_870 : vector<16xf32>
      %mul3A_872 = arith.mulf %add3A_871, %sub3A_857 : vector<16xf32>
      %add3A_873 = arith.constant 0.142493233 : f32
      %add3A_874 = vector.broadcast %add3A_873 : f32 to vector<16xf32>
      %add3A_875 = arith.addf %mul3A_872, %add3A_874 : vector<16xf32>
      %mul3A_876 = arith.mulf %add3A_875, %sub3A_857 : vector<16xf32>
      %add3A_877 = arith.constant -0.166680574 : f32
      %add3A_878 = vector.broadcast %add3A_877 : f32 to vector<16xf32>
      %add3A_879 = arith.addf %mul3A_876, %add3A_878 : vector<16xf32>
      %mul3A_880 = arith.mulf %add3A_879, %sub3A_857 : vector<16xf32>
      %add3A_881 = arith.constant 0.200007141 : f32
      %add3A_882 = vector.broadcast %add3A_881 : f32 to vector<16xf32>
      %add3A_883 = arith.addf %mul3A_880, %add3A_882 : vector<16xf32>
      %mul3A_884 = arith.mulf %add3A_883, %sub3A_857 : vector<16xf32>
      %add3A_885 = arith.constant -0.24999994 : f32
      %add3A_886 = vector.broadcast %add3A_885 : f32 to vector<16xf32>
      %add3A_887 = arith.addf %mul3A_884, %add3A_886 : vector<16xf32>
      %mul3A_888 = arith.mulf %add3A_887, %sub3A_857 : vector<16xf32>
      %add3A_889 = arith.constant 0.333333313 : f32
      %add3A_890 = vector.broadcast %add3A_889 : f32 to vector<16xf32>
      %add3A_891 = arith.addf %mul3A_888, %add3A_890 : vector<16xf32>
      %mul3A_892 = arith.mulf %sub3A_857, %sub3A_857 : vector<16xf32>
      %mul3A_893 = arith.mulf %sub3A_857, %mul3A_892 : vector<16xf32>
      %mul3A_894 = arith.mulf %mul3A_893, %add3A_891 : vector<16xf32>
      %mul3A_895 = arith.constant 5.000000e-01 : f32
      %mul3A_896 = vector.broadcast %mul3A_895 : f32 to vector<16xf32>
      %mul3A_897 = arith.mulf %mul3A_896, %mul3A_892 : vector<16xf32>
      %sub3A_898 = arith.subf %mul3A_894, %mul3A_897 : vector<16xf32>
      %add3A_899 = arith.addf %sub3A_898, %sub3A_857 : vector<16xf32>
      %mul3A_900 = arith.constant 0.693147182 : f32
      %mul3A_901 = vector.broadcast %mul3A_900 : f32 to vector<16xf32>
      %mul3A_902 = arith.mulf %add3A_854, %mul3A_901 : vector<16xf32>
      %add3A_903 = arith.addf %add3A_899, %mul3A_902 : vector<16xf32>
      %mul3A_904 = arith.constant 2.000000e+00 : f32
      %mul3A_905 = vector.broadcast %mul3A_904 : f32 to vector<16xf32>
      %mul3A_906 = arith.mulf %mul3A_905, %get3A_696 : vector<16xf32>
      %mul3A_907 = arith.mulf %mul3A_906, %get3A_696 : vector<16xf32>
      %sub3A_908 = arith.subf %add3A_903, %mul3A_907 : vector<16xf32>
      %add3A_909 = arith.addf %sub3A_802, %sub3A_908 : vector<16xf32>
      %add3A_910 = arith.constant -3.2241714 : f32
      %add3A_911 = vector.broadcast %add3A_910 : f32 to vector<16xf32>
      %add3A_912 = arith.addf %add3A_909, %add3A_911 : vector<16xf32>
      %swap3A_913 = arith.index_cast %scan3A_14 : i32 to index
      %swap3A_914 = arith.constant 48 : index
      %swap3A_915 = tpu.vector_load %arg6[%swap3A_913, %swap3A_914] {strides = array<i32>} : memref<32x128xf32, #tpu.memory_space<vmem>>, vector<1x16xf32>,
      %swap3A_916 = vector.shape_cast %swap3A_915 : vector<1x16xf32> to vector<16xf32>
      %swap3A_917 = vector.shape_cast %add3A_912 : vector<16xf32> to vector<1x16xf32>
      tpu.vector_store %arg6[%swap3A_913, %swap3A_914], %swap3A_917 {strides = array<i32>} : memref<32x128xf32, #tpu.memory_space<vmem>>, vector<1x16xf32>,
      %get3A_918 = arith.index_cast %scan3A_14 : i32 to index
      %get3A_919 = arith.constant 64 : index
      %get3A_920 = tpu.vector_load %arg4[%get3A_918, %get3A_919] {strides = array<i32>} : memref<32x128xf32, #tpu.memory_space<vmem>>, vector<1x16xf32>,
      %get3A_921 = vector.shape_cast %get3A_920 : vector<1x16xf32> to vector<16xf32>
      %get3A_922 = arith.index_cast %scan3A_14 : i32 to index
      %get3A_923 = arith.constant 64 : index
      %get3A_924 = tpu.vector_load %arg5[%get3A_922, %get3A_923] {strides = array<i32>} : memref<32x128xf32, #tpu.memory_space<vmem>>, vector<1x16xf32>,
      %get3A_925 = vector.shape_cast %get3A_924 : vector<1x16xf32> to vector<16xf32>
      %mul3A_926 = arith.constant 4.000000e+00 : f32
      %mul3A_927 = vector.broadcast %mul3A_926 : f32 to vector<16xf32>
      %mul3A_928 = arith.mulf %get3A_921, %mul3A_927 : vector<16xf32>
      %sub3A_929 = arith.constant 2.000000e+00 : f32
      %sub3A_930 = vector.broadcast %sub3A_929 : f32 to vector<16xf32>
      %sub3A_931 = arith.subf %mul3A_928, %sub3A_930 : vector<16xf32>
      %exp3A_932 = math.exp %sub3A_931 : vector<16xf32>
      %add3A_933 = arith.constant 1.000000e+00 : f32
      %add3A_934 = vector.broadcast %add3A_933 : f32 to vector<16xf32>
      %add3A_935 = arith.addf %add3A_934, %exp3A_932 : vector<16xf32>
      %add3A_936 = arith.addf %mul3A_928, %mul3A_928 : vector<16xf32>
      %sub3A_937 = arith.constant 8.000000e+00 : f32
      %sub3A_938 = vector.broadcast %sub3A_937 : f32 to vector<16xf32>
      %sub3A_939 = arith.subf %add3A_936, %sub3A_938 : vector<16xf32>
      %exp3A_940 = math.exp %sub3A_939 : vector<16xf32>
      %add3A_941 = arith.addf %add3A_935, %exp3A_940 : vector<16xf32>
      %mul3A_942 = arith.constant 3.000000e+00 : f32
      %mul3A_943 = vector.broadcast %mul3A_942 : f32 to vector<16xf32>
      %mul3A_944 = arith.mulf %mul3A_928, %mul3A_943 : vector<16xf32>
      %sub3A_945 = arith.constant 1.800000e+01 : f32
      %sub3A_946 = vector.broadcast %sub3A_945 : f32 to vector<16xf32>
      %sub3A_947 = arith.subf %mul3A_944, %sub3A_946 : vector<16xf32>
      %exp3A_948 = math.exp %sub3A_947 : vector<16xf32>
      %add3A_949 = arith.addf %add3A_941, %exp3A_948 : vector<16xf32>
      %bitcast_convert_type3A_950 = tpu.bitcast %add3A_949 : vector<16xf32> -> vector<16xi32>
      %shift_right_logical3A_951 = arith.constant 23 : i32
      %shift_right_logical3A_952 = vector.broadcast %shift_right_logical3A_951 : i32 to vector<16xi32>
      %shift_right_logical3A_953 = arith.shrui %bitcast_convert_type3A_950, %shift_right_logical3A_952 : vector<16xi32>
      %sub3A_954 = arith.constant 127 : i32
      %sub3A_955 = vector.broadcast %sub3A_954 : i32 to vector<16xi32>
      %sub3A_956 = arith.subi %shift_right_logical3A_953, %sub3A_955 : vector<16xi32>
      %and3A_957 = arith.constant 8388607 : i32
      %and3A_958 = vector.broadcast %and3A_957 : i32 to vector<16xi32>
      %and3A_959 = arith.andi %bitcast_convert_type3A_950, %and3A_958 : vector<16xi32>
      %or3A_960 = arith.constant 1065353216 : i32
      %or3A_961 = vector.broadcast %or3A_960 : i32 to vector<16xi32>
      %or3A_962 = arith.ori %and3A_959, %or3A_961 : vector<16xi32>
      %bitcast_convert_type3A_963 = tpu.bitcast %or3A_962 : vector<16xi32> -> vector<16xf32>
      %gt3A_964 = arith.constant 1.41421354 : f32
      %gt3A_965 = vector.broadcast %gt3A_964 : f32 to vector<16xf32>
      %gt3A_966 = arith.cmpf ogt, %bitcast_convert_type3A_963, %gt3A_965 : vector<16xf32>
      %mul3A_967 = arith.constant 5.000000e-01 : f32
      %mul3A_968 = vector.broadcast %mul3A_967 : f32 to vector<16xf32>
      %mul3A_969 = arith.mulf %bitcast_convert_type3A_963, %mul3A_968 : vector<16xf32>
      %select_n3A_970 = arith.select %gt3A_966, %mul3A_969, %bitcast_convert_type3A_963 : vector<16xi1>, vector<16xf32>
      %convert_element_type3A_971 = arith.sitofp %sub3A_956 : vector<16xi32> to vector<16xf32>
      %jit3A_972 = arith.constant 1.000000e+00 : f32
      %jit3A_973 = arith.constant 0.000000e+00 : f32
      %broadcast_in_dim3A_974 = vector.broadcast %jit3A_972 : f32 to vector<16xf32>
      %broadcast_in_dim3A_975 = vector.broadcast %jit3A_973 : f32 to vector<16xf32>
      %select_n3A_976 = arith.select %gt3A_966, %broadcast_in_dim3A_974, %broadcast_in_dim3A_975 : vector<16xi1>, vector<16xf32>
      %add3A_977 = arith.addf %convert_element_type3A_971, %select_n3A_976 : vector<16xf32>
      %sub3A_978 = arith.constant 1.000000e+00 : f32
      %sub3A_979 = vector.broadcast %sub3A_978 : f32 to vector<16xf32>
      %sub3A_980 = arith.subf %select_n3A_970, %sub3A_979 : vector<16xf32>
      %mul3A_981 = arith.constant 0.0703768358 : f32
      %mul3A_982 = vector.broadcast %mul3A_981 : f32 to vector<16xf32>
      %mul3A_983 = arith.mulf %mul3A_982, %sub3A_980 : vector<16xf32>
      %add3A_984 = arith.constant -0.115146101 : f32
      %add3A_985 = vector.broadcast %add3A_984 : f32 to vector<16xf32>
      %add3A_986 = arith.addf %mul3A_983, %add3A_985 : vector<16xf32>
      %mul3A_987 = arith.mulf %add3A_986, %sub3A_980 : vector<16xf32>
      %add3A_988 = arith.constant 0.116769984 : f32
      %add3A_989 = vector.broadcast %add3A_988 : f32 to vector<16xf32>
      %add3A_990 = arith.addf %mul3A_987, %add3A_989 : vector<16xf32>
      %mul3A_991 = arith.mulf %add3A_990, %sub3A_980 : vector<16xf32>
      %add3A_992 = arith.constant -0.12420141 : f32
      %add3A_993 = vector.broadcast %add3A_992 : f32 to vector<16xf32>
      %add3A_994 = arith.addf %mul3A_991, %add3A_993 : vector<16xf32>
      %mul3A_995 = arith.mulf %add3A_994, %sub3A_980 : vector<16xf32>
      %add3A_996 = arith.constant 0.142493233 : f32
      %add3A_997 = vector.broadcast %add3A_996 : f32 to vector<16xf32>
      %add3A_998 = arith.addf %mul3A_995, %add3A_997 : vector<16xf32>
      %mul3A_999 = arith.mulf %add3A_998, %sub3A_980 : vector<16xf32>
      %add3A_1000 = arith.constant -0.166680574 : f32
      %add3A_1001 = vector.broadcast %add3A_1000 : f32 to vector<16xf32>
      %add3A_1002 = arith.addf %mul3A_999, %add3A_1001 : vector<16xf32>
      %mul3A_1003 = arith.mulf %add3A_1002, %sub3A_980 : vector<16xf32>
      %add3A_1004 = arith.constant 0.200007141 : f32
      %add3A_1005 = vector.broadcast %add3A_1004 : f32 to vector<16xf32>
      %add3A_1006 = arith.addf %mul3A_1003, %add3A_1005 : vector<16xf32>
      %mul3A_1007 = arith.mulf %add3A_1006, %sub3A_980 : vector<16xf32>
      %add3A_1008 = arith.constant -0.24999994 : f32
      %add3A_1009 = vector.broadcast %add3A_1008 : f32 to vector<16xf32>
      %add3A_1010 = arith.addf %mul3A_1007, %add3A_1009 : vector<16xf32>
      %mul3A_1011 = arith.mulf %add3A_1010, %sub3A_980 : vector<16xf32>
      %add3A_1012 = arith.constant 0.333333313 : f32
      %add3A_1013 = vector.broadcast %add3A_1012 : f32 to vector<16xf32>
      %add3A_1014 = arith.addf %mul3A_1011, %add3A_1013 : vector<16xf32>
      %mul3A_1015 = arith.mulf %sub3A_980, %sub3A_980 : vector<16xf32>
      %mul3A_1016 = arith.mulf %sub3A_980, %mul3A_1015 : vector<16xf32>
      %mul3A_1017 = arith.mulf %mul3A_1016, %add3A_1014 : vector<16xf32>
      %mul3A_1018 = arith.constant 5.000000e-01 : f32
      %mul3A_1019 = vector.broadcast %mul3A_1018 : f32 to vector<16xf32>
      %mul3A_1020 = arith.mulf %mul3A_1019, %mul3A_1015 : vector<16xf32>
      %sub3A_1021 = arith.subf %mul3A_1017, %mul3A_1020 : vector<16xf32>
      %add3A_1022 = arith.addf %sub3A_1021, %sub3A_980 : vector<16xf32>
      %mul3A_1023 = arith.constant 0.693147182 : f32
      %mul3A_1024 = vector.broadcast %mul3A_1023 : f32 to vector<16xf32>
      %mul3A_1025 = arith.mulf %add3A_977, %mul3A_1024 : vector<16xf32>
      %add3A_1026 = arith.addf %add3A_1022, %mul3A_1025 : vector<16xf32>
      %mul3A_1027 = arith.constant 2.000000e+00 : f32
      %mul3A_1028 = vector.broadcast %mul3A_1027 : f32 to vector<16xf32>
      %mul3A_1029 = arith.mulf %mul3A_1028, %get3A_921 : vector<16xf32>
      %mul3A_1030 = arith.mulf %mul3A_1029, %get3A_921 : vector<16xf32>
      %sub3A_1031 = arith.subf %add3A_1026, %mul3A_1030 : vector<16xf32>
      %mul3A_1032 = arith.constant 4.000000e+00 : f32
      %mul3A_1033 = vector.broadcast %mul3A_1032 : f32 to vector<16xf32>
      %mul3A_1034 = arith.mulf %get3A_925, %mul3A_1033 : vector<16xf32>
      %sub3A_1035 = arith.constant 2.000000e+00 : f32
      %sub3A_1036 = vector.broadcast %sub3A_1035 : f32 to vector<16xf32>
      %sub3A_1037 = arith.subf %mul3A_1034, %sub3A_1036 : vector<16xf32>
      %exp3A_1038 = math.exp %sub3A_1037 : vector<16xf32>
      %add3A_1039 = arith.constant 1.000000e+00 : f32
      %add3A_1040 = vector.broadcast %add3A_1039 : f32 to vector<16xf32>
      %add3A_1041 = arith.addf %add3A_1040, %exp3A_1038 : vector<16xf32>
      %add3A_1042 = arith.addf %mul3A_1034, %mul3A_1034 : vector<16xf32>
      %sub3A_1043 = arith.constant 8.000000e+00 : f32
      %sub3A_1044 = vector.broadcast %sub3A_1043 : f32 to vector<16xf32>
      %sub3A_1045 = arith.subf %add3A_1042, %sub3A_1044 : vector<16xf32>
      %exp3A_1046 = math.exp %sub3A_1045 : vector<16xf32>
      %add3A_1047 = arith.addf %add3A_1041, %exp3A_1046 : vector<16xf32>
      %mul3A_1048 = arith.constant 3.000000e+00 : f32
      %mul3A_1049 = vector.broadcast %mul3A_1048 : f32 to vector<16xf32>
      %mul3A_1050 = arith.mulf %mul3A_1034, %mul3A_1049 : vector<16xf32>
      %sub3A_1051 = arith.constant 1.800000e+01 : f32
      %sub3A_1052 = vector.broadcast %sub3A_1051 : f32 to vector<16xf32>
      %sub3A_1053 = arith.subf %mul3A_1050, %sub3A_1052 : vector<16xf32>
      %exp3A_1054 = math.exp %sub3A_1053 : vector<16xf32>
      %add3A_1055 = arith.addf %add3A_1047, %exp3A_1054 : vector<16xf32>
      %bitcast_convert_type3A_1056 = tpu.bitcast %add3A_1055 : vector<16xf32> -> vector<16xi32>
      %shift_right_logical3A_1057 = arith.constant 23 : i32
      %shift_right_logical3A_1058 = vector.broadcast %shift_right_logical3A_1057 : i32 to vector<16xi32>
      %shift_right_logical3A_1059 = arith.shrui %bitcast_convert_type3A_1056, %shift_right_logical3A_1058 : vector<16xi32>
      %sub3A_1060 = arith.constant 127 : i32
      %sub3A_1061 = vector.broadcast %sub3A_1060 : i32 to vector<16xi32>
      %sub3A_1062 = arith.subi %shift_right_logical3A_1059, %sub3A_1061 : vector<16xi32>
      %and3A_1063 = arith.constant 8388607 : i32
      %and3A_1064 = vector.broadcast %and3A_1063 : i32 to vector<16xi32>
      %and3A_1065 = arith.andi %bitcast_convert_type3A_1056, %and3A_1064 : vector<16xi32>
      %or3A_1066 = arith.constant 1065353216 : i32
      %or3A_1067 = vector.broadcast %or3A_1066 : i32 to vector<16xi32>
      %or3A_1068 = arith.ori %and3A_1065, %or3A_1067 : vector<16xi32>
      %bitcast_convert_type3A_1069 = tpu.bitcast %or3A_1068 : vector<16xi32> -> vector<16xf32>
      %gt3A_1070 = arith.constant 1.41421354 : f32
      %gt3A_1071 = vector.broadcast %gt3A_1070 : f32 to vector<16xf32>
      %gt3A_1072 = arith.cmpf ogt, %bitcast_convert_type3A_1069, %gt3A_1071 : vector<16xf32>
      %mul3A_1073 = arith.constant 5.000000e-01 : f32
      %mul3A_1074 = vector.broadcast %mul3A_1073 : f32 to vector<16xf32>
      %mul3A_1075 = arith.mulf %bitcast_convert_type3A_1069, %mul3A_1074 : vector<16xf32>
      %select_n3A_1076 = arith.select %gt3A_1072, %mul3A_1075, %bitcast_convert_type3A_1069 : vector<16xi1>, vector<16xf32>
      %convert_element_type3A_1077 = arith.sitofp %sub3A_1062 : vector<16xi32> to vector<16xf32>
      %jit3A_1078 = arith.constant 1.000000e+00 : f32
      %jit3A_1079 = arith.constant 0.000000e+00 : f32
      %broadcast_in_dim3A_1080 = vector.broadcast %jit3A_1078 : f32 to vector<16xf32>
      %broadcast_in_dim3A_1081 = vector.broadcast %jit3A_1079 : f32 to vector<16xf32>
      %select_n3A_1082 = arith.select %gt3A_1072, %broadcast_in_dim3A_1080, %broadcast_in_dim3A_1081 : vector<16xi1>, vector<16xf32>
      %add3A_1083 = arith.addf %convert_element_type3A_1077, %select_n3A_1082 : vector<16xf32>
      %sub3A_1084 = arith.constant 1.000000e+00 : f32
      %sub3A_1085 = vector.broadcast %sub3A_1084 : f32 to vector<16xf32>
      %sub3A_1086 = arith.subf %select_n3A_1076, %sub3A_1085 : vector<16xf32>
      %mul3A_1087 = arith.constant 0.0703768358 : f32
      %mul3A_1088 = vector.broadcast %mul3A_1087 : f32 to vector<16xf32>
      %mul3A_1089 = arith.mulf %mul3A_1088, %sub3A_1086 : vector<16xf32>
      %add3A_1090 = arith.constant -0.115146101 : f32
      %add3A_1091 = vector.broadcast %add3A_1090 : f32 to vector<16xf32>
      %add3A_1092 = arith.addf %mul3A_1089, %add3A_1091 : vector<16xf32>
      %mul3A_1093 = arith.mulf %add3A_1092, %sub3A_1086 : vector<16xf32>
      %add3A_1094 = arith.constant 0.116769984 : f32
      %add3A_1095 = vector.broadcast %add3A_1094 : f32 to vector<16xf32>
      %add3A_1096 = arith.addf %mul3A_1093, %add3A_1095 : vector<16xf32>
      %mul3A_1097 = arith.mulf %add3A_1096, %sub3A_1086 : vector<16xf32>
      %add3A_1098 = arith.constant -0.12420141 : f32
      %add3A_1099 = vector.broadcast %add3A_1098 : f32 to vector<16xf32>
      %add3A_1100 = arith.addf %mul3A_1097, %add3A_1099 : vector<16xf32>
      %mul3A_1101 = arith.mulf %add3A_1100, %sub3A_1086 : vector<16xf32>
      %add3A_1102 = arith.constant 0.142493233 : f32
      %add3A_1103 = vector.broadcast %add3A_1102 : f32 to vector<16xf32>
      %add3A_1104 = arith.addf %mul3A_1101, %add3A_1103 : vector<16xf32>
      %mul3A_1105 = arith.mulf %add3A_1104, %sub3A_1086 : vector<16xf32>
      %add3A_1106 = arith.constant -0.166680574 : f32
      %add3A_1107 = vector.broadcast %add3A_1106 : f32 to vector<16xf32>
      %add3A_1108 = arith.addf %mul3A_1105, %add3A_1107 : vector<16xf32>
      %mul3A_1109 = arith.mulf %add3A_1108, %sub3A_1086 : vector<16xf32>
      %add3A_1110 = arith.constant 0.200007141 : f32
      %add3A_1111 = vector.broadcast %add3A_1110 : f32 to vector<16xf32>
      %add3A_1112 = arith.addf %mul3A_1109, %add3A_1111 : vector<16xf32>
      %mul3A_1113 = arith.mulf %add3A_1112, %sub3A_1086 : vector<16xf32>
      %add3A_1114 = arith.constant -0.24999994 : f32
      %add3A_1115 = vector.broadcast %add3A_1114 : f32 to vector<16xf32>
      %add3A_1116 = arith.addf %mul3A_1113, %add3A_1115 : vector<16xf32>
      %mul3A_1117 = arith.mulf %add3A_1116, %sub3A_1086 : vector<16xf32>
      %add3A_1118 = arith.constant 0.333333313 : f32
      %add3A_1119 = vector.broadcast %add3A_1118 : f32 to vector<16xf32>
      %add3A_1120 = arith.addf %mul3A_1117, %add3A_1119 : vector<16xf32>
      %mul3A_1121 = arith.mulf %sub3A_1086, %sub3A_1086 : vector<16xf32>
      %mul3A_1122 = arith.mulf %sub3A_1086, %mul3A_1121 : vector<16xf32>
      %mul3A_1123 = arith.mulf %mul3A_1122, %add3A_1120 : vector<16xf32>
      %mul3A_1124 = arith.constant 5.000000e-01 : f32
      %mul3A_1125 = vector.broadcast %mul3A_1124 : f32 to vector<16xf32>
      %mul3A_1126 = arith.mulf %mul3A_1125, %mul3A_1121 : vector<16xf32>
      %sub3A_1127 = arith.subf %mul3A_1123, %mul3A_1126 : vector<16xf32>
      %add3A_1128 = arith.addf %sub3A_1127, %sub3A_1086 : vector<16xf32>
      %mul3A_1129 = arith.constant 0.693147182 : f32
      %mul3A_1130 = vector.broadcast %mul3A_1129 : f32 to vector<16xf32>
      %mul3A_1131 = arith.mulf %add3A_1083, %mul3A_1130 : vector<16xf32>
      %add3A_1132 = arith.addf %add3A_1128, %mul3A_1131 : vector<16xf32>
      %mul3A_1133 = arith.constant 2.000000e+00 : f32
      %mul3A_1134 = vector.broadcast %mul3A_1133 : f32 to vector<16xf32>
      %mul3A_1135 = arith.mulf %mul3A_1134, %get3A_925 : vector<16xf32>
      %mul3A_1136 = arith.mulf %mul3A_1135, %get3A_925 : vector<16xf32>
      %sub3A_1137 = arith.subf %add3A_1132, %mul3A_1136 : vector<16xf32>
      %add3A_1138 = arith.addf %sub3A_1031, %sub3A_1137 : vector<16xf32>
      %add3A_1139 = arith.constant -3.2241714 : f32
      %add3A_1140 = vector.broadcast %add3A_1139 : f32 to vector<16xf32>
      %add3A_1141 = arith.addf %add3A_1138, %add3A_1140 : vector<16xf32>
      %swap3A_1142 = arith.index_cast %scan3A_14 : i32 to index
      %swap3A_1143 = arith.constant 64 : index
      %swap3A_1144 = tpu.vector_load %arg6[%swap3A_1142, %swap3A_1143] {strides = array<i32>} : memref<32x128xf32, #tpu.memory_space<vmem>>, vector<1x16xf32>,
      %swap3A_1145 = vector.shape_cast %swap3A_1144 : vector<1x16xf32> to vector<16xf32>
      %swap3A_1146 = vector.shape_cast %add3A_1141 : vector<16xf32> to vector<1x16xf32>
      tpu.vector_store %arg6[%swap3A_1142, %swap3A_1143], %swap3A_1146 {strides = array<i32>} : memref<32x128xf32, #tpu.memory_space<vmem>>, vector<1x16xf32>,
      %get3A_1147 = arith.index_cast %scan3A_14 : i32 to index
      %get3A_1148 = arith.constant 80 : index
      %get3A_1149 = tpu.vector_load %arg4[%get3A_1147, %get3A_1148] {strides = array<i32>} : memref<32x128xf32, #tpu.memory_space<vmem>>, vector<1x16xf32>,
      %get3A_1150 = vector.shape_cast %get3A_1149 : vector<1x16xf32> to vector<16xf32>
      %get3A_1151 = arith.index_cast %scan3A_14 : i32 to index
      %get3A_1152 = arith.constant 80 : index
      %get3A_1153 = tpu.vector_load %arg5[%get3A_1151, %get3A_1152] {strides = array<i32>} : memref<32x128xf32, #tpu.memory_space<vmem>>, vector<1x16xf32>,
      %get3A_1154 = vector.shape_cast %get3A_1153 : vector<1x16xf32> to vector<16xf32>
      %mul3A_1155 = arith.constant 4.000000e+00 : f32
      %mul3A_1156 = vector.broadcast %mul3A_1155 : f32 to vector<16xf32>
      %mul3A_1157 = arith.mulf %get3A_1150, %mul3A_1156 : vector<16xf32>
      %sub3A_1158 = arith.constant 2.000000e+00 : f32
      %sub3A_1159 = vector.broadcast %sub3A_1158 : f32 to vector<16xf32>
      %sub3A_1160 = arith.subf %mul3A_1157, %sub3A_1159 : vector<16xf32>
      %exp3A_1161 = math.exp %sub3A_1160 : vector<16xf32>
      %add3A_1162 = arith.constant 1.000000e+00 : f32
      %add3A_1163 = vector.broadcast %add3A_1162 : f32 to vector<16xf32>
      %add3A_1164 = arith.addf %add3A_1163, %exp3A_1161 : vector<16xf32>
      %add3A_1165 = arith.addf %mul3A_1157, %mul3A_1157 : vector<16xf32>
      %sub3A_1166 = arith.constant 8.000000e+00 : f32
      %sub3A_1167 = vector.broadcast %sub3A_1166 : f32 to vector<16xf32>
      %sub3A_1168 = arith.subf %add3A_1165, %sub3A_1167 : vector<16xf32>
      %exp3A_1169 = math.exp %sub3A_1168 : vector<16xf32>
      %add3A_1170 = arith.addf %add3A_1164, %exp3A_1169 : vector<16xf32>
      %mul3A_1171 = arith.constant 3.000000e+00 : f32
      %mul3A_1172 = vector.broadcast %mul3A_1171 : f32 to vector<16xf32>
      %mul3A_1173 = arith.mulf %mul3A_1157, %mul3A_1172 : vector<16xf32>
      %sub3A_1174 = arith.constant 1.800000e+01 : f32
      %sub3A_1175 = vector.broadcast %sub3A_1174 : f32 to vector<16xf32>
      %sub3A_1176 = arith.subf %mul3A_1173, %sub3A_1175 : vector<16xf32>
      %exp3A_1177 = math.exp %sub3A_1176 : vector<16xf32>
      %add3A_1178 = arith.addf %add3A_1170, %exp3A_1177 : vector<16xf32>
      %bitcast_convert_type3A_1179 = tpu.bitcast %add3A_1178 : vector<16xf32> -> vector<16xi32>
      %shift_right_logical3A_1180 = arith.constant 23 : i32
      %shift_right_logical3A_1181 = vector.broadcast %shift_right_logical3A_1180 : i32 to vector<16xi32>
      %shift_right_logical3A_1182 = arith.shrui %bitcast_convert_type3A_1179, %shift_right_logical3A_1181 : vector<16xi32>
      %sub3A_1183 = arith.constant 127 : i32
      %sub3A_1184 = vector.broadcast %sub3A_1183 : i32 to vector<16xi32>
      %sub3A_1185 = arith.subi %shift_right_logical3A_1182, %sub3A_1184 : vector<16xi32>
      %and3A_1186 = arith.constant 8388607 : i32
      %and3A_1187 = vector.broadcast %and3A_1186 : i32 to vector<16xi32>
      %and3A_1188 = arith.andi %bitcast_convert_type3A_1179, %and3A_1187 : vector<16xi32>
      %or3A_1189 = arith.constant 1065353216 : i32
      %or3A_1190 = vector.broadcast %or3A_1189 : i32 to vector<16xi32>
      %or3A_1191 = arith.ori %and3A_1188, %or3A_1190 : vector<16xi32>
      %bitcast_convert_type3A_1192 = tpu.bitcast %or3A_1191 : vector<16xi32> -> vector<16xf32>
      %gt3A_1193 = arith.constant 1.41421354 : f32
      %gt3A_1194 = vector.broadcast %gt3A_1193 : f32 to vector<16xf32>
      %gt3A_1195 = arith.cmpf ogt, %bitcast_convert_type3A_1192, %gt3A_1194 : vector<16xf32>
      %mul3A_1196 = arith.constant 5.000000e-01 : f32
      %mul3A_1197 = vector.broadcast %mul3A_1196 : f32 to vector<16xf32>
      %mul3A_1198 = arith.mulf %bitcast_convert_type3A_1192, %mul3A_1197 : vector<16xf32>
      %select_n3A_1199 = arith.select %gt3A_1195, %mul3A_1198, %bitcast_convert_type3A_1192 : vector<16xi1>, vector<16xf32>
      %convert_element_type3A_1200 = arith.sitofp %sub3A_1185 : vector<16xi32> to vector<16xf32>
      %jit3A_1201 = arith.constant 1.000000e+00 : f32
      %jit3A_1202 = arith.constant 0.000000e+00 : f32
      %broadcast_in_dim3A_1203 = vector.broadcast %jit3A_1201 : f32 to vector<16xf32>
      %broadcast_in_dim3A_1204 = vector.broadcast %jit3A_1202 : f32 to vector<16xf32>
      %select_n3A_1205 = arith.select %gt3A_1195, %broadcast_in_dim3A_1203, %broadcast_in_dim3A_1204 : vector<16xi1>, vector<16xf32>
      %add3A_1206 = arith.addf %convert_element_type3A_1200, %select_n3A_1205 : vector<16xf32>
      %sub3A_1207 = arith.constant 1.000000e+00 : f32
      %sub3A_1208 = vector.broadcast %sub3A_1207 : f32 to vector<16xf32>
      %sub3A_1209 = arith.subf %select_n3A_1199, %sub3A_1208 : vector<16xf32>
      %mul3A_1210 = arith.constant 0.0703768358 : f32
      %mul3A_1211 = vector.broadcast %mul3A_1210 : f32 to vector<16xf32>
      %mul3A_1212 = arith.mulf %mul3A_1211, %sub3A_1209 : vector<16xf32>
      %add3A_1213 = arith.constant -0.115146101 : f32
      %add3A_1214 = vector.broadcast %add3A_1213 : f32 to vector<16xf32>
      %add3A_1215 = arith.addf %mul3A_1212, %add3A_1214 : vector<16xf32>
      %mul3A_1216 = arith.mulf %add3A_1215, %sub3A_1209 : vector<16xf32>
      %add3A_1217 = arith.constant 0.116769984 : f32
      %add3A_1218 = vector.broadcast %add3A_1217 : f32 to vector<16xf32>
      %add3A_1219 = arith.addf %mul3A_1216, %add3A_1218 : vector<16xf32>
      %mul3A_1220 = arith.mulf %add3A_1219, %sub3A_1209 : vector<16xf32>
      %add3A_1221 = arith.constant -0.12420141 : f32
      %add3A_1222 = vector.broadcast %add3A_1221 : f32 to vector<16xf32>
      %add3A_1223 = arith.addf %mul3A_1220, %add3A_1222 : vector<16xf32>
      %mul3A_1224 = arith.mulf %add3A_1223, %sub3A_1209 : vector<16xf32>
      %add3A_1225 = arith.constant 0.142493233 : f32
      %add3A_1226 = vector.broadcast %add3A_1225 : f32 to vector<16xf32>
      %add3A_1227 = arith.addf %mul3A_1224, %add3A_1226 : vector<16xf32>
      %mul3A_1228 = arith.mulf %add3A_1227, %sub3A_1209 : vector<16xf32>
      %add3A_1229 = arith.constant -0.166680574 : f32
      %add3A_1230 = vector.broadcast %add3A_1229 : f32 to vector<16xf32>
      %add3A_1231 = arith.addf %mul3A_1228, %add3A_1230 : vector<16xf32>
      %mul3A_1232 = arith.mulf %add3A_1231, %sub3A_1209 : vector<16xf32>
      %add3A_1233 = arith.constant 0.200007141 : f32
      %add3A_1234 = vector.broadcast %add3A_1233 : f32 to vector<16xf32>
      %add3A_1235 = arith.addf %mul3A_1232, %add3A_1234 : vector<16xf32>
      %mul3A_1236 = arith.mulf %add3A_1235, %sub3A_1209 : vector<16xf32>
      %add3A_1237 = arith.constant -0.24999994 : f32
      %add3A_1238 = vector.broadcast %add3A_1237 : f32 to vector<16xf32>
      %add3A_1239 = arith.addf %mul3A_1236, %add3A_1238 : vector<16xf32>
      %mul3A_1240 = arith.mulf %add3A_1239, %sub3A_1209 : vector<16xf32>
      %add3A_1241 = arith.constant 0.333333313 : f32
      %add3A_1242 = vector.broadcast %add3A_1241 : f32 to vector<16xf32>
      %add3A_1243 = arith.addf %mul3A_1240, %add3A_1242 : vector<16xf32>
      %mul3A_1244 = arith.mulf %sub3A_1209, %sub3A_1209 : vector<16xf32>
      %mul3A_1245 = arith.mulf %sub3A_1209, %mul3A_1244 : vector<16xf32>
      %mul3A_1246 = arith.mulf %mul3A_1245, %add3A_1243 : vector<16xf32>
      %mul3A_1247 = arith.constant 5.000000e-01 : f32
      %mul3A_1248 = vector.broadcast %mul3A_1247 : f32 to vector<16xf32>
      %mul3A_1249 = arith.mulf %mul3A_1248, %mul3A_1244 : vector<16xf32>
      %sub3A_1250 = arith.subf %mul3A_1246, %mul3A_1249 : vector<16xf32>
      %add3A_1251 = arith.addf %sub3A_1250, %sub3A_1209 : vector<16xf32>
      %mul3A_1252 = arith.constant 0.693147182 : f32
      %mul3A_1253 = vector.broadcast %mul3A_1252 : f32 to vector<16xf32>
      %mul3A_1254 = arith.mulf %add3A_1206, %mul3A_1253 : vector<16xf32>
      %add3A_1255 = arith.addf %add3A_1251, %mul3A_1254 : vector<16xf32>
      %mul3A_1256 = arith.constant 2.000000e+00 : f32
      %mul3A_1257 = vector.broadcast %mul3A_1256 : f32 to vector<16xf32>
      %mul3A_1258 = arith.mulf %mul3A_1257, %get3A_1150 : vector<16xf32>
      %mul3A_1259 = arith.mulf %mul3A_1258, %get3A_1150 : vector<16xf32>
      %sub3A_1260 = arith.subf %add3A_1255, %mul3A_1259 : vector<16xf32>
      %mul3A_1261 = arith.constant 4.000000e+00 : f32
      %mul3A_1262 = vector.broadcast %mul3A_1261 : f32 to vector<16xf32>
      %mul3A_1263 = arith.mulf %get3A_1154, %mul3A_1262 : vector<16xf32>
      %sub3A_1264 = arith.constant 2.000000e+00 : f32
      %sub3A_1265 = vector.broadcast %sub3A_1264 : f32 to vector<16xf32>
      %sub3A_1266 = arith.subf %mul3A_1263, %sub3A_1265 : vector<16xf32>
      %exp3A_1267 = math.exp %sub3A_1266 : vector<16xf32>
      %add3A_1268 = arith.constant 1.000000e+00 : f32
      %add3A_1269 = vector.broadcast %add3A_1268 : f32 to vector<16xf32>
      %add3A_1270 = arith.addf %add3A_1269, %exp3A_1267 : vector<16xf32>
      %add3A_1271 = arith.addf %mul3A_1263, %mul3A_1263 : vector<16xf32>
      %sub3A_1272 = arith.constant 8.000000e+00 : f32
      %sub3A_1273 = vector.broadcast %sub3A_1272 : f32 to vector<16xf32>
      %sub3A_1274 = arith.subf %add3A_1271, %sub3A_1273 : vector<16xf32>
      %exp3A_1275 = math.exp %sub3A_1274 : vector<16xf32>
      %add3A_1276 = arith.addf %add3A_1270, %exp3A_1275 : vector<16xf32>
      %mul3A_1277 = arith.constant 3.000000e+00 : f32
      %mul3A_1278 = vector.broadcast %mul3A_1277 : f32 to vector<16xf32>
      %mul3A_1279 = arith.mulf %mul3A_1263, %mul3A_1278 : vector<16xf32>
      %sub3A_1280 = arith.constant 1.800000e+01 : f32
      %sub3A_1281 = vector.broadcast %sub3A_1280 : f32 to vector<16xf32>
      %sub3A_1282 = arith.subf %mul3A_1279, %sub3A_1281 : vector<16xf32>
      %exp3A_1283 = math.exp %sub3A_1282 : vector<16xf32>
      %add3A_1284 = arith.addf %add3A_1276, %exp3A_1283 : vector<16xf32>
      %bitcast_convert_type3A_1285 = tpu.bitcast %add3A_1284 : vector<16xf32> -> vector<16xi32>
      %shift_right_logical3A_1286 = arith.constant 23 : i32
      %shift_right_logical3A_1287 = vector.broadcast %shift_right_logical3A_1286 : i32 to vector<16xi32>
      %shift_right_logical3A_1288 = arith.shrui %bitcast_convert_type3A_1285, %shift_right_logical3A_1287 : vector<16xi32>
      %sub3A_1289 = arith.constant 127 : i32
      %sub3A_1290 = vector.broadcast %sub3A_1289 : i32 to vector<16xi32>
      %sub3A_1291 = arith.subi %shift_right_logical3A_1288, %sub3A_1290 : vector<16xi32>
      %and3A_1292 = arith.constant 8388607 : i32
      %and3A_1293 = vector.broadcast %and3A_1292 : i32 to vector<16xi32>
      %and3A_1294 = arith.andi %bitcast_convert_type3A_1285, %and3A_1293 : vector<16xi32>
      %or3A_1295 = arith.constant 1065353216 : i32
      %or3A_1296 = vector.broadcast %or3A_1295 : i32 to vector<16xi32>
      %or3A_1297 = arith.ori %and3A_1294, %or3A_1296 : vector<16xi32>
      %bitcast_convert_type3A_1298 = tpu.bitcast %or3A_1297 : vector<16xi32> -> vector<16xf32>
      %gt3A_1299 = arith.constant 1.41421354 : f32
      %gt3A_1300 = vector.broadcast %gt3A_1299 : f32 to vector<16xf32>
      %gt3A_1301 = arith.cmpf ogt, %bitcast_convert_type3A_1298, %gt3A_1300 : vector<16xf32>
      %mul3A_1302 = arith.constant 5.000000e-01 : f32
      %mul3A_1303 = vector.broadcast %mul3A_1302 : f32 to vector<16xf32>
      %mul3A_1304 = arith.mulf %bitcast_convert_type3A_1298, %mul3A_1303 : vector<16xf32>
      %select_n3A_1305 = arith.select %gt3A_1301, %mul3A_1304, %bitcast_convert_type3A_1298 : vector<16xi1>, vector<16xf32>
      %convert_element_type3A_1306 = arith.sitofp %sub3A_1291 : vector<16xi32> to vector<16xf32>
      %jit3A_1307 = arith.constant 1.000000e+00 : f32
      %jit3A_1308 = arith.constant 0.000000e+00 : f32
      %broadcast_in_dim3A_1309 = vector.broadcast %jit3A_1307 : f32 to vector<16xf32>
      %broadcast_in_dim3A_1310 = vector.broadcast %jit3A_1308 : f32 to vector<16xf32>
      %select_n3A_1311 = arith.select %gt3A_1301, %broadcast_in_dim3A_1309, %broadcast_in_dim3A_1310 : vector<16xi1>, vector<16xf32>
      %add3A_1312 = arith.addf %convert_element_type3A_1306, %select_n3A_1311 : vector<16xf32>
      %sub3A_1313 = arith.constant 1.000000e+00 : f32
      %sub3A_1314 = vector.broadcast %sub3A_1313 : f32 to vector<16xf32>
      %sub3A_1315 = arith.subf %select_n3A_1305, %sub3A_1314 : vector<16xf32>
      %mul3A_1316 = arith.constant 0.0703768358 : f32
      %mul3A_1317 = vector.broadcast %mul3A_1316 : f32 to vector<16xf32>
      %mul3A_1318 = arith.mulf %mul3A_1317, %sub3A_1315 : vector<16xf32>
      %add3A_1319 = arith.constant -0.115146101 : f32
      %add3A_1320 = vector.broadcast %add3A_1319 : f32 to vector<16xf32>
      %add3A_1321 = arith.addf %mul3A_1318, %add3A_1320 : vector<16xf32>
      %mul3A_1322 = arith.mulf %add3A_1321, %sub3A_1315 : vector<16xf32>
      %add3A_1323 = arith.constant 0.116769984 : f32
      %add3A_1324 = vector.broadcast %add3A_1323 : f32 to vector<16xf32>
      %add3A_1325 = arith.addf %mul3A_1322, %add3A_1324 : vector<16xf32>
      %mul3A_1326 = arith.mulf %add3A_1325, %sub3A_1315 : vector<16xf32>
      %add3A_1327 = arith.constant -0.12420141 : f32
      %add3A_1328 = vector.broadcast %add3A_1327 : f32 to vector<16xf32>
      %add3A_1329 = arith.addf %mul3A_1326, %add3A_1328 : vector<16xf32>
      %mul3A_1330 = arith.mulf %add3A_1329, %sub3A_1315 : vector<16xf32>
      %add3A_1331 = arith.constant 0.142493233 : f32
      %add3A_1332 = vector.broadcast %add3A_1331 : f32 to vector<16xf32>
      %add3A_1333 = arith.addf %mul3A_1330, %add3A_1332 : vector<16xf32>
      %mul3A_1334 = arith.mulf %add3A_1333, %sub3A_1315 : vector<16xf32>
      %add3A_1335 = arith.constant -0.166680574 : f32
      %add3A_1336 = vector.broadcast %add3A_1335 : f32 to vector<16xf32>
      %add3A_1337 = arith.addf %mul3A_1334, %add3A_1336 : vector<16xf32>
      %mul3A_1338 = arith.mulf %add3A_1337, %sub3A_1315 : vector<16xf32>
      %add3A_1339 = arith.constant 0.200007141 : f32
      %add3A_1340 = vector.broadcast %add3A_1339 : f32 to vector<16xf32>
      %add3A_1341 = arith.addf %mul3A_1338, %add3A_1340 : vector<16xf32>
      %mul3A_1342 = arith.mulf %add3A_1341, %sub3A_1315 : vector<16xf32>
      %add3A_1343 = arith.constant -0.24999994 : f32
      %add3A_1344 = vector.broadcast %add3A_1343 : f32 to vector<16xf32>
      %add3A_1345 = arith.addf %mul3A_1342, %add3A_1344 : vector<16xf32>
      %mul3A_1346 = arith.mulf %add3A_1345, %sub3A_1315 : vector<16xf32>
      %add3A_1347 = arith.constant 0.333333313 : f32
      %add3A_1348 = vector.broadcast %add3A_1347 : f32 to vector<16xf32>
      %add3A_1349 = arith.addf %mul3A_1346, %add3A_1348 : vector<16xf32>
      %mul3A_1350 = arith.mulf %sub3A_1315, %sub3A_1315 : vector<16xf32>
      %mul3A_1351 = arith.mulf %sub3A_1315, %mul3A_1350 : vector<16xf32>
      %mul3A_1352 = arith.mulf %mul3A_1351, %add3A_1349 : vector<16xf32>
      %mul3A_1353 = arith.constant 5.000000e-01 : f32
      %mul3A_1354 = vector.broadcast %mul3A_1353 : f32 to vector<16xf32>
      %mul3A_1355 = arith.mulf %mul3A_1354, %mul3A_1350 : vector<16xf32>
      %sub3A_1356 = arith.subf %mul3A_1352, %mul3A_1355 : vector<16xf32>
      %add3A_1357 = arith.addf %sub3A_1356, %sub3A_1315 : vector<16xf32>
      %mul3A_1358 = arith.constant 0.693147182 : f32
      %mul3A_1359 = vector.broadcast %mul3A_1358 : f32 to vector<16xf32>
      %mul3A_1360 = arith.mulf %add3A_1312, %mul3A_1359 : vector<16xf32>
      %add3A_1361 = arith.addf %add3A_1357, %mul3A_1360 : vector<16xf32>
      %mul3A_1362 = arith.constant 2.000000e+00 : f32
      %mul3A_1363 = vector.broadcast %mul3A_1362 : f32 to vector<16xf32>
      %mul3A_1364 = arith.mulf %mul3A_1363, %get3A_1154 : vector<16xf32>
      %mul3A_1365 = arith.mulf %mul3A_1364, %get3A_1154 : vector<16xf32>
      %sub3A_1366 = arith.subf %add3A_1361, %mul3A_1365 : vector<16xf32>
      %add3A_1367 = arith.addf %sub3A_1260, %sub3A_1366 : vector<16xf32>
      %add3A_1368 = arith.constant -3.2241714 : f32
      %add3A_1369 = vector.broadcast %add3A_1368 : f32 to vector<16xf32>
      %add3A_1370 = arith.addf %add3A_1367, %add3A_1369 : vector<16xf32>
      %swap3A_1371 = arith.index_cast %scan3A_14 : i32 to index
      %swap3A_1372 = arith.constant 80 : index
      %swap3A_1373 = tpu.vector_load %arg6[%swap3A_1371, %swap3A_1372] {strides = array<i32>} : memref<32x128xf32, #tpu.memory_space<vmem>>, vector<1x16xf32>,
      %swap3A_1374 = vector.shape_cast %swap3A_1373 : vector<1x16xf32> to vector<16xf32>
      %swap3A_1375 = vector.shape_cast %add3A_1370 : vector<16xf32> to vector<1x16xf32>
      tpu.vector_store %arg6[%swap3A_1371, %swap3A_1372], %swap3A_1375 {strides = array<i32>} : memref<32x128xf32, #tpu.memory_space<vmem>>, vector<1x16xf32>,
      %get3A_1376 = arith.index_cast %scan3A_14 : i32 to index
      %get3A_1377 = arith.constant 96 : index
      %get3A_1378 = tpu.vector_load %arg4[%get3A_1376, %get3A_1377] {strides = array<i32>} : memref<32x128xf32, #tpu.memory_space<vmem>>, vector<1x16xf32>,
      %get3A_1379 = vector.shape_cast %get3A_1378 : vector<1x16xf32> to vector<16xf32>
      %get3A_1380 = arith.index_cast %scan3A_14 : i32 to index
      %get3A_1381 = arith.constant 96 : index
      %get3A_1382 = tpu.vector_load %arg5[%get3A_1380, %get3A_1381] {strides = array<i32>} : memref<32x128xf32, #tpu.memory_space<vmem>>, vector<1x16xf32>,
      %get3A_1383 = vector.shape_cast %get3A_1382 : vector<1x16xf32> to vector<16xf32>
      %mul3A_1384 = arith.constant 4.000000e+00 : f32
      %mul3A_1385 = vector.broadcast %mul3A_1384 : f32 to vector<16xf32>
      %mul3A_1386 = arith.mulf %get3A_1379, %mul3A_1385 : vector<16xf32>
      %sub3A_1387 = arith.constant 2.000000e+00 : f32
      %sub3A_1388 = vector.broadcast %sub3A_1387 : f32 to vector<16xf32>
      %sub3A_1389 = arith.subf %mul3A_1386, %sub3A_1388 : vector<16xf32>
      %exp3A_1390 = math.exp %sub3A_1389 : vector<16xf32>
      %add3A_1391 = arith.constant 1.000000e+00 : f32
      %add3A_1392 = vector.broadcast %add3A_1391 : f32 to vector<16xf32>
      %add3A_1393 = arith.addf %add3A_1392, %exp3A_1390 : vector<16xf32>
      %add3A_1394 = arith.addf %mul3A_1386, %mul3A_1386 : vector<16xf32>
      %sub3A_1395 = arith.constant 8.000000e+00 : f32
      %sub3A_1396 = vector.broadcast %sub3A_1395 : f32 to vector<16xf32>
      %sub3A_1397 = arith.subf %add3A_1394, %sub3A_1396 : vector<16xf32>
      %exp3A_1398 = math.exp %sub3A_1397 : vector<16xf32>
      %add3A_1399 = arith.addf %add3A_1393, %exp3A_1398 : vector<16xf32>
      %mul3A_1400 = arith.constant 3.000000e+00 : f32
      %mul3A_1401 = vector.broadcast %mul3A_1400 : f32 to vector<16xf32>
      %mul3A_1402 = arith.mulf %mul3A_1386, %mul3A_1401 : vector<16xf32>
      %sub3A_1403 = arith.constant 1.800000e+01 : f32
      %sub3A_1404 = vector.broadcast %sub3A_1403 : f32 to vector<16xf32>
      %sub3A_1405 = arith.subf %mul3A_1402, %sub3A_1404 : vector<16xf32>
      %exp3A_1406 = math.exp %sub3A_1405 : vector<16xf32>
      %add3A_1407 = arith.addf %add3A_1399, %exp3A_1406 : vector<16xf32>
      %bitcast_convert_type3A_1408 = tpu.bitcast %add3A_1407 : vector<16xf32> -> vector<16xi32>
      %shift_right_logical3A_1409 = arith.constant 23 : i32
      %shift_right_logical3A_1410 = vector.broadcast %shift_right_logical3A_1409 : i32 to vector<16xi32>
      %shift_right_logical3A_1411 = arith.shrui %bitcast_convert_type3A_1408, %shift_right_logical3A_1410 : vector<16xi32>
      %sub3A_1412 = arith.constant 127 : i32
      %sub3A_1413 = vector.broadcast %sub3A_1412 : i32 to vector<16xi32>
      %sub3A_1414 = arith.subi %shift_right_logical3A_1411, %sub3A_1413 : vector<16xi32>
      %and3A_1415 = arith.constant 8388607 : i32
      %and3A_1416 = vector.broadcast %and3A_1415 : i32 to vector<16xi32>
      %and3A_1417 = arith.andi %bitcast_convert_type3A_1408, %and3A_1416 : vector<16xi32>
      %or3A_1418 = arith.constant 1065353216 : i32
      %or3A_1419 = vector.broadcast %or3A_1418 : i32 to vector<16xi32>
      %or3A_1420 = arith.ori %and3A_1417, %or3A_1419 : vector<16xi32>
      %bitcast_convert_type3A_1421 = tpu.bitcast %or3A_1420 : vector<16xi32> -> vector<16xf32>
      %gt3A_1422 = arith.constant 1.41421354 : f32
      %gt3A_1423 = vector.broadcast %gt3A_1422 : f32 to vector<16xf32>
      %gt3A_1424 = arith.cmpf ogt, %bitcast_convert_type3A_1421, %gt3A_1423 : vector<16xf32>
      %mul3A_1425 = arith.constant 5.000000e-01 : f32
      %mul3A_1426 = vector.broadcast %mul3A_1425 : f32 to vector<16xf32>
      %mul3A_1427 = arith.mulf %bitcast_convert_type3A_1421, %mul3A_1426 : vector<16xf32>
      %select_n3A_1428 = arith.select %gt3A_1424, %mul3A_1427, %bitcast_convert_type3A_1421 : vector<16xi1>, vector<16xf32>
      %convert_element_type3A_1429 = arith.sitofp %sub3A_1414 : vector<16xi32> to vector<16xf32>
      %jit3A_1430 = arith.constant 1.000000e+00 : f32
      %jit3A_1431 = arith.constant 0.000000e+00 : f32
      %broadcast_in_dim3A_1432 = vector.broadcast %jit3A_1430 : f32 to vector<16xf32>
      %broadcast_in_dim3A_1433 = vector.broadcast %jit3A_1431 : f32 to vector<16xf32>
      %select_n3A_1434 = arith.select %gt3A_1424, %broadcast_in_dim3A_1432, %broadcast_in_dim3A_1433 : vector<16xi1>, vector<16xf32>
      %add3A_1435 = arith.addf %convert_element_type3A_1429, %select_n3A_1434 : vector<16xf32>
      %sub3A_1436 = arith.constant 1.000000e+00 : f32
      %sub3A_1437 = vector.broadcast %sub3A_1436 : f32 to vector<16xf32>
      %sub3A_1438 = arith.subf %select_n3A_1428, %sub3A_1437 : vector<16xf32>
      %mul3A_1439 = arith.constant 0.0703768358 : f32
      %mul3A_1440 = vector.broadcast %mul3A_1439 : f32 to vector<16xf32>
      %mul3A_1441 = arith.mulf %mul3A_1440, %sub3A_1438 : vector<16xf32>
      %add3A_1442 = arith.constant -0.115146101 : f32
      %add3A_1443 = vector.broadcast %add3A_1442 : f32 to vector<16xf32>
      %add3A_1444 = arith.addf %mul3A_1441, %add3A_1443 : vector<16xf32>
      %mul3A_1445 = arith.mulf %add3A_1444, %sub3A_1438 : vector<16xf32>
      %add3A_1446 = arith.constant 0.116769984 : f32
      %add3A_1447 = vector.broadcast %add3A_1446 : f32 to vector<16xf32>
      %add3A_1448 = arith.addf %mul3A_1445, %add3A_1447 : vector<16xf32>
      %mul3A_1449 = arith.mulf %add3A_1448, %sub3A_1438 : vector<16xf32>
      %add3A_1450 = arith.constant -0.12420141 : f32
      %add3A_1451 = vector.broadcast %add3A_1450 : f32 to vector<16xf32>
      %add3A_1452 = arith.addf %mul3A_1449, %add3A_1451 : vector<16xf32>
      %mul3A_1453 = arith.mulf %add3A_1452, %sub3A_1438 : vector<16xf32>
      %add3A_1454 = arith.constant 0.142493233 : f32
      %add3A_1455 = vector.broadcast %add3A_1454 : f32 to vector<16xf32>
      %add3A_1456 = arith.addf %mul3A_1453, %add3A_1455 : vector<16xf32>
      %mul3A_1457 = arith.mulf %add3A_1456, %sub3A_1438 : vector<16xf32>
      %add3A_1458 = arith.constant -0.166680574 : f32
      %add3A_1459 = vector.broadcast %add3A_1458 : f32 to vector<16xf32>
      %add3A_1460 = arith.addf %mul3A_1457, %add3A_1459 : vector<16xf32>
      %mul3A_1461 = arith.mulf %add3A_1460, %sub3A_1438 : vector<16xf32>
      %add3A_1462 = arith.constant 0.200007141 : f32
      %add3A_1463 = vector.broadcast %add3A_1462 : f32 to vector<16xf32>
      %add3A_1464 = arith.addf %mul3A_1461, %add3A_1463 : vector<16xf32>
      %mul3A_1465 = arith.mulf %add3A_1464, %sub3A_1438 : vector<16xf32>
      %add3A_1466 = arith.constant -0.24999994 : f32
      %add3A_1467 = vector.broadcast %add3A_1466 : f32 to vector<16xf32>
      %add3A_1468 = arith.addf %mul3A_1465, %add3A_1467 : vector<16xf32>
      %mul3A_1469 = arith.mulf %add3A_1468, %sub3A_1438 : vector<16xf32>
      %add3A_1470 = arith.constant 0.333333313 : f32
      %add3A_1471 = vector.broadcast %add3A_1470 : f32 to vector<16xf32>
      %add3A_1472 = arith.addf %mul3A_1469, %add3A_1471 : vector<16xf32>
      %mul3A_1473 = arith.mulf %sub3A_1438, %sub3A_1438 : vector<16xf32>
      %mul3A_1474 = arith.mulf %sub3A_1438, %mul3A_1473 : vector<16xf32>
      %mul3A_1475 = arith.mulf %mul3A_1474, %add3A_1472 : vector<16xf32>
      %mul3A_1476 = arith.constant 5.000000e-01 : f32
      %mul3A_1477 = vector.broadcast %mul3A_1476 : f32 to vector<16xf32>
      %mul3A_1478 = arith.mulf %mul3A_1477, %mul3A_1473 : vector<16xf32>
      %sub3A_1479 = arith.subf %mul3A_1475, %mul3A_1478 : vector<16xf32>
      %add3A_1480 = arith.addf %sub3A_1479, %sub3A_1438 : vector<16xf32>
      %mul3A_1481 = arith.constant 0.693147182 : f32
      %mul3A_1482 = vector.broadcast %mul3A_1481 : f32 to vector<16xf32>
      %mul3A_1483 = arith.mulf %add3A_1435, %mul3A_1482 : vector<16xf32>
      %add3A_1484 = arith.addf %add3A_1480, %mul3A_1483 : vector<16xf32>
      %mul3A_1485 = arith.constant 2.000000e+00 : f32
      %mul3A_1486 = vector.broadcast %mul3A_1485 : f32 to vector<16xf32>
      %mul3A_1487 = arith.mulf %mul3A_1486, %get3A_1379 : vector<16xf32>
      %mul3A_1488 = arith.mulf %mul3A_1487, %get3A_1379 : vector<16xf32>
      %sub3A_1489 = arith.subf %add3A_1484, %mul3A_1488 : vector<16xf32>
      %mul3A_1490 = arith.constant 4.000000e+00 : f32
      %mul3A_1491 = vector.broadcast %mul3A_1490 : f32 to vector<16xf32>
      %mul3A_1492 = arith.mulf %get3A_1383, %mul3A_1491 : vector<16xf32>
      %sub3A_1493 = arith.constant 2.000000e+00 : f32
      %sub3A_1494 = vector.broadcast %sub3A_1493 : f32 to vector<16xf32>
      %sub3A_1495 = arith.subf %mul3A_1492, %sub3A_1494 : vector<16xf32>
      %exp3A_1496 = math.exp %sub3A_1495 : vector<16xf32>
      %add3A_1497 = arith.constant 1.000000e+00 : f32
      %add3A_1498 = vector.broadcast %add3A_1497 : f32 to vector<16xf32>
      %add3A_1499 = arith.addf %add3A_1498, %exp3A_1496 : vector<16xf32>
      %add3A_1500 = arith.addf %mul3A_1492, %mul3A_1492 : vector<16xf32>
      %sub3A_1501 = arith.constant 8.000000e+00 : f32
      %sub3A_1502 = vector.broadcast %sub3A_1501 : f32 to vector<16xf32>
      %sub3A_1503 = arith.subf %add3A_1500, %sub3A_1502 : vector<16xf32>
      %exp3A_1504 = math.exp %sub3A_1503 : vector<16xf32>
      %add3A_1505 = arith.addf %add3A_1499, %exp3A_1504 : vector<16xf32>
      %mul3A_1506 = arith.constant 3.000000e+00 : f32
      %mul3A_1507 = vector.broadcast %mul3A_1506 : f32 to vector<16xf32>
      %mul3A_1508 = arith.mulf %mul3A_1492, %mul3A_1507 : vector<16xf32>
      %sub3A_1509 = arith.constant 1.800000e+01 : f32
      %sub3A_1510 = vector.broadcast %sub3A_1509 : f32 to vector<16xf32>
      %sub3A_1511 = arith.subf %mul3A_1508, %sub3A_1510 : vector<16xf32>
      %exp3A_1512 = math.exp %sub3A_1511 : vector<16xf32>
      %add3A_1513 = arith.addf %add3A_1505, %exp3A_1512 : vector<16xf32>
      %bitcast_convert_type3A_1514 = tpu.bitcast %add3A_1513 : vector<16xf32> -> vector<16xi32>
      %shift_right_logical3A_1515 = arith.constant 23 : i32
      %shift_right_logical3A_1516 = vector.broadcast %shift_right_logical3A_1515 : i32 to vector<16xi32>
      %shift_right_logical3A_1517 = arith.shrui %bitcast_convert_type3A_1514, %shift_right_logical3A_1516 : vector<16xi32>
      %sub3A_1518 = arith.constant 127 : i32
      %sub3A_1519 = vector.broadcast %sub3A_1518 : i32 to vector<16xi32>
      %sub3A_1520 = arith.subi %shift_right_logical3A_1517, %sub3A_1519 : vector<16xi32>
      %and3A_1521 = arith.constant 8388607 : i32
      %and3A_1522 = vector.broadcast %and3A_1521 : i32 to vector<16xi32>
      %and3A_1523 = arith.andi %bitcast_convert_type3A_1514, %and3A_1522 : vector<16xi32>
      %or3A_1524 = arith.constant 1065353216 : i32
      %or3A_1525 = vector.broadcast %or3A_1524 : i32 to vector<16xi32>
      %or3A_1526 = arith.ori %and3A_1523, %or3A_1525 : vector<16xi32>
      %bitcast_convert_type3A_1527 = tpu.bitcast %or3A_1526 : vector<16xi32> -> vector<16xf32>
      %gt3A_1528 = arith.constant 1.41421354 : f32
      %gt3A_1529 = vector.broadcast %gt3A_1528 : f32 to vector<16xf32>
      %gt3A_1530 = arith.cmpf ogt, %bitcast_convert_type3A_1527, %gt3A_1529 : vector<16xf32>
      %mul3A_1531 = arith.constant 5.000000e-01 : f32
      %mul3A_1532 = vector.broadcast %mul3A_1531 : f32 to vector<16xf32>
      %mul3A_1533 = arith.mulf %bitcast_convert_type3A_1527, %mul3A_1532 : vector<16xf32>
      %select_n3A_1534 = arith.select %gt3A_1530, %mul3A_1533, %bitcast_convert_type3A_1527 : vector<16xi1>, vector<16xf32>
      %convert_element_type3A_1535 = arith.sitofp %sub3A_1520 : vector<16xi32> to vector<16xf32>
      %jit3A_1536 = arith.constant 1.000000e+00 : f32
      %jit3A_1537 = arith.constant 0.000000e+00 : f32
      %broadcast_in_dim3A_1538 = vector.broadcast %jit3A_1536 : f32 to vector<16xf32>
      %broadcast_in_dim3A_1539 = vector.broadcast %jit3A_1537 : f32 to vector<16xf32>
      %select_n3A_1540 = arith.select %gt3A_1530, %broadcast_in_dim3A_1538, %broadcast_in_dim3A_1539 : vector<16xi1>, vector<16xf32>
      %add3A_1541 = arith.addf %convert_element_type3A_1535, %select_n3A_1540 : vector<16xf32>
      %sub3A_1542 = arith.constant 1.000000e+00 : f32
      %sub3A_1543 = vector.broadcast %sub3A_1542 : f32 to vector<16xf32>
      %sub3A_1544 = arith.subf %select_n3A_1534, %sub3A_1543 : vector<16xf32>
      %mul3A_1545 = arith.constant 0.0703768358 : f32
      %mul3A_1546 = vector.broadcast %mul3A_1545 : f32 to vector<16xf32>
      %mul3A_1547 = arith.mulf %mul3A_1546, %sub3A_1544 : vector<16xf32>
      %add3A_1548 = arith.constant -0.115146101 : f32
      %add3A_1549 = vector.broadcast %add3A_1548 : f32 to vector<16xf32>
      %add3A_1550 = arith.addf %mul3A_1547, %add3A_1549 : vector<16xf32>
      %mul3A_1551 = arith.mulf %add3A_1550, %sub3A_1544 : vector<16xf32>
      %add3A_1552 = arith.constant 0.116769984 : f32
      %add3A_1553 = vector.broadcast %add3A_1552 : f32 to vector<16xf32>
      %add3A_1554 = arith.addf %mul3A_1551, %add3A_1553 : vector<16xf32>
      %mul3A_1555 = arith.mulf %add3A_1554, %sub3A_1544 : vector<16xf32>
      %add3A_1556 = arith.constant -0.12420141 : f32
      %add3A_1557 = vector.broadcast %add3A_1556 : f32 to vector<16xf32>
      %add3A_1558 = arith.addf %mul3A_1555, %add3A_1557 : vector<16xf32>
      %mul3A_1559 = arith.mulf %add3A_1558, %sub3A_1544 : vector<16xf32>
      %add3A_1560 = arith.constant 0.142493233 : f32
      %add3A_1561 = vector.broadcast %add3A_1560 : f32 to vector<16xf32>
      %add3A_1562 = arith.addf %mul3A_1559, %add3A_1561 : vector<16xf32>
      %mul3A_1563 = arith.mulf %add3A_1562, %sub3A_1544 : vector<16xf32>
      %add3A_1564 = arith.constant -0.166680574 : f32
      %add3A_1565 = vector.broadcast %add3A_1564 : f32 to vector<16xf32>
      %add3A_1566 = arith.addf %mul3A_1563, %add3A_1565 : vector<16xf32>
      %mul3A_1567 = arith.mulf %add3A_1566, %sub3A_1544 : vector<16xf32>
      %add3A_1568 = arith.constant 0.200007141 : f32
      %add3A_1569 = vector.broadcast %add3A_1568 : f32 to vector<16xf32>
      %add3A_1570 = arith.addf %mul3A_1567, %add3A_1569 : vector<16xf32>
      %mul3A_1571 = arith.mulf %add3A_1570, %sub3A_1544 : vector<16xf32>
      %add3A_1572 = arith.constant -0.24999994 : f32
      %add3A_1573 = vector.broadcast %add3A_1572 : f32 to vector<16xf32>
      %add3A_1574 = arith.addf %mul3A_1571, %add3A_1573 : vector<16xf32>
      %mul3A_1575 = arith.mulf %add3A_1574, %sub3A_1544 : vector<16xf32>
      %add3A_1576 = arith.constant 0.333333313 : f32
      %add3A_1577 = vector.broadcast %add3A_1576 : f32 to vector<16xf32>
      %add3A_1578 = arith.addf %mul3A_1575, %add3A_1577 : vector<16xf32>
      %mul3A_1579 = arith.mulf %sub3A_1544, %sub3A_1544 : vector<16xf32>
      %mul3A_1580 = arith.mulf %sub3A_1544, %mul3A_1579 : vector<16xf32>
      %mul3A_1581 = arith.mulf %mul3A_1580, %add3A_1578 : vector<16xf32>
      %mul3A_1582 = arith.constant 5.000000e-01 : f32
      %mul3A_1583 = vector.broadcast %mul3A_1582 : f32 to vector<16xf32>
      %mul3A_1584 = arith.mulf %mul3A_1583, %mul3A_1579 : vector<16xf32>
      %sub3A_1585 = arith.subf %mul3A_1581, %mul3A_1584 : vector<16xf32>
      %add3A_1586 = arith.addf %sub3A_1585, %sub3A_1544 : vector<16xf32>
      %mul3A_1587 = arith.constant 0.693147182 : f32
      %mul3A_1588 = vector.broadcast %mul3A_1587 : f32 to vector<16xf32>
      %mul3A_1589 = arith.mulf %add3A_1541, %mul3A_1588 : vector<16xf32>
      %add3A_1590 = arith.addf %add3A_1586, %mul3A_1589 : vector<16xf32>
      %mul3A_1591 = arith.constant 2.000000e+00 : f32
      %mul3A_1592 = vector.broadcast %mul3A_1591 : f32 to vector<16xf32>
      %mul3A_1593 = arith.mulf %mul3A_1592, %get3A_1383 : vector<16xf32>
      %mul3A_1594 = arith.mulf %mul3A_1593, %get3A_1383 : vector<16xf32>
      %sub3A_1595 = arith.subf %add3A_1590, %mul3A_1594 : vector<16xf32>
      %add3A_1596 = arith.addf %sub3A_1489, %sub3A_1595 : vector<16xf32>
      %add3A_1597 = arith.constant -3.2241714 : f32
      %add3A_1598 = vector.broadcast %add3A_1597 : f32 to vector<16xf32>
      %add3A_1599 = arith.addf %add3A_1596, %add3A_1598 : vector<16xf32>
      %swap3A_1600 = arith.index_cast %scan3A_14 : i32 to index
      %swap3A_1601 = arith.constant 96 : index
      %swap3A_1602 = tpu.vector_load %arg6[%swap3A_1600, %swap3A_1601] {strides = array<i32>} : memref<32x128xf32, #tpu.memory_space<vmem>>, vector<1x16xf32>,
      %swap3A_1603 = vector.shape_cast %swap3A_1602 : vector<1x16xf32> to vector<16xf32>
      %swap3A_1604 = vector.shape_cast %add3A_1599 : vector<16xf32> to vector<1x16xf32>
      tpu.vector_store %arg6[%swap3A_1600, %swap3A_1601], %swap3A_1604 {strides = array<i32>} : memref<32x128xf32, #tpu.memory_space<vmem>>, vector<1x16xf32>,
      %get3A_1605 = arith.index_cast %scan3A_14 : i32 to index
      %get3A_1606 = arith.constant 112 : index
      %get3A_1607 = tpu.vector_load %arg4[%get3A_1605, %get3A_1606] {strides = array<i32>} : memref<32x128xf32, #tpu.memory_space<vmem>>, vector<1x16xf32>,
      %get3A_1608 = vector.shape_cast %get3A_1607 : vector<1x16xf32> to vector<16xf32>
      %get3A_1609 = arith.index_cast %scan3A_14 : i32 to index
      %get3A_1610 = arith.constant 112 : index
      %get3A_1611 = tpu.vector_load %arg5[%get3A_1609, %get3A_1610] {strides = array<i32>} : memref<32x128xf32, #tpu.memory_space<vmem>>, vector<1x16xf32>,
      %get3A_1612 = vector.shape_cast %get3A_1611 : vector<1x16xf32> to vector<16xf32>
      %mul3A_1613 = arith.constant 4.000000e+00 : f32
      %mul3A_1614 = vector.broadcast %mul3A_1613 : f32 to vector<16xf32>
      %mul3A_1615 = arith.mulf %get3A_1608, %mul3A_1614 : vector<16xf32>
      %sub3A_1616 = arith.constant 2.000000e+00 : f32
      %sub3A_1617 = vector.broadcast %sub3A_1616 : f32 to vector<16xf32>
      %sub3A_1618 = arith.subf %mul3A_1615, %sub3A_1617 : vector<16xf32>
      %exp3A_1619 = math.exp %sub3A_1618 : vector<16xf32>
      %add3A_1620 = arith.constant 1.000000e+00 : f32
      %add3A_1621 = vector.broadcast %add3A_1620 : f32 to vector<16xf32>
      %add3A_1622 = arith.addf %add3A_1621, %exp3A_1619 : vector<16xf32>
      %add3A_1623 = arith.addf %mul3A_1615, %mul3A_1615 : vector<16xf32>
      %sub3A_1624 = arith.constant 8.000000e+00 : f32
      %sub3A_1625 = vector.broadcast %sub3A_1624 : f32 to vector<16xf32>
      %sub3A_1626 = arith.subf %add3A_1623, %sub3A_1625 : vector<16xf32>
      %exp3A_1627 = math.exp %sub3A_1626 : vector<16xf32>
      %add3A_1628 = arith.addf %add3A_1622, %exp3A_1627 : vector<16xf32>
      %mul3A_1629 = arith.constant 3.000000e+00 : f32
      %mul3A_1630 = vector.broadcast %mul3A_1629 : f32 to vector<16xf32>
      %mul3A_1631 = arith.mulf %mul3A_1615, %mul3A_1630 : vector<16xf32>
      %sub3A_1632 = arith.constant 1.800000e+01 : f32
      %sub3A_1633 = vector.broadcast %sub3A_1632 : f32 to vector<16xf32>
      %sub3A_1634 = arith.subf %mul3A_1631, %sub3A_1633 : vector<16xf32>
      %exp3A_1635 = math.exp %sub3A_1634 : vector<16xf32>
      %add3A_1636 = arith.addf %add3A_1628, %exp3A_1635 : vector<16xf32>
      %bitcast_convert_type3A_1637 = tpu.bitcast %add3A_1636 : vector<16xf32> -> vector<16xi32>
      %shift_right_logical3A_1638 = arith.constant 23 : i32
      %shift_right_logical3A_1639 = vector.broadcast %shift_right_logical3A_1638 : i32 to vector<16xi32>
      %shift_right_logical3A_1640 = arith.shrui %bitcast_convert_type3A_1637, %shift_right_logical3A_1639 : vector<16xi32>
      %sub3A_1641 = arith.constant 127 : i32
      %sub3A_1642 = vector.broadcast %sub3A_1641 : i32 to vector<16xi32>
      %sub3A_1643 = arith.subi %shift_right_logical3A_1640, %sub3A_1642 : vector<16xi32>
      %and3A_1644 = arith.constant 8388607 : i32
      %and3A_1645 = vector.broadcast %and3A_1644 : i32 to vector<16xi32>
      %and3A_1646 = arith.andi %bitcast_convert_type3A_1637, %and3A_1645 : vector<16xi32>
      %or3A_1647 = arith.constant 1065353216 : i32
      %or3A_1648 = vector.broadcast %or3A_1647 : i32 to vector<16xi32>
      %or3A_1649 = arith.ori %and3A_1646, %or3A_1648 : vector<16xi32>
      %bitcast_convert_type3A_1650 = tpu.bitcast %or3A_1649 : vector<16xi32> -> vector<16xf32>
      %gt3A_1651 = arith.constant 1.41421354 : f32
      %gt3A_1652 = vector.broadcast %gt3A_1651 : f32 to vector<16xf32>
      %gt3A_1653 = arith.cmpf ogt, %bitcast_convert_type3A_1650, %gt3A_1652 : vector<16xf32>
      %mul3A_1654 = arith.constant 5.000000e-01 : f32
      %mul3A_1655 = vector.broadcast %mul3A_1654 : f32 to vector<16xf32>
      %mul3A_1656 = arith.mulf %bitcast_convert_type3A_1650, %mul3A_1655 : vector<16xf32>
      %select_n3A_1657 = arith.select %gt3A_1653, %mul3A_1656, %bitcast_convert_type3A_1650 : vector<16xi1>, vector<16xf32>
      %convert_element_type3A_1658 = arith.sitofp %sub3A_1643 : vector<16xi32> to vector<16xf32>
      %jit3A_1659 = arith.constant 1.000000e+00 : f32
      %jit3A_1660 = arith.constant 0.000000e+00 : f32
      %broadcast_in_dim3A_1661 = vector.broadcast %jit3A_1659 : f32 to vector<16xf32>
      %broadcast_in_dim3A_1662 = vector.broadcast %jit3A_1660 : f32 to vector<16xf32>
      %select_n3A_1663 = arith.select %gt3A_1653, %broadcast_in_dim3A_1661, %broadcast_in_dim3A_1662 : vector<16xi1>, vector<16xf32>
      %add3A_1664 = arith.addf %convert_element_type3A_1658, %select_n3A_1663 : vector<16xf32>
      %sub3A_1665 = arith.constant 1.000000e+00 : f32
      %sub3A_1666 = vector.broadcast %sub3A_1665 : f32 to vector<16xf32>
      %sub3A_1667 = arith.subf %select_n3A_1657, %sub3A_1666 : vector<16xf32>
      %mul3A_1668 = arith.constant 0.0703768358 : f32
      %mul3A_1669 = vector.broadcast %mul3A_1668 : f32 to vector<16xf32>
      %mul3A_1670 = arith.mulf %mul3A_1669, %sub3A_1667 : vector<16xf32>
      %add3A_1671 = arith.constant -0.115146101 : f32
      %add3A_1672 = vector.broadcast %add3A_1671 : f32 to vector<16xf32>
      %add3A_1673 = arith.addf %mul3A_1670, %add3A_1672 : vector<16xf32>
      %mul3A_1674 = arith.mulf %add3A_1673, %sub3A_1667 : vector<16xf32>
      %add3A_1675 = arith.constant 0.116769984 : f32
      %add3A_1676 = vector.broadcast %add3A_1675 : f32 to vector<16xf32>
      %add3A_1677 = arith.addf %mul3A_1674, %add3A_1676 : vector<16xf32>
      %mul3A_1678 = arith.mulf %add3A_1677, %sub3A_1667 : vector<16xf32>
      %add3A_1679 = arith.constant -0.12420141 : f32
      %add3A_1680 = vector.broadcast %add3A_1679 : f32 to vector<16xf32>
      %add3A_1681 = arith.addf %mul3A_1678, %add3A_1680 : vector<16xf32>
      %mul3A_1682 = arith.mulf %add3A_1681, %sub3A_1667 : vector<16xf32>
      %add3A_1683 = arith.constant 0.142493233 : f32
      %add3A_1684 = vector.broadcast %add3A_1683 : f32 to vector<16xf32>
      %add3A_1685 = arith.addf %mul3A_1682, %add3A_1684 : vector<16xf32>
      %mul3A_1686 = arith.mulf %add3A_1685, %sub3A_1667 : vector<16xf32>
      %add3A_1687 = arith.constant -0.166680574 : f32
      %add3A_1688 = vector.broadcast %add3A_1687 : f32 to vector<16xf32>
      %add3A_1689 = arith.addf %mul3A_1686, %add3A_1688 : vector<16xf32>
      %mul3A_1690 = arith.mulf %add3A_1689, %sub3A_1667 : vector<16xf32>
      %add3A_1691 = arith.constant 0.200007141 : f32
      %add3A_1692 = vector.broadcast %add3A_1691 : f32 to vector<16xf32>
      %add3A_1693 = arith.addf %mul3A_1690, %add3A_1692 : vector<16xf32>
      %mul3A_1694 = arith.mulf %add3A_1693, %sub3A_1667 : vector<16xf32>
      %add3A_1695 = arith.constant -0.24999994 : f32
      %add3A_1696 = vector.broadcast %add3A_1695 : f32 to vector<16xf32>
      %add3A_1697 = arith.addf %mul3A_1694, %add3A_1696 : vector<16xf32>
      %mul3A_1698 = arith.mulf %add3A_1697, %sub3A_1667 : vector<16xf32>
      %add3A_1699 = arith.constant 0.333333313 : f32
      %add3A_1700 = vector.broadcast %add3A_1699 : f32 to vector<16xf32>
      %add3A_1701 = arith.addf %mul3A_1698, %add3A_1700 : vector<16xf32>
      %mul3A_1702 = arith.mulf %sub3A_1667, %sub3A_1667 : vector<16xf32>
      %mul3A_1703 = arith.mulf %sub3A_1667, %mul3A_1702 : vector<16xf32>
      %mul3A_1704 = arith.mulf %mul3A_1703, %add3A_1701 : vector<16xf32>
      %mul3A_1705 = arith.constant 5.000000e-01 : f32
      %mul3A_1706 = vector.broadcast %mul3A_1705 : f32 to vector<16xf32>
      %mul3A_1707 = arith.mulf %mul3A_1706, %mul3A_1702 : vector<16xf32>
      %sub3A_1708 = arith.subf %mul3A_1704, %mul3A_1707 : vector<16xf32>
      %add3A_1709 = arith.addf %sub3A_1708, %sub3A_1667 : vector<16xf32>
      %mul3A_1710 = arith.constant 0.693147182 : f32
      %mul3A_1711 = vector.broadcast %mul3A_1710 : f32 to vector<16xf32>
      %mul3A_1712 = arith.mulf %add3A_1664, %mul3A_1711 : vector<16xf32>
      %add3A_1713 = arith.addf %add3A_1709, %mul3A_1712 : vector<16xf32>
      %mul3A_1714 = arith.constant 2.000000e+00 : f32
      %mul3A_1715 = vector.broadcast %mul3A_1714 : f32 to vector<16xf32>
      %mul3A_1716 = arith.mulf %mul3A_1715, %get3A_1608 : vector<16xf32>
      %mul3A_1717 = arith.mulf %mul3A_1716, %get3A_1608 : vector<16xf32>
      %sub3A_1718 = arith.subf %add3A_1713, %mul3A_1717 : vector<16xf32>
      %mul3A_1719 = arith.constant 4.000000e+00 : f32
      %mul3A_1720 = vector.broadcast %mul3A_1719 : f32 to vector<16xf32>
      %mul3A_1721 = arith.mulf %get3A_1612, %mul3A_1720 : vector<16xf32>
      %sub3A_1722 = arith.constant 2.000000e+00 : f32
      %sub3A_1723 = vector.broadcast %sub3A_1722 : f32 to vector<16xf32>
      %sub3A_1724 = arith.subf %mul3A_1721, %sub3A_1723 : vector<16xf32>
      %exp3A_1725 = math.exp %sub3A_1724 : vector<16xf32>
      %add3A_1726 = arith.constant 1.000000e+00 : f32
      %add3A_1727 = vector.broadcast %add3A_1726 : f32 to vector<16xf32>
      %add3A_1728 = arith.addf %add3A_1727, %exp3A_1725 : vector<16xf32>
      %add3A_1729 = arith.addf %mul3A_1721, %mul3A_1721 : vector<16xf32>
      %sub3A_1730 = arith.constant 8.000000e+00 : f32
      %sub3A_1731 = vector.broadcast %sub3A_1730 : f32 to vector<16xf32>
      %sub3A_1732 = arith.subf %add3A_1729, %sub3A_1731 : vector<16xf32>
      %exp3A_1733 = math.exp %sub3A_1732 : vector<16xf32>
      %add3A_1734 = arith.addf %add3A_1728, %exp3A_1733 : vector<16xf32>
      %mul3A_1735 = arith.constant 3.000000e+00 : f32
      %mul3A_1736 = vector.broadcast %mul3A_1735 : f32 to vector<16xf32>
      %mul3A_1737 = arith.mulf %mul3A_1721, %mul3A_1736 : vector<16xf32>
      %sub3A_1738 = arith.constant 1.800000e+01 : f32
      %sub3A_1739 = vector.broadcast %sub3A_1738 : f32 to vector<16xf32>
      %sub3A_1740 = arith.subf %mul3A_1737, %sub3A_1739 : vector<16xf32>
      %exp3A_1741 = math.exp %sub3A_1740 : vector<16xf32>
      %add3A_1742 = arith.addf %add3A_1734, %exp3A_1741 : vector<16xf32>
      %bitcast_convert_type3A_1743 = tpu.bitcast %add3A_1742 : vector<16xf32> -> vector<16xi32>
      %shift_right_logical3A_1744 = arith.constant 23 : i32
      %shift_right_logical3A_1745 = vector.broadcast %shift_right_logical3A_1744 : i32 to vector<16xi32>
      %shift_right_logical3A_1746 = arith.shrui %bitcast_convert_type3A_1743, %shift_right_logical3A_1745 : vector<16xi32>
      %sub3A_1747 = arith.constant 127 : i32
      %sub3A_1748 = vector.broadcast %sub3A_1747 : i32 to vector<16xi32>
      %sub3A_1749 = arith.subi %shift_right_logical3A_1746, %sub3A_1748 : vector<16xi32>
      %and3A_1750 = arith.constant 8388607 : i32
      %and3A_1751 = vector.broadcast %and3A_1750 : i32 to vector<16xi32>
      %and3A_1752 = arith.andi %bitcast_convert_type3A_1743, %and3A_1751 : vector<16xi32>
      %or3A_1753 = arith.constant 1065353216 : i32
      %or3A_1754 = vector.broadcast %or3A_1753 : i32 to vector<16xi32>
      %or3A_1755 = arith.ori %and3A_1752, %or3A_1754 : vector<16xi32>
      %bitcast_convert_type3A_1756 = tpu.bitcast %or3A_1755 : vector<16xi32> -> vector<16xf32>
      %gt3A_1757 = arith.constant 1.41421354 : f32
      %gt3A_1758 = vector.broadcast %gt3A_1757 : f32 to vector<16xf32>
      %gt3A_1759 = arith.cmpf ogt, %bitcast_convert_type3A_1756, %gt3A_1758 : vector<16xf32>
      %mul3A_1760 = arith.constant 5.000000e-01 : f32
      %mul3A_1761 = vector.broadcast %mul3A_1760 : f32 to vector<16xf32>
      %mul3A_1762 = arith.mulf %bitcast_convert_type3A_1756, %mul3A_1761 : vector<16xf32>
      %select_n3A_1763 = arith.select %gt3A_1759, %mul3A_1762, %bitcast_convert_type3A_1756 : vector<16xi1>, vector<16xf32>
      %convert_element_type3A_1764 = arith.sitofp %sub3A_1749 : vector<16xi32> to vector<16xf32>
      %jit3A_1765 = arith.constant 1.000000e+00 : f32
      %jit3A_1766 = arith.constant 0.000000e+00 : f32
      %broadcast_in_dim3A_1767 = vector.broadcast %jit3A_1765 : f32 to vector<16xf32>
      %broadcast_in_dim3A_1768 = vector.broadcast %jit3A_1766 : f32 to vector<16xf32>
      %select_n3A_1769 = arith.select %gt3A_1759, %broadcast_in_dim3A_1767, %broadcast_in_dim3A_1768 : vector<16xi1>, vector<16xf32>
      %add3A_1770 = arith.addf %convert_element_type3A_1764, %select_n3A_1769 : vector<16xf32>
      %sub3A_1771 = arith.constant 1.000000e+00 : f32
      %sub3A_1772 = vector.broadcast %sub3A_1771 : f32 to vector<16xf32>
      %sub3A_1773 = arith.subf %select_n3A_1763, %sub3A_1772 : vector<16xf32>
      %mul3A_1774 = arith.constant 0.0703768358 : f32
      %mul3A_1775 = vector.broadcast %mul3A_1774 : f32 to vector<16xf32>
      %mul3A_1776 = arith.mulf %mul3A_1775, %sub3A_1773 : vector<16xf32>
      %add3A_1777 = arith.constant -0.115146101 : f32
      %add3A_1778 = vector.broadcast %add3A_1777 : f32 to vector<16xf32>
      %add3A_1779 = arith.addf %mul3A_1776, %add3A_1778 : vector<16xf32>
      %mul3A_1780 = arith.mulf %add3A_1779, %sub3A_1773 : vector<16xf32>
      %add3A_1781 = arith.constant 0.116769984 : f32
      %add3A_1782 = vector.broadcast %add3A_1781 : f32 to vector<16xf32>
      %add3A_1783 = arith.addf %mul3A_1780, %add3A_1782 : vector<16xf32>
      %mul3A_1784 = arith.mulf %add3A_1783, %sub3A_1773 : vector<16xf32>
      %add3A_1785 = arith.constant -0.12420141 : f32
      %add3A_1786 = vector.broadcast %add3A_1785 : f32 to vector<16xf32>
      %add3A_1787 = arith.addf %mul3A_1784, %add3A_1786 : vector<16xf32>
      %mul3A_1788 = arith.mulf %add3A_1787, %sub3A_1773 : vector<16xf32>
      %add3A_1789 = arith.constant 0.142493233 : f32
      %add3A_1790 = vector.broadcast %add3A_1789 : f32 to vector<16xf32>
      %add3A_1791 = arith.addf %mul3A_1788, %add3A_1790 : vector<16xf32>
      %mul3A_1792 = arith.mulf %add3A_1791, %sub3A_1773 : vector<16xf32>
      %add3A_1793 = arith.constant -0.166680574 : f32
      %add3A_1794 = vector.broadcast %add3A_1793 : f32 to vector<16xf32>
      %add3A_1795 = arith.addf %mul3A_1792, %add3A_1794 : vector<16xf32>
      %mul3A_1796 = arith.mulf %add3A_1795, %sub3A_1773 : vector<16xf32>
      %add3A_1797 = arith.constant 0.200007141 : f32
      %add3A_1798 = vector.broadcast %add3A_1797 : f32 to vector<16xf32>
      %add3A_1799 = arith.addf %mul3A_1796, %add3A_1798 : vector<16xf32>
      %mul3A_1800 = arith.mulf %add3A_1799, %sub3A_1773 : vector<16xf32>
      %add3A_1801 = arith.constant -0.24999994 : f32
      %add3A_1802 = vector.broadcast %add3A_1801 : f32 to vector<16xf32>
      %add3A_1803 = arith.addf %mul3A_1800, %add3A_1802 : vector<16xf32>
      %mul3A_1804 = arith.mulf %add3A_1803, %sub3A_1773 : vector<16xf32>
      %add3A_1805 = arith.constant 0.333333313 : f32
      %add3A_1806 = vector.broadcast %add3A_1805 : f32 to vector<16xf32>
      %add3A_1807 = arith.addf %mul3A_1804, %add3A_1806 : vector<16xf32>
      %mul3A_1808 = arith.mulf %sub3A_1773, %sub3A_1773 : vector<16xf32>
      %mul3A_1809 = arith.mulf %sub3A_1773, %mul3A_1808 : vector<16xf32>
      %mul3A_1810 = arith.mulf %mul3A_1809, %add3A_1807 : vector<16xf32>
      %mul3A_1811 = arith.constant 5.000000e-01 : f32
      %mul3A_1812 = vector.broadcast %mul3A_1811 : f32 to vector<16xf32>
      %mul3A_1813 = arith.mulf %mul3A_1812, %mul3A_1808 : vector<16xf32>
      %sub3A_1814 = arith.subf %mul3A_1810, %mul3A_1813 : vector<16xf32>
      %add3A_1815 = arith.addf %sub3A_1814, %sub3A_1773 : vector<16xf32>
      %mul3A_1816 = arith.constant 0.693147182 : f32
      %mul3A_1817 = vector.broadcast %mul3A_1816 : f32 to vector<16xf32>
      %mul3A_1818 = arith.mulf %add3A_1770, %mul3A_1817 : vector<16xf32>
      %add3A_1819 = arith.addf %add3A_1815, %mul3A_1818 : vector<16xf32>
      %mul3A_1820 = arith.constant 2.000000e+00 : f32
      %mul3A_1821 = vector.broadcast %mul3A_1820 : f32 to vector<16xf32>
      %mul3A_1822 = arith.mulf %mul3A_1821, %get3A_1612 : vector<16xf32>
      %mul3A_1823 = arith.mulf %mul3A_1822, %get3A_1612 : vector<16xf32>
      %sub3A_1824 = arith.subf %add3A_1819, %mul3A_1823 : vector<16xf32>
      %add3A_1825 = arith.addf %sub3A_1718, %sub3A_1824 : vector<16xf32>
      %add3A_1826 = arith.constant -3.2241714 : f32
      %add3A_1827 = vector.broadcast %add3A_1826 : f32 to vector<16xf32>
      %add3A_1828 = arith.addf %add3A_1825, %add3A_1827 : vector<16xf32>
      %swap3A_1829 = arith.index_cast %scan3A_14 : i32 to index
      %swap3A_1830 = arith.constant 112 : index
      %swap3A_1831 = tpu.vector_load %arg6[%swap3A_1829, %swap3A_1830] {strides = array<i32>} : memref<32x128xf32, #tpu.memory_space<vmem>>, vector<1x16xf32>,
      %swap3A_1832 = vector.shape_cast %swap3A_1831 : vector<1x16xf32> to vector<16xf32>
      %swap3A_1833 = vector.shape_cast %add3A_1828 : vector<16xf32> to vector<1x16xf32>
      tpu.vector_store %arg6[%swap3A_1829, %swap3A_1830], %swap3A_1833 {strides = array<i32>} : memref<32x128xf32, #tpu.memory_space<vmem>>, vector<1x16xf32>,
    }
    %scan3A_11 = arith.constant 32 : i32
    %mul3A_12 = arith.constant 32 : i32
    %mul3A_13 = arith.muli %add3A, %mul3A_12 : i32
    "tpu.region"() ({
      %run_scoped3A = tpu.sem_alloc : memref<!tpu.dma_semaphore, #tpu.memory_space<semaphore_mem>>
      %dma_start3A = arith.constant 0 : i32
      %dma_start3A_14 = tpu.memref_slice %arg3[%mul3A_13, %dma_start3A] : memref<1024x128xf32, #tpu.memory_space<hbm>> -> memref<32x128xf32, #tpu.memory_space<hbm>>
      %dma_start3A_15 = arith.constant 0 : i32
      %dma_start3A_16 = tpu.memref_slice %arg3[%mul3A_13, %dma_start3A_15] : memref<1024x128xf32, #tpu.memory_space<hbm>> -> memref<32x128xf32, #tpu.memory_space<hbm>>
      tpu.enqueue_dma source(%arg6 : memref<32x128xf32, #tpu.memory_space<vmem>>) target(%dma_start3A_16 : memref<32x128xf32, #tpu.memory_space<hbm>>) target_semaphore(%run_scoped3A : memref<!tpu.dma_semaphore, #tpu.memory_space<semaphore_mem>>)
      %dma_wait3A = arith.constant 0 : i32
      %dma_wait3A_17 = tpu.memref_slice %arg3[%mul3A_13, %dma_wait3A] : memref<1024x128xf32, #tpu.memory_space<hbm>> -> memref<32x128xf32, #tpu.memory_space<hbm>>
      %dma_wait3A_18 = arith.constant 0 : i32
      %dma_wait3A_19 = tpu.memref_slice %arg3[%mul3A_13, %dma_wait3A_18] : memref<1024x128xf32, #tpu.memory_space<hbm>> -> memref<32x128xf32, #tpu.memory_space<hbm>>
      tpu.wait_dma2 semaphore(%run_scoped3A : memref<!tpu.dma_semaphore, #tpu.memory_space<semaphore_mem>>) src(%arg6 : memref<32x128xf32, #tpu.memory_space<vmem>>) dst(%dma_wait3A_19 : memref<32x128xf32, #tpu.memory_space<hbm>>)
      tpu.yield
    }) : () -> ()
    return
  }
}

module attributes {stable_mosaic.version = 14 : i64} {
  func.func @_tc_body(%arg0: i32, %arg1: memref<1024x128xf32, #tpu.memory_space<vmem>>, %arg2: memref<1024x128xf32, #tpu.memory_space<vmem>>, %arg3: memref<1024x128xf32, #tpu.memory_space<vmem>>) attributes {dimension_semantics = [#tpu.dimension_semantics<arbitrary>], iteration_bounds = array<i64: 7>, scalar_prefetch = 0 : i64, scratch_operands = 0 : i64, tpu.core_type = #tpu.core_type<tc>, window_params = [{transform_indices = @transform_0, window_bounds = array<i64: 1024, 128>}, {transform_indices = @transform_1, window_bounds = array<i64: 1024, 128>}, {transform_indices = @transform_2, window_bounds = array<i64: 1024, 128>}]} {
    %get3A = arith.constant 0 : index
    %get3A_0 = arith.constant 0 : index
    %get3A_1 = vector.load %arg1[%get3A, %get3A_0] : memref<1024x128xf32, #tpu.memory_space<vmem>>, vector<1024x128xf32>
    %get3A_2 = arith.constant 0 : index
    %get3A_3 = arith.constant 0 : index
    %get3A_4 = vector.load %arg2[%get3A_2, %get3A_3] : memref<1024x128xf32, #tpu.memory_space<vmem>>, vector<1024x128xf32>
    %mul3A = arith.constant 4.000000e+00 : f32
    %mul3A_5 = vector.broadcast %mul3A : f32 to vector<1024x128xf32>
    %mul3A_6 = arith.mulf %get3A_1, %mul3A_5 : vector<1024x128xf32>
    %sub3A = arith.constant 2.000000e+00 : f32
    %sub3A_7 = vector.broadcast %sub3A : f32 to vector<1024x128xf32>
    %sub3A_8 = arith.subf %mul3A_6, %sub3A_7 : vector<1024x128xf32>
    %exp3A = math.exp %sub3A_8 : vector<1024x128xf32>
    %add3A = arith.constant 1.000000e+00 : f32
    %add3A_9 = vector.broadcast %add3A : f32 to vector<1024x128xf32>
    %add3A_10 = arith.addf %add3A_9, %exp3A : vector<1024x128xf32>
    %add3A_11 = arith.addf %mul3A_6, %mul3A_6 : vector<1024x128xf32>
    %sub3A_12 = arith.constant 8.000000e+00 : f32
    %sub3A_13 = vector.broadcast %sub3A_12 : f32 to vector<1024x128xf32>
    %sub3A_14 = arith.subf %add3A_11, %sub3A_13 : vector<1024x128xf32>
    %exp3A_15 = math.exp %sub3A_14 : vector<1024x128xf32>
    %add3A_16 = arith.addf %add3A_10, %exp3A_15 : vector<1024x128xf32>
    %mul3A_17 = arith.constant 3.000000e+00 : f32
    %mul3A_18 = vector.broadcast %mul3A_17 : f32 to vector<1024x128xf32>
    %mul3A_19 = arith.mulf %mul3A_6, %mul3A_18 : vector<1024x128xf32>
    %sub3A_20 = arith.constant 1.800000e+01 : f32
    %sub3A_21 = vector.broadcast %sub3A_20 : f32 to vector<1024x128xf32>
    %sub3A_22 = arith.subf %mul3A_19, %sub3A_21 : vector<1024x128xf32>
    %exp3A_23 = math.exp %sub3A_22 : vector<1024x128xf32>
    %add3A_24 = arith.addf %add3A_16, %exp3A_23 : vector<1024x128xf32>
    %log3A = math.log %add3A_24 : vector<1024x128xf32>
    %mul3A_25 = arith.constant 4.000000e+00 : f32
    %mul3A_26 = vector.broadcast %mul3A_25 : f32 to vector<1024x128xf32>
    %mul3A_27 = arith.mulf %get3A_4, %mul3A_26 : vector<1024x128xf32>
    %sub3A_28 = arith.constant 2.000000e+00 : f32
    %sub3A_29 = vector.broadcast %sub3A_28 : f32 to vector<1024x128xf32>
    %sub3A_30 = arith.subf %mul3A_27, %sub3A_29 : vector<1024x128xf32>
    %exp3A_31 = math.exp %sub3A_30 : vector<1024x128xf32>
    %add3A_32 = arith.constant 1.000000e+00 : f32
    %add3A_33 = vector.broadcast %add3A_32 : f32 to vector<1024x128xf32>
    %add3A_34 = arith.addf %add3A_33, %exp3A_31 : vector<1024x128xf32>
    %add3A_35 = arith.addf %mul3A_27, %mul3A_27 : vector<1024x128xf32>
    %sub3A_36 = arith.constant 8.000000e+00 : f32
    %sub3A_37 = vector.broadcast %sub3A_36 : f32 to vector<1024x128xf32>
    %sub3A_38 = arith.subf %add3A_35, %sub3A_37 : vector<1024x128xf32>
    %exp3A_39 = math.exp %sub3A_38 : vector<1024x128xf32>
    %add3A_40 = arith.addf %add3A_34, %exp3A_39 : vector<1024x128xf32>
    %mul3A_41 = arith.constant 3.000000e+00 : f32
    %mul3A_42 = vector.broadcast %mul3A_41 : f32 to vector<1024x128xf32>
    %mul3A_43 = arith.mulf %mul3A_27, %mul3A_42 : vector<1024x128xf32>
    %sub3A_44 = arith.constant 1.800000e+01 : f32
    %sub3A_45 = vector.broadcast %sub3A_44 : f32 to vector<1024x128xf32>
    %sub3A_46 = arith.subf %mul3A_43, %sub3A_45 : vector<1024x128xf32>
    %exp3A_47 = math.exp %sub3A_46 : vector<1024x128xf32>
    %add3A_48 = arith.addf %add3A_40, %exp3A_47 : vector<1024x128xf32>
    %log3A_49 = math.log %add3A_48 : vector<1024x128xf32>
    %add3A_50 = arith.addf %log3A, %log3A_49 : vector<1024x128xf32>
    %mul3A_51 = arith.mulf %get3A_1, %get3A_1 : vector<1024x128xf32>
    %mul3A_52 = arith.mulf %get3A_4, %get3A_4 : vector<1024x128xf32>
    %add3A_53 = arith.addf %mul3A_51, %mul3A_52 : vector<1024x128xf32>
    %mul3A_54 = arith.constant 2.000000e+00 : f32
    %mul3A_55 = vector.broadcast %mul3A_54 : f32 to vector<1024x128xf32>
    %mul3A_56 = arith.mulf %mul3A_55, %add3A_53 : vector<1024x128xf32>
    %sub3A_57 = arith.subf %add3A_50, %mul3A_56 : vector<1024x128xf32>
    %add3A_58 = arith.constant -3.2241714 : f32
    %add3A_59 = vector.broadcast %add3A_58 : f32 to vector<1024x128xf32>
    %add3A_60 = arith.addf %sub3A_57, %add3A_59 : vector<1024x128xf32>
    %swap3A = arith.constant 0 : index
    %swap3A_61 = arith.constant 0 : index
    %swap3A_62 = vector.load %arg3[%swap3A, %swap3A_61] : memref<1024x128xf32, #tpu.memory_space<vmem>>, vector<1024x128xf32>
    tpu.vector_store %arg3[%swap3A, %swap3A_61], %add3A_60 {strides = array<i32>} : memref<1024x128xf32, #tpu.memory_space<vmem>>, vector<1024x128xf32>,
    return
  }
  func.func @transform_0(%arg0: i32) -> (i32, i32) {
    %c0_i32 = arith.constant 0 : i32
    %c0_i32_0 = arith.constant 0 : i32
    return %arg0, %c0_i32 : i32, i32
  }
  func.func @transform_1(%arg0: i32) -> (i32, i32) {
    %add3A = arith.constant 8 : i32
    %add3A_0 = arith.addi %add3A, %arg0 : i32
    %c0_i32 = arith.constant 0 : i32
    %c0_i32_1 = arith.constant 0 : i32
    return %add3A_0, %c0_i32 : i32, i32
  }
  func.func @transform_2(%arg0: i32) -> (i32, i32) {
    %c0_i32 = arith.constant 0 : i32
    %c0_i32_0 = arith.constant 0 : i32
    return %arg0, %c0_i32 : i32, i32
  }
}

</mosaic_0001>

<sc_bundles>
// kernel: kernel.4.cloned.1.call-start
scs
__scs_entry_jumppad:
0x0: {  	(pc) =	sbr.rel $0x88, $3  }
0x1: {  	(tag) =	ssettag $0x0;
	lr =	simm.s32 $0x1  }
0x2: {  	[smem:$0x3FA0] =	sst lr;
	_ =	strace $0xD0000000  }
0x3: {  	_ = 	snop  }
0x4: {  	_ = 	snop  }
0x5: {  	_ = 	snop  }
0x6: {  	_ = 	snop  }
0x7: {  	_ = 	snop  }
__scs_overlays_trampoline_lowered:
0x8: {  	[smem:$0x3FAF] =	sst s0  }
0x9: {  	[smem:$0x3FB0] =	sst s1  }
0xa: {  	[smem:$0x3FB1] =	sst s2  }
0xb: {  	[smem:$0x3FB2] =	sst s3  }
0xc: {  	[smem:$0x3FB3] =	sst s4  }
0xd: {  	[smem:$0x3FB4] =	sst s5  }
0xe: {  	[smem:$0x3FB5] =	sst s6  }
0xf: {  	[smem:$0x3FB6] =	sst s7  }
0x10: {  	[smem:$0x3FB7] =	sst s8  }
0x11: {  	[smem:$0x3FB8] =	sst s9;
	s0 =	simm.s32 @!p0 $0x0  }
0x12: {  	s1 =	sld [smem:$0x3F9E];
	s0 =	simm.s32 @p0 $0x1  }
0x13: {  	[smem:$0x3FB9] =	sst s0;
	s0 =	simm.s32 @!p1 $0x0  }
0x14: {  	s2 =	sld [smem:$0x3F9D];
	s0 =	simm.s32 @p1 $0x1  }
0x15: {  	[smem:$0x3FBA] =	sst s0;
	s0 =	simm.s32 @!p2 $0x0  }
0x16: {  	s3 =	sld [smem:$0x3FDB];
	s0 =	simm.s32 @p2 $0x1  }
0x17: {  	s4 =	simm.s32 $0x1BF5;
	[smem:$0x3FBC] =	sst s0  }
0x18: {  	s0 =	sld [smem:$0x3F9F];
	_ =	swait.ge [sflag:s4], $0x0  }
0x19: {  	s7 =	sld [smem:$0x3FA0]  }
0x1a: {  	s8 =	sadd.s32 $0xFFFFE003, lr  }
0x1b: {  	s9 =	sadd.s32 $0xFFFFFEF7, lr;
	s5 =	simm.s32 $0xFFFFFFFF;
	p2 =	slt.u32 s8, $0xFFFFF086  }
0x1c: {  	p1 =	slt.u32 s9, $0xF7A;
	s5 =	simm.s32 @!p2 $0x0  }
0x1d: {  	s5 =	simm.s32 @p1 $0x1;
	p0 =	seq.s32 s7, s2  }
0x1e: {  	s7 =	smul.u32 @!p0 $0xF7A, s2;
	p2 =	seq.s32 @!p0 s5, $0x0  }
0x1f: {  	s9 =	smul.u32 $0xF7A, s1;
	s8 =	simm.s32 @!p0 $0x1BF5;
	p2 =	por !p2, p0  }
0x20: {  	[sflag:s8] =	ssyncset.s32 @!p0 $0xFFFFF086;
	s6 =	sadd.s32 @!p0 s3, s7;
	s7 =	simm.s32 @!p0 $0x108  }
0x21: {  	s3 =	sadd.s32 s3, s9;
	s6 =	sadd.s32 @!p0 $0x88, s6;
	s7 =	simm.s32 @p2 $0x1082  }
0x22: {  	[simem:s7], [sflag:s8] =	dma.local @!p0 [hbm:s6], $0xF7A  }
0x23: {  	s9 =	sor.u32 $0xD0000000, s2;
	s6 =	simm.s32 $0x108;
	_ =	swait.ge @!p0 [sflag:s8], $0x0  }
0x24: {  	s3 =	sadd.s32 $0x88, s3;
	s6 =	simm.s32 @!p1 $0x1082;
	[sflag:s4] =	ssyncset.s32 $0xFFFFF086  }
0x25: {  	[simem:s6], [sflag:s4] =	dma.local [hbm:s3], $0xF7A  }
0x26: {  	[smem:$0x3FA0] =	sst s1;
	(tag) =	ssettag s2;
	_ =	strace s9  }
0x27: {  	s1 =	sld [smem:$0x3FB0]  }
0x28: {  	s2 =	sld [smem:$0x3FB1]  }
0x29: {  	s4 =	sld [smem:$0x3FB3]  }
0x2a: {  	p0 =	seq.s32 s5, $0x0;
	s5 =	sld [smem:$0x3FB4]  }
0x2b: {  	s6 =	sld [smem:$0x3FB5]  }
0x2c: {  	s7 =	sld [smem:$0x3FB6]  }
0x2d: {  	s3 =	simm.s32 $0x108;
	s8 =	sld [smem:$0x3FB7]  }
0x2e: {  	s3 =	simm.s32 @!p0 $0x1082;
	s9 =	sld [smem:$0x3FB8]  }
0x2f: {  	lr =	sadd.s32 s0, s3;
	s0 =	sld [smem:$0x3FAF]  }
0x30: {  	s3 =	sld [smem:$0x3FB2]  }
0x31: {  	[smem:$0x3FBB] =	sst s10  }
0x32: {  	s10 =	sld [smem:$0x3FB9];
	_ =	sdelay $0x3  }
0x33: {  	p0 =	seq.s32 s10, $0x1;
	s10 =	sld [smem:$0x3FBB];
	_ =	sdelay $0x3  }
0x34: {  	[smem:$0x3FBB] =	sst s10  }
0x35: {  	s10 =	sld [smem:$0x3FBA];
	_ =	sdelay $0x3  }
0x36: {  	p1 =	seq.s32 s10, $0x1;
	s10 =	sld [smem:$0x3FBB];
	_ =	sdelay $0x3  }
0x37: {  	[smem:$0x3FBB] =	sst s10  }
0x38: {  	s10 =	sld [smem:$0x3FBC]  }
0x39: {  	_ = 	snop;
	(pc) =	sbr.ind lr, $3  }
0x3a: {  	_ = 	snop  }
0x3b: {  	_ = 	snop  }
0x3c: {  	p2 =	seq.s32 s10, $0x1;
	s10 =	sld [smem:$0x3FBB]  }
0x3d: {  	_ =	shalt  }
0x3e: {  	_ =	shalt  }
0x3f: {  	_ =	shalt  }
0x40: {  	_ =	shalt  }
0x41: {  	_ =	shalt  }
0x42: {  	_ =	shalt  }
0x43: {  	_ =	shalt  }
0x44: {  	_ =	shalt  }
0x45: {  	_ =	shalt  }
0x46: {  	_ =	shalt  }
0x47: {  	_ =	shalt  }
0x48: {  	_ =	shalt  }
0x49: {  	_ =	shalt  }
0x4a: {  	_ =	shalt  }
0x4b: {  	_ =	shalt  }
0x4c: {  	_ =	shalt  }
0x4d: {  	_ =	shalt  }
0x4e: {  	_ =	shalt  }
0x4f: {  	_ =	shalt  }
0x50: {  	_ =	shalt  }
0x51: {  	_ =	shalt  }
0x52: {  	_ =	shalt  }
0x53: {  	_ =	shalt  }
0x54: {  	_ =	shalt  }
0x55: {  	_ =	shalt  }
0x56: {  	_ =	shalt  }
0x57: {  	_ =	shalt  }
0x58: {  	_ =	shalt  }
0x59: {  	_ =	shalt  }
0x5a: {  	_ =	shalt  }
0x5b: {  	_ =	shalt  }
0x5c: {  	_ =	shalt  }
0x5d: {  	_ =	shalt  }
0x5e: {  	_ =	shalt  }
0x5f: {  	_ =	shalt  }
0x60: {  	_ =	shalt  }
0x61: {  	_ =	shalt  }
0x62: {  	_ =	shalt  }
0x63: {  	_ =	shalt  }
0x64: {  	_ =	shalt  }
0x65: {  	_ =	shalt  }
0x66: {  	_ =	shalt  }
0x67: {  	_ =	shalt  }
0x68: {  	_ =	shalt  }
0x69: {  	_ =	shalt  }
0x6a: {  	_ =	shalt  }
0x6b: {  	_ =	shalt  }
0x6c: {  	_ =	shalt  }
0x6d: {  	_ =	shalt  }
0x6e: {  	_ =	shalt  }
0x6f: {  	_ =	shalt  }
0x70: {  	_ =	shalt  }
0x71: {  	_ =	shalt  }
0x72: {  	_ =	shalt  }
0x73: {  	_ =	shalt  }
0x74: {  	_ =	shalt  }
0x75: {  	_ =	shalt  }
0x76: {  	_ =	shalt  }
0x77: {  	_ =	shalt  }
0x78: {  	_ =	shalt  }
0x79: {  	_ =	shalt  }
0x7a: {  	_ =	shalt  }
0x7b: {  	_ =	shalt  }
0x7c: {  	_ =	shalt  }
0x7d: {  	_ =	shalt  }
0x7e: {  	_ =	shalt  }
0x7f: {  	_ =	shalt  }
0x80: {  	_ =	shalt  }
0x81: {  	_ =	shalt  }
0x82: {  	_ =	shalt  }
0x83: {  	_ =	shalt  }
0x84: {  	_ =	shalt  }
0x85: {  	_ =	shalt  }
0x86: {  	_ =	shalt  }
0x87: {  	_ =	shalt  }
.Lfunc_end0:
.L_simem_size_0:
called_computation_lowered:
.L_overlay_start_0:
0x88: {  	s2 =	sld [smem:$0x3FD9]  }
0x89: {  	s3 =	sld [smem:$0x3FFE];
	_ =	sdelay $0x1  }
0x8a: {  	s1 =	srdreg.scid  }
0x8b: {  	s0 =	sand.u32 $0x1, s1  }
0x8c: {  	s16 =	sshll.u32 s0, $0xA;
	s2 =	sadd.s32 s3, s2  }
0x8d: {  	s2 =	sadd.s32 s2, s16  }
0x8e: {  	[smem:$0x3FC7] =	sst s2  }
0x8f: {  	_ = 	snop  }
0x90: {  	(tm) =	ssettm $0x1  }
0x91: {  	s17 =	sld [smem:$0x3FFB];
	_ =	sdelay $0x3  }
0x92: {  	_ =	strace s17  }
0x93: {  	s2 =	sld [smem:$0x3FFC];
	_ =	sdelay $0x3  }
0x94: {  	_ =	strace s2  }
0x95: {  	s2 =	sld [smem:$0x3FFD];
	_ =	sdelay $0x3  }
0x96: {  	_ =	strace s2  }
0x97: {  	_ =	strace $0x8FFFFFFF  }
0x98: {  	s18 =	sld [smem:$0x3FDB];
	_ =	sdelay $0x1  }
0x99: {  	s19 =	simm.s32 $_scs_section_size  }
0x9a: {  	s4 =	simm.s32 $_size__tile_overlayer_lowered;
	s5 =	simm.s32 $_tile_overlayer_lowered  }
0x9b: {  	s22 =	simm.s32 $0x1BFF;
	s21 =	sshll.u32 s5, $0x1;
	s2 =	sadd.s32 s19, s18  }
0x9c: {  	s6 =	simm.s32 $0x0;
	s20 =	sshll.u32 s4, $0x1;
	s4 =	sadd.s32 s21, s2  }
0x9d: {  	[timem:s6], [sflag:s22] =	dma.local [hbm:s4], s20  }
0x9e: {  	_ =	swait.ge [sflag:s22], s20  }
0x9f: {  	s3 =	ssub.s32 $0x0, s20;
	[sflag:s22] =	ssyncset.done $0x0  }
0xa0: {  	[sflag:s22] =	ssyncadd.s32 s3;
	_ =	sdelay $0x1  }
0xa1: {  	s23 =	simm.s32 $0x1B8B  }
0xa2: {  	_ =	swait.ge [sflag:s23], $0x1  }
0xa3: {  	[sflag:s23] =	ssyncset.done $0x0  }
0xa4: {  	s25 =	simm.s32 $0x1B8E;
	s24 =	sld [smem:$0x3FFE];
	[sflag:s23] =	ssyncadd.s32 $0xFFFFFFFF  }
0xa5: {  	s26 =	simm.s32 $execute0_lowered;
	[smem:$0x3FD2] =	sst s25  }
0xa6: {  	s4 =	sshll.u32 s26, $0x1;
	_ =	strace $0x80000046;
	[dreg:$0x1] =	wrdreg $0xFFFFFFFF  }
0xa7: {  	s28 =	simm.s32 $_size_execute0_lowered;
	s2 =	sadd.s32 s2, s4;
	[dreg:$0x0] =	wrdreg $0x0  }
0xa8: {  	s4 =	sshll.u32 s28, $0x1;
	[dreg:$0x2] =	wrdreg s2  }
0xa9: {  	[dreg:$0x3] =	wrdreg s4  }
0xaa: {  	[dreg:$0x4] =	wrdreg $0xC0  }
0xab: {  	_ =	task [dreg:s6], $0x5FFFF  }
0xac: {  	[dreg:$0x1] =	wrdreg $0xFFFFFFFF  }
0xad: {  	[dreg:$0x0] =	wrdreg $0x60  }
0xae: {  	[dreg:$0x2] =	wrdreg s24  }
0xaf: {  	[dreg:$0x3] =	wrdreg $0x9  }
0xb0: {  	_ =	task.clear_ibuf [dreg:s6], $0x4FFFF;
	_ =	strace $0x90000046  }
0xb1: {  	s29 =	simm.s32 $0x9;
	_ =	strace $0x80000048  }
0xb2: {  	_ =	swait.ge [sflag:s29], $0x1  }
0xb3: {  	[sflag:s29] =	ssyncadd.s32 $0xFFFFFFFF  }
0xb4: {  	_ =	strace $0x90000048  }
0xb5: {  	_ =	sfence  }
0xb6: {  	s30 =	sld [smem:$0x0];
	_ =	sdelay $0x2  }
0xb7: {  	s31 =	sshll.u32 s1, $0xD;
	s1 =	sshrl.u32 s1, $0x2  }
0xb8: {  	s3 =	sand.u32 $0x4000, s31;
	s1 =	sadd.s32 s1, s30  }
0xb9: {  	s0 =	sor.u32 s3, s0;
	s1 =	sshll.u32 s1, $0x11  }
0xba: {  	s0 =	sor.u32 s1, s0  }
0xbb: {  	s0 =	sadd.s32 $0x8F2B, s0  }
0xbc: {  	[sflag:s0] =	ssyncadd.remote.s32 $0x1  }
0xbd: {  	_ =	sfence.sel $0xFFFF  }
0xbe: {  	[dreg:$0x0] =	wrdreg $0xFFFFFFFF;
	(pc) =	sbr.abs _section_cstart, $3  }
0xbf: {  	[dreg:$0x1] =	wrdreg $0xFFFFFFFF  }
0xc0: {  	_ =	task.clear_ibuf [dreg:s6], $0x2FFFF;
	_ =	strace $0x9FFFFFFF  }
0xc1: {  	(tm) =	ssettm $0x7FFFFFFF  }
tec
execute0_lowered:
.L_overlay_start_1:
0x0: {  	(tag) =	ssettag $0x1  }
0x1: {  	s3 =	rddreg [dreg:$0x0];
	s2 =	srdreg.scid  }
0x2: {  	s0 =	rddreg [dreg:$0x1];
	s1 =	stileid.u32;
	s7 =	simm.s32 $0x1  }
0x3: {  	s8 =	simm.s32 $0x1000;
	s9 =	simm.s32 $0x2000;
	s4 =	sand.u32 $0x1, s2  }
0x4: {  	s10 =	simm.s32 $0x0;
	s5 =	sshll.u32 s1, $0xA;
	s6 =	sshll.u32 s4, $0x9  }
0x5: {  	s2 =	simm.s32 $0x0;
	s4 =	ssub.s32 $0x2, s4;
	s5 =	sor.u32 s6, s5  }
0x6: {  	[smem:$0x7FF] =	sst s2;
	s30 =	sshrl.u32 s4, $0x1;
	s5 =	sadd.s32 s5, s3  }
0x7: {  	_ =	strace $0x80000047;
	s31 =	ssub.s32 s4, s30;
	s3 =	sadd.s32 $0x1C600, s5  }
0x8: {  	s4 =	sadd.s32 $0x3C600, s5;
	s5 =	sadd.s32 $0x40600, s5;
	s6 =	smax.u32 s31, $0x1  }
.LBB2_1:
0x9: {  	[tilespmem:s2], [sflag:$0x1] =	stream.linear.gather [hbm4b:s3+s2], $0x1000, $0x38;
	[tilespmem:$0x3000] =	vst v63  }
0xa: {  	_ =	swait.ge [sflag:s7], $0x1000  }
0xb: {  	[sflag:s7] =	ssyncset.done $0x0  }
0xc: {  	[sflag:s7] =	ssyncadd.s32 $0xFFFFF000  }
0xd: {  	[tilespmem:s8], [sflag:$0x1] =	stream.linear.gather [hbm4b:s4+s2], $0x1000, $0x38;
	[tilespmem:$0x3000] =	vst v63  }
0xe: {  	_ =	swait.ge [sflag:s7], $0x1000  }
0xf: {  	[sflag:s7] =	ssyncset.done $0x0  }
0x10: {  	s11 =	simm.s32 $0x0;
	[sflag:s7] =	ssyncadd.s32 $0xFFFFF000  }
0x11: {  	v16 =	vld [tilespmem:s11+$0x70]  }
0x12: {  	v15 =	vld [tilespmem:s11+$0x1070]  }
0x13: {  	v12 =	vld [tilespmem:s11+$0x0]  }
0x14: {  	v13 =	vld [tilespmem:s11+$0x1000]  }
0x15: {  	v14 =	vld [tilespmem:s11+$0x10]  }
0x16: {  	v7 =	vld [tilespmem:s11+$0x1010]  }
0x17: {  	v8 =	vld [tilespmem:s11+$0x20]  }
0x18: {  	v0 =	vld [tilespmem:s11+$0x1030]  }
0x19: {  	v1 =	vmul.f32 $4.000000000e+00, v16  }
0x1a: {  	v2 =	vmul.f32 $4.000000000e+00, v15;
	v21 =	vmul.f32 $4.000000000e+00, v12  }
0x1b: {  	v22 =	vmul.f32 $4.000000000e+00, v13;
	v26 =	vmul.f32 $4.000000000e+00, v14  }
0x1c: {  	v28 =	vmul.f32 $4.000000000e+00, v7;
	v31 =	vmul.f32 $4.000000000e+00, v8;
	v3 =	vadd.f32 $-2.000000000e+00, v1  }
0x1d: {  	v36 =	vmul.f32 $4.000000000e+00, v0;
	v4 =	vadd.f32 v1, v1;
	v5 =	vadd.f32 $-2.000000000e+00, v2  }
0x1e: {  	[tilespmem:$0x1FFA0] =	vst v0;
	v0 =	vimm.f32 $0.0e+00;
	v6 =	vadd.f32 v2, v2;
	v23 =	vadd.f32 $-2.000000000e+00, v21  }
0x1f: {  	v1 =	vmul.f32 $3.000000000e+00, v1;
	v24 =	vadd.f32 v21, v21;
	v25 =	vadd.f32 $-2.000000000e+00, v22  }
0x20: {  	v2 =	vmul.f32 $3.000000000e+00, v2;
	v27 =	vadd.f32 v22, v22;
	v30 =	vadd.f32 $-2.000000000e+00, v26  }
0x21: {  	v35 =	vadd.f32 v26, v26;
	v37 =	vadd.f32 $-2.000000000e+00, v28;
	v21 =	vmul.f32 $3.000000000e+00, v21  }
0x22: {  	v22 =	vmul.f32 $3.000000000e+00, v22;
	v3 =	vmul.f32 $1.442695020e+00, v3;
	v4 =	vadd.f32 $-8.000000000e+00, v4  }
0x23: {  	v26 =	vmul.f32 $3.000000000e+00, v26;
	v5 =	vmul.f32 $1.442695020e+00, v5;
	v6 =	vadd.f32 $-8.000000000e+00, v6  }
0x24: {  	v1 =	vadd.f32 $-1.800000000e+01, v1;
	v4 =	vmul.f32 $1.442695020e+00, v4;
	(erf) = vpow2.f32 v3  }
0x25: {  	v2 =	vadd.f32 $-1.800000000e+01, v2;
	v3 =	vmul.f32 $1.442695020e+00, v6;
	(erf) = vpow2.f32 v5  }
0x26: {  	v43 =	vadd.f32 v28, v28;
	v1 =	vmul.f32 $1.442695020e+00, v1;
	(erf) = vpow2.f32 v4  }
0x27: {  	v45 =	vadd.f32 $-2.000000000e+00, v31;
	v2 =	vmul.f32 $1.442695020e+00, v2;
	(erf) = vpow2.f32 v3  }
0x28: {  	v46 =	vadd.f32 v31, v31;
	v28 =	vmul.f32 $3.000000000e+00, v28;
	(erf) = vpow2.f32 v1  }
0x29: {  	v51 =	vadd.f32 $-2.000000000e+00, v36;
	v31 =	vmul.f32 $3.000000000e+00, v31;
	(erf) = vpow2.f32 v2  }
0x2a: {  	v52 =	vadd.f32 v36, v36;
	v36 =	vmul.f32 $3.000000000e+00, v36;
	v23 =	vmul.f32 $1.442695020e+00, v23  }
0x2b: {  	[tilespmem:$0x1FF60] =	vst v7;
	v7 =	vld [tilespmem:s11+$0x60];
	v25 =	vmul.f32 $1.442695020e+00, v25;
	v24 =	vadd.f32 $-8.000000000e+00, v24;
	v27 =	vadd.f32 $-8.000000000e+00, v27  }
0x2c: {  	v30 =	vmul.f32 $1.442695020e+00, v30;
	v35 =	vadd.f32 $-8.000000000e+00, v35;
	v43 =	vadd.f32 $-8.000000000e+00, v43  }
0x2d: {  	v37 =	vmul.f32 $1.442695020e+00, v37;
	v21 =	vadd.f32 $-1.800000000e+01, v21;
	v22 =	vadd.f32 $-1.800000000e+01, v22;
	v1 =	vpop (erf)  }
0x2e: {  	v45 =	vmul.f32 $1.442695020e+00, v45;
	v26 =	vadd.f32 $-1.800000000e+01, v26;
	v2 =	vpop (erf);
	v1 =	vadd.f32 $1.000000000e+00, v1  }
0x2f: {  	v51 =	vmul.f32 $1.442695020e+00, v51;
	v28 =	vadd.f32 $-1.800000000e+01, v28;
	v2 =	vadd.f32 $1.000000000e+00, v2;
	v3 =	vpop (erf)  }
0x30: {  	v31 =	vadd.f32 $-1.800000000e+01, v31;
	v42 =	vmul.f32 $4.000000000e+00, v7;
	v4 =	vpop (erf);
	v1 =	vadd.f32 v3, v1  }
0x31: {  	v24 =	vmul.f32 $1.442695020e+00, v24;
	v27 =	vmul.f32 $1.442695020e+00, v27;
	v2 =	vadd.f32 v4, v2;
	v3 =	vpop (erf)  }
0x32: {  	v21 =	vmul.f32 $1.442695020e+00, v21;
	v22 =	vmul.f32 $1.442695020e+00, v22;
	v4 =	vpop (erf);
	v19 =	vadd.f32 v1, v3  }
0x33: {  	v26 =	vmul.f32 $1.442695020e+00, v26;
	v28 =	vmul.f32 $1.442695020e+00, v28;
	v20 =	vadd.f32 v2, v4  }
0x34: {  	v6 =	vld [tilespmem:s11+$0x30];
	v31 =	vmul.f32 $1.442695020e+00, v31;
	v61 =	vadd.f32 $-2.000000000e+00, v42;
	v1 =	vand.u32 $0x7FFFFF, v19  }
0x35: {  	v5 =	vld [tilespmem:s11+$0x1020];
	v62 =	vadd.f32 v42, v42;
	v2 =	vand.u32 $0x7FFFFF, v20;
	v1 =	vor.u32 $0x3F800000, v1  }
0x36: {  	v42 =	vmul.f32 $3.000000000e+00, v42;
	v2 =	vor.u32 $0x3F800000, v2;
	v3 =	vmul.f32 $5.000000000e-01, v1  }
0x37: {  	v61 =	vmul.f32 $1.442695020e+00, v61;
	vm1 =	vgt.f32 v1, $1.414213540e+00;
	v4 =	vmul.f32 $5.000000000e-01, v2  }
0x38: {  	v42 =	vadd.f32 $-1.800000000e+01, v42;
	vm0 =	vgt.f32 v2, $1.414213540e+00;
	v1 =	vsel vm1, v3, v1  }
0x39: {  	v34 =	vmul.f32 $4.000000000e+00, v6;
	v2 =	vsel vm0, v4, v2;
	v18 =	vadd.f32 $-1.000000000e+00, v1  }
0x3a: {  	v42 =	vmul.f32 $1.442695020e+00, v42;
	v33 =	vmul.f32 $4.000000000e+00, v5;
	v17 =	vadd.f32 $-1.000000000e+00, v2  }
0x3b: {  	v49 =	vadd.f32 $-2.000000000e+00, v34;
	v50 =	vadd.f32 v34, v34;
	v3 =	vmul.f32 $7.037683580e-02, v18  }
0x3c: {  	v34 =	vmul.f32 $3.000000000e+00, v34;
	v47 =	vadd.f32 $-2.000000000e+00, v33;
	v4 =	vmul.f32 $7.037683580e-02, v17  }
0x3d: {  	v48 =	vadd.f32 v33, v33;
	v33 =	vmul.f32 $3.000000000e+00, v33;
	v9 =	vadd.f32 $-1.151461010e-01, v3  }
0x3e: {  	v49 =	vmul.f32 $1.442695020e+00, v49;
	v47 =	vmul.f32 $1.442695020e+00, v47;
	v10 =	vadd.f32 $-1.151461010e-01, v4  }
0x3f: {  	v34 =	vadd.f32 $-1.800000000e+01, v34;
	(erf) = vpow2.f32 v23;
	v11 =	vmul.f32 v9, v18  }
0x40: {  	v33 =	vadd.f32 $-1.800000000e+01, v33;
	(erf) = vpow2.f32 v25;
	v29 =	vmul.f32 v10, v17  }
0x41: {  	v34 =	vmul.f32 $1.442695020e+00, v34;
	(erf) = vpow2.f32 v30;
	v32 =	vadd.f32 $1.167699840e-01, v11  }
0x42: {  	v30 =	vmul.f32 $1.442695020e+00, v35;
	v33 =	vmul.f32 $1.442695020e+00, v33;
	v29 =	vadd.f32 $1.167699840e-01, v29  }
0x43: {  	v48 =	vadd.f32 $-8.000000000e+00, v48;
	(erf) = vpow2.f32 v37;
	v32 =	vmul.f32 v32, v18  }
0x44: {  	v37 =	vadd.f32 v16, v16;
	(erf) = vpow2.f32 v45;
	v29 =	vmul.f32 v29, v17  }
0x45: {  	v45 =	vadd.f32 v15, v15;
	(erf) = vpow2.f32 v47;
	v32 =	vadd.f32 $-1.242014100e-01, v32  }
0x46: {  	(erf) = vpow2.f32 v49;
	v49 =	vmul.f32 v37, v16;
	v1 =	vld [tilespmem:s11+$0x40];
	v29 =	vadd.f32 $-1.242014100e-01, v29  }
0x47: {  	v19 =	vshrl.u32 v19, $0x17;
	v16 =	vmul.f32 v45, v15;
	v32 =	vmul.f32 v32, v18  }
0x48: {  	v37 =	vmul.f32 $1.442695020e+00, v48;
	v19 =	vadd.s32 $0xFFFFFF81, v19;
	v2 =	vld [tilespmem:s11+$0x1040];
	v29 =	vmul.f32 v29, v17  }
0x49: {  	v20 =	vshrl.u32 v20, $0x17;
	(erf) = vpow2.f32 v51;
	v32 =	vadd.f32 $1.424932330e-01, v32  }
0x4a: {  	v19 =	vcvt.s32.f32 v19;
	v20 =	vadd.s32 $0xFFFFFF81, v20;
	v29 =	vadd.f32 $1.424932330e-01, v29  }
0x4b: {  	[tilespmem:$0x1FFB0] =	vst v1;
	v38 =	vmul.f32 $4.000000000e+00, v1;
	v1 =	vsel vm1, $0x3F800000, v0;
	v32 =	vmul.f32 v32, v18  }
0x4c: {  	v20 =	vcvt.s32.f32 v20;
	v1 =	vadd.f32 v19, v1;
	v29 =	vmul.f32 v29, v17  }
0x4d: {  	v3 =	vld [tilespmem:s11+$0x50];
	v39 =	vmul.f32 $4.000000000e+00, v2;
	v53 =	vadd.f32 $-2.000000000e+00, v38;
	v32 =	vadd.f32 $-1.666805740e-01, v32  }
0x4e: {  	v19 =	vsel vm0, $0x3F800000, v0;
	v54 =	vadd.f32 v38, v38;
	v29 =	vadd.f32 $-1.666805740e-01, v29  }
0x4f: {  	v4 =	vld [tilespmem:s11+$0x1050];
	v19 =	vadd.f32 v20, v19;
	v38 =	vmul.f32 $3.000000000e+00, v38;
	v32 =	vmul.f32 v32, v18  }
0x50: {  	v55 =	vadd.f32 $-2.000000000e+00, v39;
	v56 =	vadd.f32 v39, v39;
	v29 =	vmul.f32 v29, v17  }
0x51: {  	v39 =	vmul.f32 $3.000000000e+00, v39;
	v1 =	vmul.f32 $6.931471820e-01, v1;
	v32 =	vadd.f32 $2.000071410e-01, v32  }
0x52: {  	v40 =	vmul.f32 $4.000000000e+00, v3;
	v53 =	vmul.f32 $1.442695020e+00, v53;
	v29 =	vadd.f32 $2.000071410e-01, v29  }
0x53: {  	v46 =	vadd.f32 $-8.000000000e+00, v46;
	v19 =	vmul.f32 $6.931471820e-01, v19;
	v32 =	vmul.f32 v32, v18  }
0x54: {  	v52 =	vadd.f32 $-8.000000000e+00, v52;
	v41 =	vmul.f32 $4.000000000e+00, v4;
	v29 =	vmul.f32 v29, v17  }
0x55: {  	v55 =	vmul.f32 $1.442695020e+00, v55;
	v57 =	vadd.f32 $-2.000000000e+00, v40;
	v32 =	vadd.f32 $-2.499999400e-01, v32  }
0x56: {  	v58 =	vadd.f32 v40, v40;
	v40 =	vmul.f32 $3.000000000e+00, v40;
	v63 =	vadd.f32 $-2.499999400e-01, v29  }
0x57: {  	v62 =	vadd.f32 $-8.000000000e+00, v62;
	v11 =	vld [tilespmem:s11+$0x1060];
	v29 =	vmul.f32 v18, v18;
	v32 =	vmul.f32 v32, v18  }
0x58: {  	v50 =	vadd.f32 $-8.000000000e+00, v50;
	(erf) = vpow2.f32 v53;
	v23 =	vmul.f32 v63, v17  }
0x59: {  	v25 =	vmul.f32 v29, v18;
	v63 =	vmul.f32 v17, v17;
	v32 =	vadd.f32 $3.333333130e-01, v32  }
0x5a: {  	v59 =	vadd.f32 $-2.000000000e+00, v41;
	v60 =	vadd.f32 v41, v41;
	v41 =	vmul.f32 $3.000000000e+00, v41  }
0x5b: {  	v23 =	vadd.f32 $3.333333130e-01, v23;
	v25 =	vmul.f32 v32, v25;
	v32 =	vmul.f32 v63, v17  }
0x5c: {  	v54 =	vadd.f32 $-8.000000000e+00, v54;
	v44 =	vmul.f32 $4.000000000e+00, v11;
	v29 =	vmul.f32 $5.000000000e-01, v29  }
0x5d: {  	v56 =	vadd.f32 $-8.000000000e+00, v56;
	v63 =	vmul.f32 $5.000000000e-01, v63;
	v23 =	vmul.f32 v23, v32  }
0x5e: {  	(erf) = vpow2.f32 v55;
	v55 =	vmul.f32 $1.442695020e+00, v62;
	v20 =	vadd.f32 $-2.000000000e+00, v44  }
0x5f: {  	v57 =	vmul.f32 $1.442695020e+00, v57;
	v25 =	vsub.f32 v25, v29;
	v23 =	vsub.f32 v23, v63  }
0x60: {  	v58 =	vadd.f32 $-8.000000000e+00, v58;
	v59 =	vmul.f32 $1.442695020e+00, v59;
	v41 =	vadd.f32 $-1.800000000e+01, v41;
	v29 =	vpop (erf)  }
0x61: {  	v20 =	vmul.f32 $1.442695020e+00, v20;
	(erf) = vpow2.f32 v57;
	v35 =	vpop (erf);
	v18 =	vadd.f32 v25, v18  }
0x62: {  	(erf) = vpow2.f32 v59;
	v25 =	vadd.f32 $-1.800000000e+01, v36;
	v36 =	vadd.f32 $-1.800000000e+01, v38;
	v38 =	vpop (erf)  }
0x63: {  	v41 =	vmul.f32 $1.442695020e+00, v41;
	(erf) = vpow2.f32 v61;
	v17 =	vadd.f32 v23, v17;
	v23 =	vpop (erf)  }
0x64: {  	v1 =	vadd.f32 v18, v1;
	v18 =	vmul.f32 $1.442695020e+00, v43;
	(erf) = vpow2.f32 v20;
	v45 =	vpop (erf)  }
0x65: {  	v17 =	vadd.f32 v17, v19;
	v19 =	vmul.f32 $1.442695020e+00, v46;
	(erf) = vpow2.f32 v24;
	v59 =	vpop (erf)  }
0x66: {  	v32 =	vadd.f32 v44, v44;
	v44 =	vmul.f32 $3.000000000e+00, v44;
	(erf) = vpow2.f32 v27;
	v63 =	vpop (erf)  }
0x67: {  	v15 =	vsub.f32 v1, v49;
	v1 =	vmul.f32 $1.442695020e+00, v50;
	(erf) = vpow2.f32 v30;
	v53 =	vpop (erf)  }
0x68: {  	v39 =	vadd.f32 $-1.800000000e+01, v39;
	v57 =	vmul.f32 $1.442695020e+00, v52;
	(erf) = vpow2.f32 v18;
	v18 =	vpop (erf)  }
0x69: {  	v60 =	vadd.f32 $-8.000000000e+00, v60;
	v52 =	vmul.f32 $1.442695020e+00, v58;
	(erf) = vpow2.f32 v19;
	v19 =	vpop (erf)  }
0x6a: {  	v32 =	vadd.f32 $-8.000000000e+00, v32;
	v61 =	vmul.f32 $1.442695020e+00, v56;
	(erf) = vpow2.f32 v37;
	v56 =	vpop (erf)  }
0x6b: {  	v20 =	vadd.f32 $-1.800000000e+01, v40;
	v40 =	vmul.f32 $1.442695020e+00, v54;
	(erf) = vpow2.f32 v1;
	v1 =	vpop (erf)  }
0x6c: {  	v29 =	vadd.f32 $1.000000000e+00, v29;
	v44 =	vadd.f32 $-1.800000000e+01, v44;
	(erf) = vpow2.f32 v57;
	v57 =	vpop (erf)  }
0x6d: {  	v35 =	vadd.f32 $1.000000000e+00, v35;
	v32 =	vmul.f32 $1.442695020e+00, v32;
	(erf) = vpow2.f32 v40;
	v58 =	vpop (erf)  }
0x6e: {  	v54 =	vmul.f32 $1.442695020e+00, v60;
	v24 =	vadd.f32 $1.000000000e+00, v59;
	(erf) = vpow2.f32 v61;
	v59 =	vpop (erf)  }
0x6f: {  	v38 =	vadd.f32 $1.000000000e+00, v38;
	v25 =	vmul.f32 $1.442695020e+00, v25;
	v60 =	vpop (erf);
	(erf) = vpow2.f32 v52  }
0x70: {  	v44 =	vmul.f32 $1.442695020e+00, v44;
	v23 =	vadd.f32 $1.000000000e+00, v23;
	v61 =	vpop (erf);
	(erf) = vpow2.f32 v54  }
0x71: {  	v45 =	vadd.f32 $1.000000000e+00, v45;
	v16 =	vsub.f32 v17, v16;
	v62 =	vpop (erf);
	(erf) = vpow2.f32 v55  }
0x72: {  	v20 =	vmul.f32 $1.442695020e+00, v20;
	v27 =	vadd.f32 $1.000000000e+00, v63;
	v63 =	vpop (erf);
	(erf) = vpow2.f32 v32  }
0x73: {  	v15 =	vadd.f32 v16, v15;
	v30 =	vadd.f32 $1.000000000e+00, v53;
	(erf) = vpow2.f32 v21;
	v51 =	vpop (erf)  }
0x74: {  	v18 =	vadd.f32 $1.000000000e+00, v18;
	v19 =	vadd.f32 $1.000000000e+00, v19;
	(erf) = vpow2.f32 v22;
	v53 =	vpop (erf)  }
0x75: {  	v1 =	vadd.f32 $1.000000000e+00, v1;
	v40 =	vadd.f32 $1.000000000e+00, v58;
	v52 =	vmul.f32 $1.442695020e+00, v39;
	v55 =	vpop (erf)  }
0x76: {  	v32 =	vmul.f32 $1.442695020e+00, v36;
	v36 =	vadd.f32 $1.000000000e+00, v56;
	(erf) = vpow2.f32 v26;
	v56 =	vpop (erf)  }
0x77: {  	v29 =	vadd.f32 v59, v29;
	v54 =	vadd.f32 $1.000000000e+00, v57;
	(erf) = vpow2.f32 v28;
	v57 =	vpop (erf)  }
0x78: {  	v35 =	vadd.f32 v60, v35;
	v38 =	vadd.f32 v61, v38;
	(erf) = vpow2.f32 v31;
	v58 =	vpop (erf)  }
0x79: {  	v23 =	vadd.f32 v62, v23;
	v45 =	vadd.f32 v63, v45;
	(erf) = vpow2.f32 v33;
	v59 =	vpop (erf)  }
0x7a: {  	v21 =	vadd.f32 v51, v24;
	v22 =	vadd.f32 v53, v27;
	(erf) = vpow2.f32 v34;
	v60 =	vpop (erf)  }
0x7b: {  	v61 =	vadd.f32 v55, v30;
	v18 =	vadd.f32 v56, v18;
	(erf) = vpow2.f32 v25;
	v62 =	vpop (erf)  }
0x7c: {  	v63 =	vadd.f32 v57, v19;
	v36 =	vadd.f32 v58, v36;
	(erf) = vpow2.f32 v32;
	v19 =	vpop (erf)  }
0x7d: {  	v1 =	vadd.f32 v59, v1;
	(erf) = vpow2.f32 v52;
	v29 =	vadd.f32 v29, v19;
	v19 =	vpop (erf)  }
0x7e: {  	v46 =	vadd.f32 v60, v54;
	(erf) = vpow2.f32 v20;
	v31 =	vadd.f32 v35, v19  }
0x7f: {  	v47 =	vadd.f32 v62, v40;
	v19 =	vpop (erf);
	(erf) = vpow2.f32 v41;
	v49 =	vand.u32 $0x7FFFFF, v29  }
0x80: {  	v24 =	vadd.f32 v38, v19;
	v19 =	vpop (erf);
	(erf) = vpow2.f32 v42;
	v50 =	vand.u32 $0x7FFFFF, v31  }
0x81: {  	v27 =	vadd.f32 v23, v19;
	v19 =	vpop (erf);
	(erf) = vpow2.f32 v44;
	v35 =	vor.u32 $0x3F800000, v49  }
0x82: {  	v51 =	vand.u32 $0x7FFFFF, v24;
	v30 =	vadd.f32 v45, v19;
	v37 =	vor.u32 $0x3F800000, v50  }
0x83: {  	v19 =	vpop (erf);
	v49 =	vmul.f32 $5.000000000e-01, v35;
	vm13 =	vgt.f32 v35, $1.414213540e+00;
	v23 =	vand.u32 $0x7FFFFF, v27  }
0x84: {  	v21 =	vadd.f32 v21, v19;
	v19 =	vpop (erf);
	v38 =	vor.u32 $0x3F800000, v51;
	v50 =	vmul.f32 $5.000000000e-01, v37  }
0x85: {  	vm12 =	vgt.f32 v37, $1.414213540e+00;
	v52 =	vand.u32 $0x7FFFFF, v30;
	v25 =	vadd.f32 v22, v19  }
0x86: {  	v19 =	vpop (erf);
	v39 =	vor.u32 $0x3F800000, v23;
	v51 =	vmul.f32 $5.000000000e-01, v38;
	vm9 =	vgt.f32 v38, $1.414213540e+00  }
0x87: {  	v35 =	vsel vm13, v49, v35;
	v53 =	vand.u32 $0x7FFFFF, v21;
	v28 =	vadd.f32 v61, v19  }
0x88: {  	v34 =	vor.u32 $0x3F800000, v52;
	v33 =	vmul.f32 $5.000000000e-01, v39;
	vm11 =	vgt.f32 v39, $1.414213540e+00  }
0x89: {  	v19 =	vpop (erf);
	v37 =	vsel vm12, v50, v37;
	v21 =	vshrl.u32 v21, $0x17;
	v54 =	vand.u32 $0x7FFFFF, v25  }
0x8a: {  	v19 =	vadd.f32 v18, v19;
	v40 =	vor.u32 $0x3F800000, v53;
	v62 =	vmul.f32 $5.000000000e-01, v34  }
0x8b: {  	v18 =	vpop (erf);
	vm10 =	vgt.f32 v34, $1.414213540e+00;
	v38 =	vsel vm9, v51, v38;
	v25 =	vshrl.u32 v25, $0x17  }
0x8c: {  	v21 =	vadd.s32 $0xFFFFFF81, v21;
	v55 =	vand.u32 $0x7FFFFF, v28;
	v22 =	vadd.f32 v63, v18  }
0x8d: {  	v41 =	vor.u32 $0x3F800000, v54;
	v53 =	vmul.f32 $5.000000000e-01, v40;
	vm7 =	vgt.f32 v40, $1.414213540e+00  }
0x8e: {  	v18 =	vpop (erf);
	v33 =	vsel vm11, v33, v39;
	v28 =	vshrl.u32 v28, $0x17;
	v25 =	vadd.s32 $0xFFFFFF81, v25  }
0x8f: {  	v21 =	vcvt.s32.f32 v21;
	v56 =	vand.u32 $0x7FFFFF, v19;
	v26 =	vadd.f32 v36, v18  }
0x90: {  	v36 =	vor.u32 $0x3F800000, v55;
	v54 =	vmul.f32 $5.000000000e-01, v41;
	vm8 =	vgt.f32 v41, $1.414213540e+00  }
0x91: {  	v62 =	vsel vm10, v62, v34;
	v34 =	vadd.f32 $-1.000000000e+00, v37;
	v37 =	vadd.f32 $-1.000000000e+00, v38  }
0x92: {  	v18 =	vpop (erf);
	v38 =	vadd.f32 $-1.000000000e+00, v33;
	v28 =	vadd.s32 $0xFFFFFF81, v28;
	v25 =	vcvt.s32.f32 v25  }
0x93: {  	v19 =	vshrl.u32 v19, $0x17;
	v57 =	vand.u32 $0x7FFFFF, v22;
	v18 =	vadd.f32 v1, v18  }
0x94: {  	v48 =	vor.u32 $0x3F800000, v56;
	v63 =	vmul.f32 $5.000000000e-01, v36;
	vm6 =	vgt.f32 v36, $1.414213540e+00  }
0x95: {  	v40 =	vsel vm7, v53, v40;
	v39 =	vadd.f32 $-1.000000000e+00, v62;
	v28 =	vcvt.s32.f32 v28  }
0x96: {  	v1 =	vpop (erf);
	v22 =	vshrl.u32 v22, $0x17;
	v19 =	vadd.s32 $0xFFFFFF81, v19;
	v58 =	vand.u32 $0x7FFFFF, v26  }
0x97: {  	v20 =	vadd.f32 v46, v1;
	v32 =	vor.u32 $0x3F800000, v57;
	v56 =	vmul.f32 $5.000000000e-01, v48  }
0x98: {  	vm4 =	vgt.f32 v48, $1.414213540e+00;
	v41 =	vsel vm8, v54, v41;
	v40 =	vadd.f32 $-1.000000000e+00, v40  }
0x99: {  	v49 =	vmul.f32 $7.037683580e-02, v37;
	v50 =	vmul.f32 $7.037683580e-02, v38;
	v26 =	vshrl.u32 v26, $0x17  }
0x9a: {  	v1 =	vpop (erf);
	v22 =	vadd.s32 $0xFFFFFF81, v22;
	v19 =	vcvt.s32.f32 v19;
	v59 =	vand.u32 $0x7FFFFF, v18  }
0x9b: {  	v23 =	vadd.f32 v47, v1;
	v1 =	vor.u32 $0x3F800000, v58;
	vm5 =	vgt.f32 v32, $1.414213540e+00  }
0x9c: {  	v63 =	vsel vm6, v63, v36;
	v36 =	vadd.f32 $-1.000000000e+00, v35;
	v41 =	vadd.f32 $-1.000000000e+00, v41  }
0x9d: {  	v51 =	vmul.f32 $7.037683580e-02, v39;
	v26 =	vadd.s32 $0xFFFFFF81, v26;
	v22 =	vcvt.s32.f32 v22  }
0x9e: {  	v18 =	vshrl.u32 v18, $0x17;
	v42 =	vor.u32 $0x3F800000, v59;
	v60 =	vand.u32 $0x7FFFFF, v20  }
0x9f: {  	vm3 =	vgt.f32 v1, $1.414213540e+00;
	v56 =	vsel vm4, v56, v48;
	v35 =	vadd.f32 $-1.000000000e+00, v63  }
0xa0: {  	v59 =	vmul.f32 $7.037683580e-02, v34;
	v49 =	vadd.f32 $-1.151461010e-01, v49;
	v50 =	vadd.f32 $-1.151461010e-01, v50  }
0xa1: {  	v26 =	vcvt.s32.f32 v26;
	v20 =	vshrl.u32 v20, $0x17;
	v18 =	vadd.s32 $0xFFFFFF81, v18  }
0xa2: {  	v43 =	vor.u32 $0x3F800000, v60;
	v61 =	vand.u32 $0x7FFFFF, v23;
	v60 =	vmul.f32 $5.000000000e-01, v32  }
0xa3: {  	v47 =	vmul.f32 $5.000000000e-01, v42;
	vm14 =	vgt.f32 v42, $1.414213540e+00;
	v51 =	vadd.f32 $-1.151461010e-01, v51  }
0xa4: {  	v23 =	vshrl.u32 v23, $0x17;
	v20 =	vadd.s32 $0xFFFFFF81, v20;
	v18 =	vcvt.s32.f32 v18  }
0xa5: {  	v44 =	vor.u32 $0x3F800000, v61;
	v61 =	vmul.f32 $5.000000000e-01, v1;
	v45 =	vmul.f32 $5.000000000e-01, v43  }
0xa6: {  	vm2 =	vgt.f32 v43, $1.414213540e+00;
	v63 =	vmul.f32 $7.037683580e-02, v35;
	v49 =	vmul.f32 v49, v37  }
0xa7: {  	[tilespmem:$0x1FF70] =	vst v8;
	v62 =	vadd.f32 $-1.151461010e-01, v59;
	v50 =	vmul.f32 v50, v38;
	v8 =	vmul.f32 v35, v35  }
0xa8: {  	v46 =	vmul.f32 $5.000000000e-01, v44;
	vm15 =	vgt.f32 v44, $1.414213540e+00;
	v57 =	vsel vm5, v60, v32  }
0xa9: {  	v32 =	vadd.f32 $-1.000000000e+00, v56;
	v60 =	vmul.f32 $7.037683580e-02, v40;
	v51 =	vmul.f32 v51, v39  }
0xaa: {  	v48 =	vsel vm3, v61, v1;
	v1 =	vmul.f32 $7.037683580e-02, v36;
	v33 =	vadd.f32 $-1.000000000e+00, v57  }
0xab: {  	v61 =	vmul.f32 $7.037683580e-02, v41;
	v57 =	vadd.f32 $-1.151461010e-01, v63;
	v56 =	vmul.f32 v62, v34  }
0xac: {  	v49 =	vadd.f32 $1.167699840e-01, v49;
	v50 =	vadd.f32 $1.167699840e-01, v50;
	v45 =	vsel vm2, v45, v43  }
0xad: {  	v52 =	vmul.f32 $7.037683580e-02, v32;
	v54 =	vadd.f32 $-1.151461010e-01, v60;
	v60 =	vsel vm14, v47, v42  }
0xae: {  	v63 =	vsel vm15, v46, v44;
	v47 =	vmul.f32 v37, v37;
	v46 =	vmul.f32 v38, v38  }
0xaf: {  	[tilespmem:$0x1FFE0] =	vst v4;
	v42 =	vadd.f32 $-1.000000000e+00, v48;
	v48 =	vmul.f32 v39, v39;
	v4 =	vmul.f32 v32, v32  }
0xb0: {  	v51 =	vadd.f32 $1.167699840e-01, v51;
	v53 =	vmul.f32 $7.037683580e-02, v33;
	v57 =	vmul.f32 v57, v35  }
0xb1: {  	v1 =	vadd.f32 $-1.151461010e-01, v1;
	v49 =	vmul.f32 v49, v37;
	v50 =	vmul.f32 v50, v38  }
0xb2: {  	[tilespmem:$0x1FF80] =	vst v5;
	v55 =	vadd.f32 $-1.151461010e-01, v61;
	v5 =	vmul.f32 v33, v33;
	v54 =	vmul.f32 v54, v40  }
0xb3: {  	v56 =	vadd.f32 $1.167699840e-01, v56;
	v51 =	vmul.f32 v51, v39;
	v1 =	vmul.f32 v1, v36  }
0xb4: {  	v55 =	vmul.f32 v55, v41;
	v57 =	vadd.f32 $1.167699840e-01, v57;
	v49 =	vadd.f32 $-1.242014100e-01, v49  }
0xb5: {  	v56 =	vmul.f32 v56, v34;
	v50 =	vadd.f32 $-1.242014100e-01, v50;
	v54 =	vadd.f32 $1.167699840e-01, v54  }
0xb6: {  	v51 =	vadd.f32 $-1.242014100e-01, v51;
	v1 =	vadd.f32 $1.167699840e-01, v1;
	v57 =	vmul.f32 v57, v35  }
0xb7: {  	v55 =	vadd.f32 $1.167699840e-01, v55;
	v49 =	vmul.f32 v49, v37;
	v50 =	vmul.f32 v50, v38  }
0xb8: {  	v56 =	vadd.f32 $-1.242014100e-01, v56;
	v54 =	vmul.f32 v54, v40;
	v51 =	vmul.f32 v51, v39  }
0xb9: {  	v1 =	vmul.f32 v1, v36;
	v57 =	vadd.f32 $-1.242014100e-01, v57;
	v49 =	vadd.f32 $1.424932330e-01, v49  }
0xba: {  	v55 =	vmul.f32 v55, v41;
	v50 =	vadd.f32 $1.424932330e-01, v50;
	v54 =	vadd.f32 $-1.242014100e-01, v54  }
0xbb: {  	v56 =	vmul.f32 v56, v34;
	v51 =	vadd.f32 $1.424932330e-01, v51;
	v1 =	vadd.f32 $-1.242014100e-01, v1  }
0xbc: {  	v55 =	vadd.f32 $-1.242014100e-01, v55;
	v57 =	vmul.f32 v57, v35;
	v49 =	vmul.f32 v49, v37  }
0xbd: {  	v56 =	vadd.f32 $1.424932330e-01, v56;
	v50 =	vmul.f32 v50, v38;
	v54 =	vmul.f32 v54, v40  }
0xbe: {  	v51 =	vmul.f32 v51, v39;
	v1 =	vmul.f32 v1, v36;
	v57 =	vadd.f32 $1.424932330e-01, v57  }
0xbf: {  	v55 =	vmul.f32 v55, v41;
	v49 =	vadd.f32 $-1.666805740e-01, v49;
	v50 =	vadd.f32 $-1.666805740e-01, v50  }
0xc0: {  	v56 =	vmul.f32 v56, v34;
	v54 =	vadd.f32 $1.424932330e-01, v54;
	v51 =	vadd.f32 $-1.666805740e-01, v51  }
0xc1: {  	v1 =	vadd.f32 $1.424932330e-01, v1;
	v57 =	vmul.f32 v57, v35;
	v49 =	vmul.f32 v49, v37  }
0xc2: {  	v55 =	vadd.f32 $1.424932330e-01, v55;
	v50 =	vmul.f32 v50, v38;
	v54 =	vmul.f32 v54, v40  }
0xc3: {  	v56 =	vadd.f32 $-1.666805740e-01, v56;
	v51 =	vmul.f32 v51, v39;
	v1 =	vmul.f32 v1, v36  }
0xc4: {  	v55 =	vmul.f32 v55, v41;
	v57 =	vadd.f32 $-1.666805740e-01, v57;
	v49 =	vadd.f32 $2.000071410e-01, v49  }
0xc5: {  	v56 =	vmul.f32 v56, v34;
	v50 =	vadd.f32 $2.000071410e-01, v50;
	v54 =	vadd.f32 $-1.666805740e-01, v54  }
0xc6: {  	v51 =	vadd.f32 $2.000071410e-01, v51;
	v1 =	vadd.f32 $-1.666805740e-01, v1;
	v59 =	vmul.f32 v57, v35  }
0xc7: {  	v55 =	vadd.f32 $-1.666805740e-01, v55;
	v49 =	vmul.f32 v49, v37;
	v50 =	vmul.f32 v50, v38  }
0xc8: {  	v56 =	vadd.f32 $2.000071410e-01, v56;
	v54 =	vmul.f32 v54, v40;
	v51 =	vmul.f32 v51, v39  }
0xc9: {  	v1 =	vmul.f32 v1, v36;
	v55 =	vmul.f32 v55, v41;
	v49 =	vadd.f32 $-2.499999400e-01, v49  }
0xca: {  	v56 =	vmul.f32 v56, v34;
	v50 =	vadd.f32 $-2.499999400e-01, v50;
	v59 =	vadd.f32 $2.000071410e-01, v59  }
0xcb: {  	v54 =	vadd.f32 $2.000071410e-01, v54;
	v51 =	vadd.f32 $-2.499999400e-01, v51;
	v57 =	vmul.f32 v49, v37  }
0xcc: {  	v1 =	vadd.f32 $2.000071410e-01, v1;
	v58 =	vmul.f32 v50, v38;
	v50 =	vmul.f32 v34, v34  }
0xcd: {  	v55 =	vadd.f32 $2.000071410e-01, v55;
	v49 =	vmul.f32 v40, v40;
	v59 =	vmul.f32 v59, v35  }
0xce: {  	v56 =	vadd.f32 $-2.499999400e-01, v56;
	v54 =	vmul.f32 v54, v40;
	v61 =	vmul.f32 v51, v39  }
0xcf: {  	v60 =	vadd.f32 $-1.000000000e+00, v60;
	v51 =	vmul.f32 v36, v36;
	v1 =	vmul.f32 v1, v36  }
0xd0: {  	v55 =	vmul.f32 v55, v41;
	v56 =	vmul.f32 v56, v34;
	v57 =	vadd.f32 $3.333333130e-01, v57  }
0xd1: {  	v59 =	vadd.f32 $-2.499999400e-01, v59;
	v16 =	vmul.f32 $5.000000000e-01, v50;
	v54 =	vadd.f32 $-2.499999400e-01, v54  }
0xd2: {  	v44 =	vmul.f32 v51, v36;
	v51 =	vmul.f32 $5.000000000e-01, v51;
	v1 =	vadd.f32 $-2.499999400e-01, v1  }
0xd3: {  	v55 =	vadd.f32 $-2.499999400e-01, v55;
	v59 =	vmul.f32 v59, v35;
	v43 =	vmul.f32 v54, v40  }
0xd4: {  	v61 =	vadd.f32 $3.333333130e-01, v61;
	v54 =	vmul.f32 v47, v37;
	v1 =	vmul.f32 v1, v36  }
0xd5: {  	v62 =	vmul.f32 v55, v41;
	v55 =	vadd.f32 $3.333333130e-01, v56;
	v56 =	vmul.f32 v50, v34  }
0xd6: {  	v47 =	vmul.f32 $5.000000000e-01, v47;
	v59 =	vadd.f32 $3.333333130e-01, v59;
	v50 =	vsel vm10, $0x3F800000, v0  }
0xd7: {  	v43 =	vadd.f32 $3.333333130e-01, v43;
	v1 =	vadd.f32 $3.333333130e-01, v1;
	v55 =	vmul.f32 v55, v56  }
0xd8: {  	v56 =	vmul.f32 v57, v54;
	v54 =	vadd.f32 $-1.151461010e-01, v52;
	v52 =	vmul.f32 v41, v41  }
0xd9: {  	v10 =	vmul.f32 v1, v44;
	v44 =	vadd.f32 $3.333333130e-01, v58;
	v58 =	vmul.f32 v46, v38  }
0xda: {  	v62 =	vadd.f32 $3.333333130e-01, v62;
	v1 =	vmul.f32 v48, v39;
	v54 =	vmul.f32 v54, v32  }
0xdb: {  	v16 =	vsub.f32 v55, v16;
	v46 =	vmul.f32 $5.000000000e-01, v46;
	v48 =	vmul.f32 $5.000000000e-01, v48  }
0xdc: {  	v47 =	vsub.f32 v56, v47;
	v55 =	vsel vm5, $0x3F800000, v0;
	v57 =	vmul.f32 v44, v58  }
0xdd: {  	v44 =	vmul.f32 v49, v40;
	v58 =	vmul.f32 v61, v1;
	v61 =	vadd.f32 $-1.151461010e-01, v53  }
0xde: {  	v1 =	vmul.f32 $7.037683580e-02, v42;
	v54 =	vadd.f32 $1.167699840e-01, v54;
	v10 =	vsub.f32 v10, v51  }
0xdf: {  	v49 =	vmul.f32 $5.000000000e-01, v49;
	v51 =	vsel vm7, $0x3F800000, v0;
	v53 =	vmul.f32 v43, v44  }
0xe0: {  	v43 =	vmul.f32 v52, v41;
	v44 =	vadd.f32 $-1.000000000e+00, v45;
	v45 =	vmul.f32 v61, v33  }
0xe1: {  	v61 =	vmul.f32 $7.037683580e-02, v60;
	v1 =	vadd.f32 $-1.151461010e-01, v1;
	v54 =	vmul.f32 v54, v32  }
0xe2: {  	v46 =	vsub.f32 v57, v46;
	v48 =	vsub.f32 v58, v48;
	v43 =	vmul.f32 v62, v43  }
0xe3: {  	v45 =	vadd.f32 $1.167699840e-01, v45;
	v62 =	vmul.f32 $7.037683580e-02, v44;
	v61 =	vadd.f32 $-1.151461010e-01, v61  }
0xe4: {  	[tilespmem:$0x1FFC0] =	vst v2;
	v2 =	vmul.f32 v1, v42;
	v1 =	vmul.f32 v8, v35;
	v54 =	vadd.f32 $-1.242014100e-01, v54  }
0xe5: {  	v49 =	vsub.f32 v53, v49;
	v8 =	vmul.f32 $5.000000000e-01, v8;
	v45 =	vmul.f32 v45, v33  }
0xe6: {  	v62 =	vadd.f32 $-1.151461010e-01, v62;
	v61 =	vmul.f32 v61, v60;
	v9 =	vmul.f32 v59, v1  }
0xe7: {  	v2 =	vadd.f32 $1.167699840e-01, v2;
	v54 =	vmul.f32 v54, v32;
	v1 =	vmul.f32 v4, v32  }
0xe8: {  	v4 =	vmul.f32 $5.000000000e-01, v4;
	v45 =	vadd.f32 $-1.242014100e-01, v45;
	v59 =	vmul.f32 v62, v44  }
0xe9: {  	v61 =	vadd.f32 $1.167699840e-01, v61;
	v2 =	vmul.f32 v2, v42;
	v54 =	vadd.f32 $1.424932330e-01, v54  }
0xea: {  	v62 =	vmul.f32 v45, v33;
	v45 =	vadd.f32 $-1.000000000e+00, v63;
	v59 =	vadd.f32 $1.167699840e-01, v59  }
0xeb: {  	v61 =	vmul.f32 v61, v60;
	v2 =	vadd.f32 $-1.242014100e-01, v2;
	v54 =	vmul.f32 v54, v32  }
0xec: {  	v62 =	vadd.f32 $1.424932330e-01, v62;
	v59 =	vmul.f32 v59, v44;
	v63 =	vmul.f32 $7.037683580e-02, v45  }
0xed: {  	v61 =	vadd.f32 $-1.242014100e-01, v61;
	v2 =	vmul.f32 v2, v42;
	v54 =	vadd.f32 $-1.666805740e-01, v54  }
0xee: {  	v62 =	vmul.f32 v62, v33;
	v63 =	vadd.f32 $-1.151461010e-01, v63;
	v59 =	vadd.f32 $-1.242014100e-01, v59  }
0xef: {  	v61 =	vmul.f32 v61, v60;
	v2 =	vadd.f32 $1.424932330e-01, v2;
	v54 =	vmul.f32 v54, v32  }
0xf0: {  	v62 =	vadd.f32 $-1.666805740e-01, v62;
	v63 =	vmul.f32 v63, v45;
	v59 =	vmul.f32 v59, v44  }
0xf1: {  	v61 =	vadd.f32 $1.424932330e-01, v61;
	v2 =	vmul.f32 v2, v42;
	v54 =	vadd.f32 $2.000071410e-01, v54  }
0xf2: {  	v62 =	vmul.f32 v62, v33;
	v63 =	vadd.f32 $1.167699840e-01, v63;
	v59 =	vadd.f32 $1.424932330e-01, v59  }
0xf3: {  	v61 =	vmul.f32 v61, v60;
	v2 =	vadd.f32 $-1.666805740e-01, v2;
	v54 =	vmul.f32 v54, v32  }
0xf4: {  	v62 =	vadd.f32 $2.000071410e-01, v62;
	v63 =	vmul.f32 v63, v45;
	v59 =	vmul.f32 v59, v44  }
0xf5: {  	v61 =	vadd.f32 $-1.666805740e-01, v61;
	v2 =	vmul.f32 v2, v42;
	v54 =	vadd.f32 $-2.499999400e-01, v54  }
0xf6: {  	v62 =	vmul.f32 v62, v33;
	v63 =	vadd.f32 $-1.242014100e-01, v63;
	v59 =	vadd.f32 $-1.666805740e-01, v59  }
0xf7: {  	v61 =	vmul.f32 v61, v60;
	v2 =	vadd.f32 $2.000071410e-01, v2;
	v54 =	vmul.f32 v54, v32  }
0xf8: {  	v62 =	vadd.f32 $-2.499999400e-01, v62;
	v63 =	vmul.f32 v63, v45;
	v59 =	vmul.f32 v59, v44  }
0xf9: {  	[tilespmem:$0x1FFD0] =	vst v3;
	v61 =	vadd.f32 $2.000071410e-01, v61;
	v3 =	vmul.f32 v2, v42;
	v2 =	vmul.f32 v5, v33  }
0xfa: {  	v54 =	vadd.f32 $3.333333130e-01, v54;
	v5 =	vmul.f32 $5.000000000e-01, v5;
	v62 =	vmul.f32 v62, v33  }
0xfb: {  	v59 =	vadd.f32 $2.000071410e-01, v59;
	v61 =	vmul.f32 v61, v60;
	v63 =	vadd.f32 $1.424932330e-01, v63  }
0xfc: {  	[tilespmem:$0x1FF90] =	vst v6;
	v3 =	vadd.f32 $-2.499999400e-01, v3;
	v6 =	vmul.f32 v54, v1;
	v62 =	vadd.f32 $3.333333130e-01, v62  }
0xfd: {  	v59 =	vmul.f32 v59, v44;
	v54 =	vadd.f32 $-2.499999400e-01, v61;
	v61 =	vmul.f32 v63, v45  }
0xfe: {  	v53 =	vsel vm6, $0x3F800000, v0;
	v3 =	vmul.f32 v3, v42;
	v63 =	vmul.f32 v44, v44  }
0xff: {  	[tilespmem:$0x1FFF0] =	vst v7;
	v4 =	vsub.f32 v6, v4;
	v6 =	vshrl.u32 v29, $0x17;
	v7 =	vmul.f32 v62, v2  }
0x100: {  	v17 =	vmul.f32 v54, v60;
	v61 =	vadd.f32 $-1.666805740e-01, v61;
	v62 =	vmul.f32 v60, v60  }
0x101: {  	v6 =	vadd.s32 $0xFFFFFF81, v6;
	v59 =	vadd.f32 $-2.499999400e-01, v59;
	v54 =	vmul.f32 v42, v42  }
0x102: {  	v61 =	vmul.f32 v61, v45;
	v17 =	vadd.f32 $3.333333130e-01, v17;
	v2 =	vmul.f32 v62, v60  }
0x103: {  	v8 =	vsub.f32 v9, v8;
	v6 =	vcvt.s32.f32 v6;
	v59 =	vmul.f32 v59, v44  }
0x104: {  	v1 =	vmul.f32 v54, v42;
	v2 =	vmul.f32 v17, v2;
	v17 =	vadd.f32 $2.000071410e-01, v61  }
0x105: {  	v3 =	vadd.f32 $3.333333130e-01, v3;
	v9 =	vmul.f32 $5.000000000e-01, v54;
	v57 =	vmul.f32 $5.000000000e-01, v62  }
0x106: {  	v5 =	vsub.f32 v7, v5;
	v7 =	vshrl.u32 v31, $0x17;
	v17 =	vmul.f32 v17, v45  }
0x107: {  	v62 =	vsel vm9, $0x3F800000, v0;
	v7 =	vadd.s32 $0xFFFFFF81, v7;
	v1 =	vmul.f32 v3, v1  }
0x108: {  	v3 =	vadd.f32 $3.333333130e-01, v59;
	v59 =	vmul.f32 v63, v44;
	v17 =	vadd.f32 $-2.499999400e-01, v17  }
0x109: {  	v54 =	vsel vm4, $0x3F800000, v0;
	v61 =	vmul.f32 v45, v45;
	v7 =	vcvt.s32.f32 v7  }
0x10a: {  	v19 =	vadd.f32 v19, v54;
	v3 =	vmul.f32 v3, v59;
	v17 =	vmul.f32 v17, v45  }
0x10b: {  	v59 =	vmul.f32 $5.000000000e-01, v52;
	v56 =	vmul.f32 v61, v45;
	v1 =	vsub.f32 v1, v9  }
0x10c: {  	v2 =	vsub.f32 v2, v57;
	v9 =	vmul.f32 $5.000000000e-01, v63;
	v17 =	vadd.f32 $3.333333130e-01, v17  }
0x10d: {  	v58 =	vmul.f32 $5.000000000e-01, v61;
	v63 =	vsel vm11, $0x3F800000, v0;
	v52 =	vsel vm8, $0x3F800000, v0  }
0x10e: {  	v57 =	vsel vm14, $0x3F800000, v0;
	v43 =	vsub.f32 v43, v59;
	v17 =	vmul.f32 v17, v56  }
0x10f: {  	v3 =	vsub.f32 v3, v9;
	v9 =	vsel vm13, $0x3F800000, v0;
	v59 =	vshrl.u32 v27, $0x17  }
0x110: {  	v6 =	vadd.f32 v6, v9;
	v9 =	vsub.f32 v17, v58;
	v17 =	vsel vm12, $0x3F800000, v0  }
0x111: {  	v56 =	vsel vm3, $0x3F800000, v0;
	v58 =	vsel vm2, $0x3F800000, v0;
	v7 =	vadd.f32 v7, v17  }
0x112: {  	v17 =	vshrl.u32 v24, $0x17;
	v24 =	vadd.s32 $0xFFFFFF81, v59;
	v59 =	vsel vm15, $0x3F800000, v0;
	v0 =	vld [tilespmem:$0x1FF60]  }
0x113: {  	v23 =	vadd.s32 $0xFFFFFF81, v23;
	v22 =	vadd.f32 v22, v55;
	v26 =	vadd.f32 v26, v56  }
0x114: {  	v16 =	vadd.f32 v16, v34;
	v4 =	vadd.f32 v4, v32;
	v19 =	vmul.f32 $6.931471820e-01, v19  }
0x115: {  	v28 =	vadd.f32 v28, v53;
	v1 =	vadd.f32 v1, v42;
	v53 =	vmul.f32 $6.931471820e-01, v26  }
0x116: {  	v20 =	vcvt.s32.f32 v20;
	v5 =	vadd.f32 v5, v33;
	v4 =	vadd.f32 v4, v19  }
0x117: {  	v22 =	vmul.f32 $6.931471820e-01, v22;
	v19 =	vadd.f32 v1, v53;
	v1 =	vadd.f32 v0, v0  }
0x118: {  	v23 =	vcvt.s32.f32 v23;
	v21 =	vadd.f32 v21, v51;
	v10 =	vadd.f32 v10, v36  }
0x119: {  	v8 =	vadd.f32 v8, v35;
	v5 =	vadd.f32 v5, v22;
	v1 =	vmul.f32 v1, v0;
	v0 =	vld [tilespmem:$0x1FF80]  }
0x11a: {  	v61 =	vshrl.u32 v30, $0x17;
	v25 =	vadd.f32 v25, v52;
	v20 =	vadd.f32 v20, v58  }
0x11b: {  	v18 =	vadd.f32 v18, v57;
	v52 =	vmul.f32 $6.931471820e-01, v28;
	v27 =	vadd.s32 $0xFFFFFF81, v61  }
0x11c: {  	v61 =	vadd.f32 v47, v37;
	v3 =	vadd.f32 v3, v44;
	v20 =	vmul.f32 $6.931471820e-01, v20  }
0x11d: {  	v54 =	vld [tilespmem:$0x1FF70];
	v47 =	vadd.f32 v12, v12;
	v2 =	vadd.f32 v2, v60;
	v27 =	vcvt.s32.f32 v27  }
0x11e: {  	v6 =	vmul.f32 $6.931471820e-01, v6;
	v20 =	vadd.f32 v3, v20;
	v3 =	vadd.f32 v0, v0  }
0x11f: {  	v8 =	vadd.f32 v8, v52;
	v18 =	vmul.f32 $6.931471820e-01, v18;
	v12 =	vmul.f32 v47, v12  }
0x120: {  	v27 =	vadd.f32 v27, v50;
	v6 =	vadd.f32 v10, v6;
	v3 =	vmul.f32 v3, v0;
	v0 =	vld [tilespmem:$0x1FFA0]  }
0x121: {  	v21 =	vmul.f32 $6.931471820e-01, v21;
	v50 =	vadd.f32 v14, v14;
	v18 =	vadd.f32 v2, v18  }
0x122: {  	v2 =	vadd.f32 v54, v54;
	v58 =	vsub.f32 v6, v12;
	v24 =	vcvt.s32.f32 v24  }
0x123: {  	v56 =	vld [tilespmem:$0x1FF90];
	v17 =	vadd.s32 $0xFFFFFF81, v17;
	v23 =	vadd.f32 v23, v59;
	v9 =	vadd.f32 v9, v45  }
0x124: {  	v17 =	vcvt.s32.f32 v17;
	v24 =	vadd.f32 v24, v63;
	v63 =	vadd.f32 v48, v39  }
0x125: {  	v10 =	vmul.f32 $6.931471820e-01, v27;
	v48 =	vadd.f32 v43, v41;
	v6 =	vadd.f32 v0, v0  }
0x126: {  	v60 =	vld [tilespmem:$0x1FFB0];
	v7 =	vmul.f32 $6.931471820e-01, v7;
	v17 =	vadd.f32 v17, v62;
	v62 =	vadd.f32 v46, v38  }
0x127: {  	v46 =	vadd.f32 v49, v40;
	v49 =	vadd.f32 v13, v13;
	v6 =	vmul.f32 v6, v0;
	v0 =	vld [tilespmem:$0x1FFC0]  }
0x128: {  	v55 =	vmul.f32 $6.931471820e-01, v23;
	v57 =	vadd.f32 v56, v56;
	v7 =	vadd.f32 v16, v7  }
0x129: {  	v10 =	vadd.f32 v63, v10;
	v13 =	vmul.f32 v49, v13;
	v17 =	vmul.f32 $6.931471820e-01, v17  }
0x12a: {  	v51 =	vmul.f32 $6.931471820e-01, v25;
	v9 =	vadd.f32 v9, v55;
	v21 =	vadd.f32 v46, v21  }
0x12b: {  	v24 =	vmul.f32 $6.931471820e-01, v24;
	v16 =	vadd.f32 v61, v17;
	v59 =	vsub.f32 v7, v13;
	v61 =	vld [tilespmem:$0x1FFD0]  }
0x12c: {  	v14 =	vmul.f32 v50, v14;
	v63 =	vld [tilespmem:$0x1FFF0];
	v7 =	vadd.f32 v60, v60;
	v13 =	vadd.f32 v0, v0  }
0x12d: {  	v2 =	vmul.f32 v2, v54;
	v17 =	vadd.f32 v62, v24;
	v24 =	vadd.f32 v48, v51  }
0x12e: {  	v14 =	vsub.f32 v16, v14;
	v7 =	vmul.f32 v7, v60;
	v62 =	vmul.f32 v13, v0;
	v0 =	vld [tilespmem:$0x1FFE0]  }
0x12f: {  	v16 =	vsub.f32 v17, v1;
	v1 =	vsub.f32 v10, v2  }
0x130: {  	v12 =	vmul.f32 v57, v56;
	v7 =	vsub.f32 v4, v7;
	v17 =	vadd.f32 v61, v61  }
0x131: {  	v2 =	vsub.f32 v21, v3;
	v13 =	vadd.f32 v63, v63  }
0x132: {  	v17 =	vmul.f32 v17, v61;
	v3 =	vsub.f32 v24, v12;
	v12 =	vadd.f32 v11, v11  }
0x133: {  	v21 =	vmul.f32 v13, v63;
	v13 =	vsub.f32 v8, v6;
	v10 =	vadd.f32 v0, v0  }
0x134: {  	v6 =	vmul.f32 v12, v11;
	v12 =	vsub.f32 v5, v62;
	v5 =	vadd.f32 $-3.224171400e+00, v15  }
0x135: {  	v14 =	vadd.f32 v16, v14;
	v4 =	vsub.f32 v19, v17;
	v10 =	vmul.f32 v10, v0  }
0x136: {  	s13 =	simm.s32 $0x80;
	v17 =	vadd.f32 v59, v58;
	[tilespmem:s11+$0x2070] =	vst v5;
	v5 =	vsub.f32 v20, v21  }
0x137: {  	s12 =	simm.s32 $0x400;
	v6 =	vsub.f32 v9, v6;
	v11 =	vld [tilespmem:s13+$0x70];
	v10 =	vsub.f32 v18, v10  }
.LBB2_2:
0x138: {  	v16 =	vld [tilespmem:s13+$0x1070]  }
0x139: {  	v0 =	vld [tilespmem:s13+$0x0];
	v1 =	vadd.f32 v2, v1  }
0x13a: {  	v2 =	vadd.f32 v13, v3;
	v3 =	vadd.f32 v12, v7;
	v12 =	vld [tilespmem:s13+$0x1000]  }
0x13b: {  	v4 =	vadd.f32 v10, v4;
	v7 =	vadd.f32 $-3.224171400e+00, v17;
	v13 =	vld [tilespmem:s13+$0x10]  }
0x13c: {  	v5 =	vadd.f32 v6, v5;
	v6 =	vadd.f32 $-3.224171400e+00, v14;
	v10 =	vld [tilespmem:s13+$0x1010]  }
0x13d: {  	v8 =	vadd.f32 $-3.224171400e+00, v1;
	[tilespmem:s11+$0x2000] =	vst v7;
	v2 =	vadd.f32 $-3.224171400e+00, v2;
	v9 =	vmul.f32 $4.000000000e+00, v11  }
0x13e: {  	v18 =	vadd.f32 $-3.224171400e+00, v5;
	v14 =	vld [tilespmem:s13+$0x20];
	[tilespmem:s11+$0x2010] =	vst v6;
	v6 =	vadd.f32 $-3.224171400e+00, v4  }
0x13f: {  	v17 =	vmul.f32 $4.000000000e+00, v16;
	v29 =	vmul.f32 $4.000000000e+00, v0;
	v4 =	vadd.f32 $-2.000000000e+00, v9  }
0x140: {  	[tilespmem:$0x1FD80] =	vst v0;
	v5 =	vadd.f32 v9, v9;
	v30 =	vmul.f32 $4.000000000e+00, v12;
	v9 =	vmul.f32 $3.000000000e+00, v9  }
0x141: {  	v7 =	vadd.f32 $-3.224171400e+00, v3;
	v0 =	vld [tilespmem:s13+$0x1020];
	[tilespmem:s11+$0x2020] =	vst v8;
	v47 =	vmul.f32 $4.000000000e+00, v13;
	v45 =	vmul.f32 $4.000000000e+00, v10  }
0x142: {  	[tilespmem:$0x1FDA0] =	vst v12;
	v8 =	vadd.f32 $-2.000000000e+00, v17;
	v19 =	vadd.f32 v17, v17;
	v17 =	vmul.f32 $3.000000000e+00, v17  }
0x143: {  	v12 =	vld [tilespmem:s13+$0x30];
	[tilespmem:s11+$0x2030] =	vst v2;
	v57 =	vadd.f32 $-2.000000000e+00, v29;
	v26 =	vadd.f32 v29, v29;
	v29 =	vmul.f32 $3.000000000e+00, v29  }
0x144: {  	v1 =	vld [tilespmem:s13+$0x1030];
	[tilespmem:s11+$0x2040] =	vst v7;
	v20 =	vmul.f32 $1.442695020e+00, v4;
	v21 =	vadd.f32 $-8.000000000e+00, v5;
	v7 =	vmul.f32 $1.442695020e+00, v8  }
0x145: {  	v8 =	vadd.f32 $-8.000000000e+00, v19;
	v46 =	vmul.f32 $4.000000000e+00, v14;
	v34 =	vmul.f32 $1.442695020e+00, v57  }
0x146: {  	v2 =	vld [tilespmem:s13+$0x40];
	[tilespmem:s11+$0x2050] =	vst v6;
	v9 =	vadd.f32 $-1.800000000e+01, v9;
	v19 =	vmul.f32 $1.442695020e+00, v21;
	(erf) = vpow2.f32 v20  }
0x147: {  	v4 =	vld [tilespmem:s13+$0x1040];
	[tilespmem:s11+$0x2060] =	vst v18;
	v17 =	vadd.f32 $-1.800000000e+01, v17;
	v18 =	vmul.f32 $1.442695020e+00, v8;
	(erf) = vpow2.f32 v7  }
0x148: {  	v27 =	vadd.f32 v30, v30;
	v58 =	vmul.f32 $1.442695020e+00, v9;
	(erf) = vpow2.f32 v19  }
0x149: {  	v48 =	vadd.f32 v47, v47;
	v17 =	vmul.f32 $1.442695020e+00, v17;
	(erf) = vpow2.f32 v18  }
0x14a: {  	v49 =	vadd.f32 v45, v45;
	v44 =	vmul.f32 $4.000000000e+00, v0;
	(erf) = vpow2.f32 v58  }
0x14b: {  	v3 =	vadd.f32 $-8.000000000e+00, v48;
	v22 =	vadd.f32 $-2.000000000e+00, v46;
	(erf) = vpow2.f32 v17  }
0x14c: {  	v41 =	vmul.f32 $4.000000000e+00, v12;
	v50 =	vadd.f32 v46, v46;
	v19 =	vadd.f32 $-2.000000000e+00, v45  }
0x14d: {  	[tilespmem:$0x1FDC0] =	vst v13;
	v42 =	vmul.f32 $4.000000000e+00, v1;
	v25 =	vadd.f32 $-2.000000000e+00, v44;
	v53 =	vadd.f32 v44, v44  }
0x14e: {  	s11 =	smov.u32 s13;
	v13 =	vmovc v0;
	v9 =	vmovc v1;
	[tilespmem:$0x1FF10] =	vst v1;
	v1 =	vadd.f32 $-8.000000000e+00, v26;
	v3 =	vmul.f32 $1.442695020e+00, v3;
	v18 =	vadd.f32 $-2.000000000e+00, v30  }
0x14f: {  	v6 =	vld [tilespmem:s11+$0x50];
	v43 =	vmul.f32 $4.000000000e+00, v2;
	v62 =	vadd.f32 $-2.000000000e+00, v41;
	v56 =	vadd.f32 v41, v41;
	v59 =	vpop (erf)  }
0x150: {  	v5 =	vld [tilespmem:s11+$0x1060];
	v38 =	vmul.f32 $4.000000000e+00, v4;
	v63 =	vadd.f32 $-2.000000000e+00, v42;
	v17 =	vadd.f32 $-2.000000000e+00, v47;
	v23 =	vpop (erf)  }
0x151: {  	[tilespmem:$0x1FE90] =	vst v0;
	v19 =	vmul.f32 $1.442695020e+00, v19;
	v21 =	vadd.f32 $1.000000000e+00, v59;
	v0 =	vadd.f32 $1.000000000e+00, v23;
	v24 =	vpop (erf)  }
0x152: {  	v7 =	vld [tilespmem:s11+$0x1050];
	v57 =	vadd.f32 v42, v42;
	v42 =	vmul.f32 $3.000000000e+00, v42;
	v31 =	vmul.f32 $1.442695020e+00, v18;
	v18 =	vpop (erf)  }
0x153: {  	v8 =	vld [tilespmem:s11+$0x60];
	v20 =	vmul.f32 $1.442695020e+00, v17;
	v17 =	vadd.f32 v24, v21;
	v60 =	vadd.f32 v18, v0;
	v61 =	vpop (erf)  }
0x154: {  	[tilespmem:$0x1FF20] =	vst v2;
	v2 =	vadd.f32 $-8.000000000e+00, v27;
	v1 =	vmul.f32 $1.442695020e+00, v1;
	v39 =	vmul.f32 $4.000000000e+00, v6;
	v28 =	vpop (erf)  }
0x155: {  	v36 =	vmul.f32 $4.000000000e+00, v5;
	v51 =	vadd.f32 v17, v61;
	v40 =	vadd.f32 v60, v28  }
0x156: {  	[tilespmem:$0x1FEF0] =	vst v5;
	v58 =	vadd.f32 v43, v43;
	v2 =	vmul.f32 $1.442695020e+00, v2;
	v5 =	vimm.f32 $0.0e+00  }
0x157: {  	v35 =	vmul.f32 $4.000000000e+00, v7;
	v59 =	vand.u32 $0x7FFFFF, v51;
	v60 =	vand.u32 $0x7FFFFF, v40  }
0x158: {  	v37 =	vmul.f32 $4.000000000e+00, v8;
	v21 =	vor.u32 $0x3F800000, v59;
	v23 =	vor.u32 $0x3F800000, v60  }
0x159: {  	v52 =	vadd.f32 $-2.000000000e+00, v38;
	v61 =	vmul.f32 $5.000000000e-01, v21;
	v32 =	vmul.f32 $5.000000000e-01, v23  }
0x15a: {  	v18 =	vmul.f32 $1.442695020e+00, v22;
	vm1 =	vgt.f32 v21, $1.414213540e+00;
	vm0 =	vgt.f32 v23, $1.414213540e+00  }
0x15b: {  	v22 =	vmul.f32 $1.442695020e+00, v63;
	v28 =	vsel vm1, v61, v21;
	v23 =	vsel vm0, v32, v23  }
0x15c: {  	v17 =	vmul.f32 $1.442695020e+00, v25;
	v32 =	vadd.f32 $-1.000000000e+00, v28;
	v33 =	vadd.f32 $-1.000000000e+00, v23  }
0x15d: {  	v25 =	vadd.f32 $-2.000000000e+00, v43;
	v43 =	vmul.f32 $3.000000000e+00, v43;
	(erf) = vpow2.f32 v34  }
0x15e: {  	v63 =	vadd.f32 v37, v37;
	v54 =	vmul.f32 $7.037683580e-02, v32;
	v55 =	vmul.f32 $7.037683580e-02, v33  }
0x15f: {  	v0 =	vadd.f32 v36, v36;
	v24 =	vmul.f32 $1.442695020e+00, v25;
	v25 =	vmul.f32 $1.442695020e+00, v52  }
0x160: {  	v40 =	vshrl.u32 v40, $0x17;
	v52 =	vadd.f32 $-1.151461010e-01, v54;
	v54 =	vadd.f32 $-1.151461010e-01, v55  }
0x161: {  	(erf) = vpow2.f32 v31;
	v40 =	vadd.s32 $0xFFFFFF81, v40;
	v21 =	vmul.f32 $1.442695020e+00, v62  }
0x162: {  	v62 =	vadd.f32 $-2.000000000e+00, v37;
	v52 =	vmul.f32 v52, v32;
	v54 =	vmul.f32 v54, v33  }
0x163: {  	v59 =	vadd.f32 v38, v38;
	v60 =	vadd.f32 v39, v39;
	v40 =	vcvt.s32.f32 v40  }
0x164: {  	v26 =	vmul.f32 $1.442695020e+00, v62;
	v62 =	vadd.f32 $1.167699840e-01, v52;
	v15 =	vadd.f32 $1.167699840e-01, v54  }
0x165: {  	v61 =	vadd.f32 v35, v35;
	v48 =	vadd.f32 $-8.000000000e+00, v60;
	v60 =	vmul.f32 $3.000000000e+00, v44  }
0x166: {  	v28 =	vadd.f32 $-2.000000000e+00, v35;
	v62 =	vmul.f32 v62, v32;
	v15 =	vmul.f32 v15, v33  }
0x167: {  	v37 =	vmul.f32 $3.000000000e+00, v37;
	v52 =	vadd.f32 $-8.000000000e+00, v50;
	v50 =	vadd.f32 $-8.000000000e+00, v56  }
0x168: {  	v56 =	vmul.f32 $3.000000000e+00, v30;
	v30 =	vadd.f32 $-1.242014100e-01, v62;
	v15 =	vadd.f32 $-1.242014100e-01, v15  }
0x169: {  	v44 =	vadd.f32 $-8.000000000e+00, v0;
	v23 =	vadd.f32 $-2.000000000e+00, v39;
	v28 =	vmul.f32 $1.442695020e+00, v28  }
0x16a: {  	v37 =	vadd.f32 $-1.800000000e+01, v37;
	v30 =	vmul.f32 v30, v32;
	v15 =	vmul.f32 v15, v33  }
0x16b: {  	v55 =	vadd.f32 $-2.000000000e+00, v36;
	v62 =	vmul.f32 $3.000000000e+00, v47;
	v47 =	vadd.f32 $-8.000000000e+00, v59  }
0x16c: {  	v23 =	vmul.f32 $1.442695020e+00, v23;
	v59 =	vadd.f32 $1.424932330e-01, v30;
	v15 =	vadd.f32 $1.424932330e-01, v15  }
0x16d: {  	v36 =	vmul.f32 $3.000000000e+00, v36;
	v27 =	vmul.f32 $1.442695020e+00, v55;
	v55 =	vadd.f32 $-8.000000000e+00, v53  }
0x16e: {  	v53 =	vadd.f32 $-8.000000000e+00, v57;
	v0 =	vmul.f32 v59, v32;
	v15 =	vmul.f32 v15, v33  }
0x16f: {  	v57 =	vmul.f32 $3.000000000e+00, v45;
	v45 =	vadd.f32 $-8.000000000e+00, v61;
	v36 =	vadd.f32 $-1.800000000e+01, v36  }
0x170: {  	v61 =	vmul.f32 $3.000000000e+00, v39;
	v0 =	vadd.f32 $-1.666805740e-01, v0;
	v15 =	vadd.f32 $-1.666805740e-01, v15  }
0x171: {  	v54 =	vadd.f32 $-8.000000000e+00, v49;
	v49 =	vadd.f32 $-8.000000000e+00, v58;
	v58 =	vmul.f32 $3.000000000e+00, v46  }
0x172: {  	v46 =	vadd.f32 $-8.000000000e+00, v63;
	v0 =	vmul.f32 v0, v32;
	v15 =	vmul.f32 v15, v33  }
0x173: {  	v39 =	vadd.f32 $-1.800000000e+01, v57;
	v57 =	vmul.f32 $3.000000000e+00, v35;
	v35 =	vadd.f32 $-1.800000000e+01, v60  }
0x174: {  	v37 =	vmul.f32 $1.442695020e+00, v37;
	v0 =	vadd.f32 $2.000071410e-01, v0;
	v15 =	vadd.f32 $2.000071410e-01, v15  }
0x175: {  	v60 =	vshrl.u32 v51, $0x17;
	v51 =	vmul.f32 v33, v33;
	v36 =	vmul.f32 $1.442695020e+00, v36  }
0x176: {  	v34 =	vadd.s32 $0xFFFFFF81, v60;
	v0 =	vmul.f32 v0, v32;
	v15 =	vmul.f32 v15, v33  }
0x177: {  	v63 =	vadd.f32 v16, v16;
	v31 =	vcvt.s32.f32 v34;
	v34 =	vmul.f32 v32, v32  }
0x178: {  	[tilespmem:$0x1FEA0] =	vst v6;
	v6 =	vmul.f32 v51, v33;
	v0 =	vadd.f32 $-2.499999400e-01, v0;
	v15 =	vadd.f32 $-2.499999400e-01, v15  }
0x179: {  	v51 =	vmul.f32 $5.000000000e-01, v51;
	v16 =	vmul.f32 v63, v16;
	v30 =	vadd.f32 $-1.800000000e+01, v29  }
0x17a: {  	v29 =	vadd.f32 $-1.800000000e+01, v56;
	v0 =	vmul.f32 v0, v32;
	v15 =	vmul.f32 v15, v33  }
0x17b: {  	v56 =	vmul.f32 $3.000000000e+00, v41;
	v59 =	vmul.f32 $3.000000000e+00, v38;
	v38 =	vadd.f32 $-1.800000000e+01, v58  }
0x17c: {  	v58 =	vmul.f32 v34, v32;
	v0 =	vadd.f32 $3.333333130e-01, v0;
	v15 =	vadd.f32 $3.333333130e-01, v15  }
0x17d: {  	v41 =	vadd.f32 $-1.800000000e+01, v62;
	v62 =	vsel vm1, $0x3F800000, v5;
	v34 =	vmul.f32 $5.000000000e-01, v34  }
0x17e: {  	v0 =	vmul.f32 v0, v58;
	v58 =	vsel vm0, $0x3F800000, v5;
	v15 =	vmul.f32 v15, v6  }
0x17f: {  	v60 =	vpop (erf);
	(erf) = vpow2.f32 v20;
	v31 =	vadd.f32 v31, v62;
	v40 =	vadd.f32 v40, v58  }
0x180: {  	v63 =	vmul.f32 $1.442695020e+00, v48;
	v0 =	vsub.f32 v0, v34;
	v15 =	vsub.f32 v15, v51  }
0x181: {  	v48 =	vmul.f32 $1.442695020e+00, v45;
	v62 =	vadd.f32 v11, v11;
	v31 =	vmul.f32 $6.931471820e-01, v31  }
0x182: {  	v40 =	vmul.f32 $6.931471820e-01, v40;
	v0 =	vadd.f32 v0, v32;
	v15 =	vadd.f32 v15, v33  }
0x183: {  	v39 =	vmul.f32 $1.442695020e+00, v39;
	v20 =	vpop (erf);
	(erf) = vpow2.f32 v19  }
0x184: {  	v11 =	vmul.f32 v62, v11;
	v0 =	vadd.f32 v0, v31;
	v15 =	vadd.f32 v15, v40  }
0x185: {  	v35 =	vmul.f32 $1.442695020e+00, v35;
	(erf) = vpow2.f32 v18  }
0x186: {  	v19 =	vmul.f32 $1.442695020e+00, v54;
	v0 =	vsub.f32 v0, v11;
	v5 =	vsub.f32 v15, v16  }
0x187: {  	v18 =	vmul.f32 $1.442695020e+00, v52;
	(erf) = vpow2.f32 v17  }
0x188: {  	v52 =	vmul.f32 $1.442695020e+00, v44;
	v11 =	vpop (erf);
	(erf) = vpow2.f32 v21;
	v0 =	vadd.f32 v5, v0  }
0x189: {  	v17 =	vmul.f32 $1.442695020e+00, v50;
	(erf) = vpow2.f32 v22  }
0x18a: {  	v50 =	vmul.f32 $1.442695020e+00, v46;
	(erf) = vpow2.f32 v24;
	v5 =	vadd.f32 $-3.224171400e+00, v0  }
0x18b: {  	v29 =	vmul.f32 $1.442695020e+00, v29;
	(erf) = vpow2.f32 v25  }
0x18c: {  	v54 =	vmul.f32 $1.442695020e+00, v41;
	[tilespmem:s11+$0x2070] =	vst v5;
	v0 =	vpop (erf);
	(erf) = vpow2.f32 v23;
	v5 =	vld [tilespmem:$0x1FD80]  }
0x18d: {  	v56 =	vadd.f32 $-1.800000000e+01, v56;
	v62 =	vmul.f32 $1.442695020e+00, v47;
	(erf) = vpow2.f32 v28  }
0x18e: {  	v38 =	vmul.f32 $1.442695020e+00, v38;
	v58 =	vadd.f32 $-1.800000000e+01, v42;
	v51 =	vpop (erf);
	(erf) = vpow2.f32 v26  }
0x18f: {  	v34 =	vadd.f32 $-1.800000000e+01, v57;
	v57 =	vmul.f32 $1.442695020e+00, v56;
	(erf) = vpow2.f32 v27  }
0x190: {  	v32 =	vadd.f32 $-1.800000000e+01, v61;
	v61 =	vmul.f32 $1.442695020e+00, v49;
	(erf) = vpow2.f32 v1;
	v1 =	vpop (erf)  }
0x191: {  	v15 =	vmul.f32 $1.442695020e+00, v55;
	(erf) = vpow2.f32 v2;
	v2 =	vpop (erf);
	v5 =	vadd.f32 v5, v5  }
0x192: {  	v34 =	vmul.f32 $1.442695020e+00, v34;
	(erf) = vpow2.f32 v3;
	v3 =	vpop (erf)  }
0x193: {  	v33 =	vmul.f32 $1.442695020e+00, v58;
	v31 =	vadd.f32 $-1.800000000e+01, v43;
	(erf) = vpow2.f32 v19;
	v19 =	vpop (erf);
	[tilespmem:$0x1FD90] =	vst v5;
	v5 =	vld [tilespmem:$0x1FDA0]  }
0x194: {  	v16 =	vadd.f32 $-1.800000000e+01, v59;
	v59 =	vmul.f32 $1.442695020e+00, v53;
	(erf) = vpow2.f32 v18;
	v18 =	vpop (erf)  }
0x195: {  	v32 =	vmul.f32 $1.442695020e+00, v32;
	(erf) = vpow2.f32 v15;
	v15 =	vpop (erf)  }
0x196: {  	v20 =	vadd.f32 $1.000000000e+00, v20;
	v31 =	vmul.f32 $1.442695020e+00, v31;
	(erf) = vpow2.f32 v17;
	v17 =	vpop (erf)  }
0x197: {  	v49 =	vadd.f32 $1.000000000e+00, v60;
	v53 =	vmul.f32 $1.442695020e+00, v30;
	(erf) = vpow2.f32 v59;
	v58 =	vpop (erf)  }
0x198: {  	v11 =	vadd.f32 $1.000000000e+00, v11;
	(erf) = vpow2.f32 v61;
	v59 =	vpop (erf);
	v5 =	vadd.f32 v5, v5  }
0x199: {  	v60 =	vmul.f32 $1.442695020e+00, v16;
	v16 =	vadd.f32 $1.000000000e+00, v17;
	v17 =	vpop (erf);
	(erf) = vpow2.f32 v62  }
0x19a: {  	v0 =	vadd.f32 $1.000000000e+00, v0;
	v55 =	vadd.f32 $1.000000000e+00, v51;
	v62 =	vpop (erf);
	(erf) = vpow2.f32 v63;
	[tilespmem:$0x1FDB0] =	vst v5;
	v5 =	vld [tilespmem:$0x1FDC0]  }
0x19b: {  	v1 =	vadd.f32 $1.000000000e+00, v1;
	v2 =	vadd.f32 $1.000000000e+00, v2;
	v24 =	vpop (erf);
	(erf) = vpow2.f32 v48  }
0x19c: {  	v3 =	vadd.f32 $1.000000000e+00, v3;
	v28 =	vadd.f32 v17, v49;
	v17 =	vpop (erf);
	(erf) = vpow2.f32 v50  }
0x19d: {  	v19 =	vadd.f32 $1.000000000e+00, v19;
	v18 =	vadd.f32 $1.000000000e+00, v18;
	v46 =	vpop (erf);
	(erf) = vpow2.f32 v52  }
0x19e: {  	v15 =	vadd.f32 $1.000000000e+00, v15;
	v0 =	vadd.f32 v17, v0;
	(erf) = vpow2.f32 v53;
	v17 =	vpop (erf)  }
0x19f: {  	v1 =	vadd.f32 v17, v1;
	(erf) = vpow2.f32 v29;
	v17 =	vpop (erf);
	v5 =	vadd.f32 v5, v5  }
0x1a0: {  	v61 =	vadd.f32 $1.000000000e+00, v58;
	v2 =	vadd.f32 v17, v2;
	(erf) = vpow2.f32 v54;
	v17 =	vpop (erf)  }
0x1a1: {  	v3 =	vadd.f32 v17, v3;
	(erf) = vpow2.f32 v39;
	v17 =	vpop (erf);
	[tilespmem:$0x1FDD0] =	vst v5;
	v5 =	vadd.f32 v10, v10  }
0x1a2: {  	v63 =	vadd.f32 $1.000000000e+00, v59;
	v48 =	vadd.f32 v17, v19;
	(erf) = vpow2.f32 v38;
	v17 =	vpop (erf)  }
0x1a3: {  	[tilespmem:$0x1FDF0] =	vst v5;
	v49 =	vadd.f32 v17, v18;
	(erf) = vpow2.f32 v35;
	v17 =	vpop (erf);
	v5 =	vadd.f32 v14, v14  }
0x1a4: {  	v45 =	vadd.f32 v62, v20;
	v50 =	vadd.f32 v17, v15;
	(erf) = vpow2.f32 v57;
	v17 =	vpop (erf)  }
0x1a5: {  	[tilespmem:$0x1FE30] =	vst v5;
	v5 =	vadd.f32 v13, v13;
	v51 =	vadd.f32 v17, v16;
	(erf) = vpow2.f32 v33;
	v16 =	vpop (erf)  }
0x1a6: {  	v11 =	vadd.f32 v24, v11;
	v47 =	vadd.f32 v46, v55;
	(erf) = vpow2.f32 v31;
	v18 =	vpop (erf)  }
0x1a7: {  	[tilespmem:$0x1FE80] =	vst v5;
	v5 =	vadd.f32 v12, v12;
	v53 =	vadd.f32 v18, v63;
	v18 =	vpop (erf);
	(erf) = vpow2.f32 v60  }
0x1a8: {  	v52 =	vadd.f32 v16, v61;
	v25 =	vadd.f32 v28, v18;
	v19 =	vpop (erf);
	(erf) = vpow2.f32 v32  }
0x1a9: {  	[tilespmem:$0x1FEC0] =	vst v5;
	v5 =	vadd.f32 v9, v9;
	v27 =	vadd.f32 v45, v19;
	v54 =	vpop (erf);
	(erf) = vpow2.f32 v34  }
0x1aa: {  	v55 =	vand.u32 $0x7FFFFF, v25;
	v39 =	vadd.f32 v11, v54;
	v11 =	vpop (erf);
	(erf) = vpow2.f32 v37  }
0x1ab: {  	v56 =	vand.u32 $0x7FFFFF, v27;
	v40 =	vadd.f32 v0, v11;
	v0 =	vpop (erf);
	(erf) = vpow2.f32 v36  }
0x1ac: {  	v11 =	vor.u32 $0x3F800000, v55;
	v57 =	vand.u32 $0x7FFFFF, v39;
	v41 =	vadd.f32 v47, v0  }
0x1ad: {  	v0 =	vpop (erf);
	v26 =	vor.u32 $0x3F800000, v56;
	vm8 =	vgt.f32 v11, $1.414213540e+00;
	v39 =	vshrl.u32 v39, $0x17  }
0x1ae: {  	[tilespmem:$0x1FF00] =	vst v5;
	v5 =	vld [tilespmem:$0x1FF20];
	v58 =	vand.u32 $0x7FFFFF, v40;
	v42 =	vadd.f32 v1, v0;
	v1 =	vor.u32 $0x3F800000, v57  }
0x1af: {  	v24 =	vmul.f32 $5.000000000e-01, v26;
	vm9 =	vgt.f32 v26, $1.414213540e+00;
	v40 =	vshrl.u32 v40, $0x17  }
0x1b0: {  	v39 =	vadd.s32 $0xFFFFFF81, v39;
	v59 =	vand.u32 $0x7FFFFF, v41;
	vm10 =	vgt.f32 v1, $1.414213540e+00  }
0x1b1: {  	v41 =	vshrl.u32 v41, $0x17;
	v40 =	vadd.s32 $0xFFFFFF81, v40;
	v39 =	vcvt.s32.f32 v39  }
0x1b2: {  	v60 =	vand.u32 $0x7FFFFF, v42;
	v26 =	vsel vm9, v24, v26;
	v42 =	vshrl.u32 v42, $0x17  }
0x1b3: {  	v41 =	vadd.s32 $0xFFFFFF81, v41;
	v40 =	vcvt.s32.f32 v40;
	v5 =	vadd.f32 v5, v5  }
0x1b4: {  	v28 =	vor.u32 $0x3F800000, v60;
	v26 =	vadd.f32 $-1.000000000e+00, v26;
	v42 =	vadd.s32 $0xFFFFFF81, v42  }
0x1b5: {  	[tilespmem:$0x1FF50] =	vst v4;
	v0 =	vpop (erf);
	v41 =	vcvt.s32.f32 v41;
	v43 =	vmul.f32 $5.000000000e-01, v28;
	vm13 =	vgt.f32 v28, $1.414213540e+00  }
0x1b6: {  	[tilespmem:$0x1FF30] =	vst v5;
	v5 =	vadd.f32 v4, v4;
	v4 =	vadd.f32 v2, v0;
	v2 =	vor.u32 $0x3F800000, v58  }
0x1b7: {  	v42 =	vcvt.s32.f32 v42;
	v0 =	vpop (erf);
	vm11 =	vgt.f32 v2, $1.414213540e+00;
	v28 =	vsel vm13, v43, v28  }
0x1b8: {  	[tilespmem:$0x1FF40] =	vst v5;
	v5 =	vadd.f32 v3, v0;
	v0 =	vpop (erf);
	v3 =	vor.u32 $0x3F800000, v59;
	v61 =	vand.u32 $0x7FFFFF, v4  }
0x1b9: {  	[tilespmem:$0x1FEE0] =	vst v8;
	v28 =	vadd.f32 $-1.000000000e+00, v28;
	v8 =	vadd.f32 v48, v0;
	v0 =	vpop (erf);
	v30 =	vor.u32 $0x3F800000, v61  }
0x1ba: {  	vm12 =	vgt.f32 v3, $1.414213540e+00;
	v62 =	vand.u32 $0x7FFFFF, v5;
	v6 =	vadd.f32 v49, v0  }
0x1bb: {  	v0 =	vpop (erf);
	v44 =	vmul.f32 $5.000000000e-01, v30;
	vm7 =	vgt.f32 v30, $1.414213540e+00;
	v43 =	vmul.f32 $7.037683580e-02, v28  }
0x1bc: {  	[tilespmem:$0x1FEB0] =	vst v7;
	v63 =	vand.u32 $0x7FFFFF, v8;
	v7 =	vadd.f32 v50, v0;
	v0 =	vpop (erf);
	v29 =	vor.u32 $0x3F800000, v62  }
0x1bd: {  	[tilespmem:$0x1FCA0] =	vst v6;
	v20 =	vand.u32 $0x7FFFFF, v6;
	v6 =	vadd.f32 v51, v0;
	v32 =	vor.u32 $0x3F800000, v63  }
0x1be: {  	v0 =	vpop (erf);
	v45 =	vmul.f32 $5.000000000e-01, v29;
	vm6 =	vgt.f32 v29, $1.414213540e+00;
	v30 =	vsel vm7, v44, v30  }
0x1bf: {  	v63 =	vmul.f32 v26, v26;
	[tilespmem:$0x1FCB0] =	vst v7;
	v35 =	vand.u32 $0x7FFFFF, v7;
	v7 =	vadd.f32 v52, v0  }
0x1c0: {  	v0 =	vpop (erf);
	v33 =	vor.u32 $0x3F800000, v20;
	v46 =	vmul.f32 $5.000000000e-01, v32;
	vm5 =	vgt.f32 v32, $1.414213540e+00  }
0x1c1: {  	v52 =	vshrl.u32 v25, $0x17;
	[tilespmem:$0x1FCC0] =	vst v6;
	v21 =	vand.u32 $0x7FFFFF, v6;
	v6 =	vadd.f32 v53, v0  }
0x1c2: {  	v0 =	vor.u32 $0x3F800000, v35;
	v35 =	vmul.f32 $5.000000000e-01, v11;
	v47 =	vmul.f32 $5.000000000e-01, v33  }
0x1c3: {  	vm4 =	vgt.f32 v33, $1.414213540e+00;
	v29 =	vsel vm6, v45, v29;
	v53 =	vadd.f32 $-1.151461010e-01, v43  }
0x1c4: {  	[tilespmem:$0x1FE40] =	vst v14;
	v14 =	vmul.f32 v63, v26;
	v52 =	vadd.s32 $0xFFFFFF81, v52;
	v31 =	vor.u32 $0x3F800000, v21  }
0x1c5: {  	v22 =	vand.u32 $0x7FFFFF, v7;
	v21 =	vmul.f32 $5.000000000e-01, v1;
	v48 =	vmul.f32 $5.000000000e-01, v0  }
0x1c6: {  	vm3 =	vgt.f32 v0, $1.414213540e+00;
	v32 =	vsel vm5, v46, v32;
	v29 =	vadd.f32 $-1.000000000e+00, v29  }
0x1c7: {  	[tilespmem:$0x1FCD0] =	vst v7;
	v7 =	vshrl.u32 v4, $0x17;
	v4 =	vshrl.u32 v8, $0x17;
	v52 =	vcvt.s32.f32 v52  }
0x1c8: {  	v34 =	vor.u32 $0x3F800000, v22;
	v23 =	vand.u32 $0x7FFFFF, v6;
	v22 =	vmul.f32 $5.000000000e-01, v2  }
0x1c9: {  	v49 =	vmul.f32 $5.000000000e-01, v31;
	vm2 =	vgt.f32 v31, $1.414213540e+00;
	v11 =	vsel vm8, v35, v11  }
0x1ca: {  	[tilespmem:$0x1FCF0] =	vst v6;
	v6 =	vshrl.u32 v27, $0x17;
	v35 =	vadd.f32 $-1.000000000e+00, v30;
	v53 =	vmul.f32 v53, v28  }
0x1cb: {  	v7 =	vadd.s32 $0xFFFFFF81, v7;
	v4 =	vadd.s32 $0xFFFFFF81, v4;
	v36 =	vor.u32 $0x3F800000, v23  }
0x1cc: {  	v23 =	vmul.f32 $5.000000000e-01, v3;
	v50 =	vmul.f32 $5.000000000e-01, v34;
	vm14 =	vgt.f32 v34, $1.414213540e+00  }
0x1cd: {  	v1 =	vsel vm10, v21, v1;
	v21 =	vsel vm4, v47, v33;
	v0 =	vsel vm3, v48, v0  }
0x1ce: {  	v38 =	vadd.f32 $-1.000000000e+00, v11;
	v45 =	vmul.f32 $7.037683580e-02, v29;
	v7 =	vcvt.s32.f32 v7  }
0x1cf: {  	[tilespmem:$0x1FCE0] =	vst v6;
	v6 =	vshrl.u32 v5, $0x17;
	v4 =	vcvt.s32.f32 v4;
	v20 =	vmul.f32 $5.000000000e-01, v36  }
0x1d0: {  	vm15 =	vgt.f32 v36, $1.414213540e+00;
	v2 =	vsel vm11, v22, v2;
	v33 =	vadd.f32 $-1.000000000e+00, v1  }
0x1d1: {  	v31 =	vsel vm2, v49, v31;
	v30 =	vadd.f32 $-1.000000000e+00, v21;
	v37 =	vadd.f32 $-1.000000000e+00, v0  }
0x1d2: {  	v44 =	vmul.f32 $7.037683580e-02, v35;
	v53 =	vadd.f32 $1.167699840e-01, v53;
	v6 =	vadd.s32 $0xFFFFFF81, v6  }
0x1d3: {  	v3 =	vsel vm12, v23, v3;
	v22 =	vsel vm14, v50, v34;
	v27 =	vadd.f32 $-1.000000000e+00, v2  }
0x1d4: {  	v1 =	vmul.f32 $7.037683580e-02, v38;
	v2 =	vmul.f32 $7.037683580e-02, v26;
	v31 =	vadd.f32 $-1.000000000e+00, v31  }
0x1d5: {  	v55 =	vadd.f32 $-1.151461010e-01, v45;
	v62 =	vmul.f32 v38, v38;
	v6 =	vcvt.s32.f32 v6  }
0x1d6: {  	v23 =	vsel vm15, v20, v36;
	v34 =	vadd.f32 $-1.000000000e+00, v3;
	v3 =	vmul.f32 $7.037683580e-02, v33  }
0x1d7: {  	v36 =	vadd.f32 $-1.000000000e+00, v32;
	v47 =	vmul.f32 $7.037683580e-02, v30;
	v48 =	vmul.f32 $7.037683580e-02, v37  }
0x1d8: {  	v54 =	vadd.f32 $-1.151461010e-01, v44;
	v53 =	vmul.f32 v53, v28;
	v44 =	vmul.f32 v28, v28  }
0x1d9: {  	v32 =	vadd.f32 $-1.000000000e+00, v22;
	v24 =	vmul.f32 v30, v30;
	v43 =	vmul.f32 v37, v37  }
0x1da: {  	v11 =	vmul.f32 $7.037683580e-02, v27;
	v25 =	vadd.f32 $-1.000000000e+00, v23;
	v0 =	vmul.f32 $7.037683580e-02, v34  }
0x1db: {  	v1 =	vadd.f32 $-1.151461010e-01, v1;
	v2 =	vadd.f32 $-1.151461010e-01, v2;
	v49 =	vmul.f32 $7.037683580e-02, v31  }
0x1dc: {  	v55 =	vmul.f32 v55, v29;
	v22 =	vmul.f32 v31, v31;
	v0 =	vadd.f32 $-1.151461010e-01, v0  }
0x1dd: {  	v21 =	vmul.f32 v62, v38;
	v46 =	vmul.f32 $7.037683580e-02, v36;
	v3 =	vadd.f32 $-1.151461010e-01, v3  }
0x1de: {  	v50 =	vmul.f32 $7.037683580e-02, v32;
	v57 =	vadd.f32 $-1.151461010e-01, v47;
	v0 =	vmul.f32 v0, v34  }
0x1df: {  	v58 =	vadd.f32 $-1.151461010e-01, v48;
	v54 =	vmul.f32 v54, v35;
	v53 =	vadd.f32 $-1.242014100e-01, v53  }
0x1e0: {  	v11 =	vadd.f32 $-1.151461010e-01, v11;
	v1 =	vmul.f32 v1, v38;
	v0 =	vadd.f32 $1.167699840e-01, v0  }
0x1e1: {  	v2 =	vmul.f32 v2, v26;
	v55 =	vadd.f32 $1.167699840e-01, v55;
	v3 =	vmul.f32 v3, v33  }
0x1e2: {  	v54 =	vadd.f32 $1.167699840e-01, v54;
	v53 =	vmul.f32 v53, v28;
	v0 =	vmul.f32 v0, v34  }
0x1e3: {  	v11 =	vmul.f32 v11, v27;
	v1 =	vadd.f32 $1.167699840e-01, v1;
	v2 =	vadd.f32 $1.167699840e-01, v2  }
0x1e4: {  	v55 =	vmul.f32 v55, v29;
	v3 =	vadd.f32 $1.167699840e-01, v3;
	v0 =	vadd.f32 $-1.242014100e-01, v0  }
0x1e5: {  	v54 =	vmul.f32 v54, v35;
	v53 =	vadd.f32 $1.424932330e-01, v53;
	v1 =	vmul.f32 v1, v38  }
0x1e6: {  	v11 =	vadd.f32 $1.167699840e-01, v11;
	v2 =	vmul.f32 v2, v26;
	v0 =	vmul.f32 v0, v34  }
0x1e7: {  	v55 =	vadd.f32 $-1.242014100e-01, v55;
	v3 =	vmul.f32 v3, v33;
	v54 =	vadd.f32 $-1.242014100e-01, v54  }
0x1e8: {  	v53 =	vmul.f32 v53, v28;
	v11 =	vmul.f32 v11, v27;
	v0 =	vadd.f32 $1.424932330e-01, v0  }
0x1e9: {  	v1 =	vadd.f32 $-1.242014100e-01, v1;
	v2 =	vadd.f32 $-1.242014100e-01, v2;
	v55 =	vmul.f32 v55, v29  }
0x1ea: {  	v3 =	vadd.f32 $-1.242014100e-01, v3;
	v54 =	vmul.f32 v54, v35;
	v0 =	vmul.f32 v0, v34  }
0x1eb: {  	v53 =	vadd.f32 $-1.666805740e-01, v53;
	v11 =	vadd.f32 $-1.242014100e-01, v11;
	v1 =	vmul.f32 v1, v38  }
0x1ec: {  	v2 =	vmul.f32 v2, v26;
	v54 =	vadd.f32 $1.424932330e-01, v54;
	v0 =	vadd.f32 $-1.666805740e-01, v0  }
0x1ed: {  	v55 =	vadd.f32 $1.424932330e-01, v55;
	v3 =	vmul.f32 v3, v33;
	v53 =	vmul.f32 v53, v28  }
0x1ee: {  	v1 =	vadd.f32 $1.424932330e-01, v1;
	v54 =	vmul.f32 v54, v35;
	v0 =	vmul.f32 v0, v34  }
0x1ef: {  	v11 =	vmul.f32 v11, v27;
	v2 =	vadd.f32 $1.424932330e-01, v2;
	v3 =	vadd.f32 $1.424932330e-01, v3  }
0x1f0: {  	v55 =	vmul.f32 v55, v29;
	v54 =	vadd.f32 $-1.666805740e-01, v54;
	v0 =	vadd.f32 $2.000071410e-01, v0  }
0x1f1: {  	v53 =	vadd.f32 $2.000071410e-01, v53;
	v1 =	vmul.f32 v1, v38;
	v2 =	vmul.f32 v2, v26  }
0x1f2: {  	v55 =	vadd.f32 $-1.666805740e-01, v55;
	v54 =	vmul.f32 v54, v35;
	v0 =	vmul.f32 v0, v34  }
0x1f3: {  	v11 =	vadd.f32 $1.424932330e-01, v11;
	v3 =	vmul.f32 v3, v33;
	v53 =	vmul.f32 v53, v28  }
0x1f4: {  	v55 =	vmul.f32 v55, v29;
	v54 =	vadd.f32 $2.000071410e-01, v54;
	v0 =	vadd.f32 $-2.499999400e-01, v0  }
0x1f5: {  	v11 =	vmul.f32 v11, v27;
	v1 =	vadd.f32 $-1.666805740e-01, v1;
	v53 =	vadd.f32 $-2.499999400e-01, v53  }
0x1f6: {  	v55 =	vadd.f32 $2.000071410e-01, v55;
	v54 =	vmul.f32 v54, v35;
	v0 =	vmul.f32 v0, v34  }
0x1f7: {  	v2 =	vadd.f32 $-1.666805740e-01, v2;
	v1 =	vmul.f32 v1, v38;
	v53 =	vmul.f32 v53, v28  }
0x1f8: {  	v55 =	vmul.f32 v55, v29;
	v54 =	vadd.f32 $-2.499999400e-01, v54;
	v0 =	vadd.f32 $3.333333130e-01, v0  }
0x1f9: {  	v3 =	vadd.f32 $-1.666805740e-01, v3;
	v2 =	vmul.f32 v2, v26;
	v1 =	vadd.f32 $2.000071410e-01, v1  }
0x1fa: {  	v55 =	vadd.f32 $-2.499999400e-01, v55;
	v54 =	vmul.f32 v54, v35;
	[tilespmem:$0x1FD40] =	vst v0;
	v0 =	vadd.f32 $3.333333130e-01, v53  }
0x1fb: {  	v11 =	vadd.f32 $-1.666805740e-01, v11;
	v3 =	vmul.f32 v3, v33;
	v2 =	vadd.f32 $2.000071410e-01, v2  }
0x1fc: {  	v1 =	vmul.f32 v1, v38;
	v55 =	vmul.f32 v55, v29;
	[tilespmem:$0x1FD50] =	vst v0;
	v0 =	vadd.f32 $3.333333130e-01, v54  }
0x1fd: {  	v47 =	vmul.f32 v29, v29;
	v11 =	vmul.f32 v11, v27;
	v3 =	vadd.f32 $2.000071410e-01, v3  }
0x1fe: {  	v2 =	vmul.f32 v2, v26;
	v1 =	vadd.f32 $-2.499999400e-01, v1;
	[tilespmem:$0x1FD60] =	vst v0;
	v0 =	vadd.f32 $3.333333130e-01, v55  }
0x1ff: {  	v48 =	vmul.f32 v36, v36;
	v23 =	vmul.f32 v32, v32;
	v11 =	vadd.f32 $2.000071410e-01, v11  }
0x200: {  	v3 =	vmul.f32 v3, v33;
	v2 =	vadd.f32 $-2.499999400e-01, v2;
	v1 =	vmul.f32 v1, v38;
	[tilespmem:$0x1FD70] =	vst v0;
	v0 =	vld [tilespmem:$0x1FCA0]  }
0x201: {  	[tilespmem:$0x1FE00] =	vst v10;
	v10 =	vmul.f32 v44, v28;
	v11 =	vmul.f32 v11, v27  }
0x202: {  	v3 =	vadd.f32 $-2.499999400e-01, v3;
	v2 =	vmul.f32 v2, v26;
	v1 =	vadd.f32 $3.333333130e-01, v1  }
0x203: {  	v9 =	vmul.f32 v24, v30;
	v16 =	vmul.f32 v43, v37  }
0x204: {  	v11 =	vadd.f32 $-2.499999400e-01, v11;
	v3 =	vmul.f32 v3, v33;
	[tilespmem:$0x1FD00] =	vst v1;
	v1 =	vadd.f32 $3.333333130e-01, v2  }
0x205: {  	v44 =	vmul.f32 $5.000000000e-01, v44;
	v24 =	vmul.f32 $5.000000000e-01, v24;
	v5 =	vshrl.u32 v0, $0x17;
	v0 =	vld [tilespmem:$0x1FCB0]  }
0x206: {  	v43 =	vmul.f32 $5.000000000e-01, v43;
	v11 =	vmul.f32 v11, v27;
	[tilespmem:$0x1FD10] =	vst v1;
	v1 =	vadd.f32 $3.333333130e-01, v3  }
0x207: {  	v51 =	vmul.f32 $7.037683580e-02, v25;
	v59 =	vadd.f32 $-1.151461010e-01, v49;
	v49 =	vmul.f32 v33, v33  }
0x208: {  	v45 =	vmul.f32 v25, v25;
	v56 =	vadd.f32 $-1.151461010e-01, v46;
	[tilespmem:$0x1FD20] =	vst v1;
	v1 =	vadd.f32 $3.333333130e-01, v11  }
0x209: {  	v60 =	vadd.f32 $-1.151461010e-01, v50;
	v57 =	vmul.f32 v57, v30;
	v58 =	vmul.f32 v58, v37  }
0x20a: {  	v50 =	vmul.f32 v27, v27;
	v46 =	vmul.f32 v35, v35;
	[tilespmem:$0x1FD30] =	vst v1;
	v1 =	vshrl.u32 v0, $0x17;
	v0 =	vld [tilespmem:$0x1FCC0]  }
0x20b: {  	[tilespmem:$0x1FED0] =	vst v12;
	v12 =	vmul.f32 v47, v29;
	v18 =	vmul.f32 v48, v36  }
0x20c: {  	v19 =	vmul.f32 v23, v32;
	v47 =	vmul.f32 $5.000000000e-01, v47  }
0x20d: {  	v48 =	vmul.f32 $5.000000000e-01, v48;
	v23 =	vmul.f32 $5.000000000e-01, v23  }
0x20e: {  	v61 =	vadd.f32 $-1.151461010e-01, v51;
	v59 =	vmul.f32 v59, v31;
	v51 =	vmul.f32 v34, v34  }
0x20f: {  	v20 =	vmul.f32 v49, v33;
	v8 =	vmul.f32 v45, v25;
	v3 =	vshrl.u32 v0, $0x17;
	v0 =	vld [tilespmem:$0x1FCD0]  }
0x210: {  	v49 =	vmul.f32 $5.000000000e-01, v49;
	v45 =	vmul.f32 $5.000000000e-01, v45  }
0x211: {  	v56 =	vmul.f32 v56, v36;
	v60 =	vmul.f32 v60, v32  }
0x212: {  	v57 =	vadd.f32 $1.167699840e-01, v57;
	v13 =	vmul.f32 v50, v27;
	v15 =	vmul.f32 v46, v35  }
0x213: {  	v58 =	vadd.f32 $1.167699840e-01, v58;
	v50 =	vmul.f32 $5.000000000e-01, v50;
	v46 =	vmul.f32 $5.000000000e-01, v46  }
0x214: {  	v61 =	vmul.f32 v61, v25;
	v59 =	vadd.f32 $1.167699840e-01, v59;
	v2 =	vshrl.u32 v0, $0x17;
	v0 =	vld [tilespmem:$0x1FCE0]  }
0x215: {  	v17 =	vmul.f32 v51, v34;
	v51 =	vmul.f32 $5.000000000e-01, v51;
	v56 =	vadd.f32 $1.167699840e-01, v56  }
0x216: {  	v60 =	vadd.f32 $1.167699840e-01, v60;
	v57 =	vmul.f32 v57, v30;
	v58 =	vmul.f32 v58, v37  }
0x217: {  	v61 =	vadd.f32 $1.167699840e-01, v61;
	v59 =	vmul.f32 v59, v31;
	v56 =	vmul.f32 v56, v36  }
0x218: {  	v60 =	vmul.f32 v60, v32;
	v57 =	vadd.f32 $-1.242014100e-01, v57;
	v58 =	vadd.f32 $-1.242014100e-01, v58  }
0x219: {  	v61 =	vmul.f32 v61, v25;
	v59 =	vadd.f32 $-1.242014100e-01, v59;
	v53 =	vadd.s32 $0xFFFFFF81, v0;
	v0 =	vld [tilespmem:$0x1FCF0]  }
0x21a: {  	v56 =	vadd.f32 $-1.242014100e-01, v56;
	v60 =	vadd.f32 $-1.242014100e-01, v60;
	v57 =	vmul.f32 v57, v30  }
0x21b: {  	v58 =	vmul.f32 v58, v37;
	v61 =	vadd.f32 $-1.242014100e-01, v61;
	v59 =	vmul.f32 v59, v31  }
0x21c: {  	v56 =	vmul.f32 v56, v36;
	v60 =	vmul.f32 v60, v32;
	v57 =	vadd.f32 $1.424932330e-01, v57  }
0x21d: {  	v58 =	vadd.f32 $1.424932330e-01, v58;
	v61 =	vmul.f32 v61, v25;
	v59 =	vadd.f32 $1.424932330e-01, v59  }
0x21e: {  	v56 =	vadd.f32 $1.424932330e-01, v56;
	v60 =	vadd.f32 $1.424932330e-01, v60;
	v0 =	vshrl.u32 v0, $0x17  }
0x21f: {  	v57 =	vmul.f32 v57, v30;
	v55 =	vadd.s32 $0xFFFFFF81, v0;
	v0 =	vimm.f32 $0.0e+00  }
0x220: {  	v58 =	vmul.f32 v58, v37;
	v54 =	vadd.s32 $0xFFFFFF81, v1;
	v1 =	vsel vm8, $0x3F800000, v0  }
0x221: {  	v61 =	vadd.f32 $1.424932330e-01, v61;
	v59 =	vmul.f32 v59, v31;
	v56 =	vmul.f32 v56, v36;
	[tilespmem:$0x1FDE0] =	vst v1;
	v1 =	vld [tilespmem:$0x1FD00]  }
0x222: {  	v60 =	vmul.f32 v60, v32;
	v57 =	vadd.f32 $-1.666805740e-01, v57;
	v58 =	vadd.f32 $-1.666805740e-01, v58  }
0x223: {  	v61 =	vmul.f32 v61, v25;
	v59 =	vadd.f32 $-1.666805740e-01, v59;
	v56 =	vadd.f32 $-1.666805740e-01, v56  }
0x224: {  	v60 =	vadd.f32 $-1.666805740e-01, v60;
	v57 =	vmul.f32 v57, v30;
	v58 =	vmul.f32 v58, v37  }
0x225: {  	v61 =	vadd.f32 $-1.666805740e-01, v61;
	v59 =	vmul.f32 v59, v31;
	v56 =	vmul.f32 v56, v36  }
0x226: {  	v60 =	vmul.f32 v60, v32;
	v57 =	vadd.f32 $2.000071410e-01, v57;
	v21 =	vmul.f32 v1, v21;
	v1 =	vld [tilespmem:$0x1FD10]  }
0x227: {  	v58 =	vadd.f32 $2.000071410e-01, v58;
	v61 =	vmul.f32 v61, v25;
	v59 =	vadd.f32 $2.000071410e-01, v59  }
0x228: {  	v56 =	vadd.f32 $2.000071410e-01, v56;
	v60 =	vadd.f32 $2.000071410e-01, v60;
	v57 =	vmul.f32 v57, v30  }
0x229: {  	v58 =	vmul.f32 v58, v37;
	v61 =	vadd.f32 $2.000071410e-01, v61;
	v59 =	vmul.f32 v59, v31  }
0x22a: {  	v56 =	vmul.f32 v56, v36;
	v60 =	vmul.f32 v60, v32;
	v57 =	vadd.f32 $-2.499999400e-01, v57  }
0x22b: {  	v58 =	vadd.f32 $-2.499999400e-01, v58;
	v14 =	vmul.f32 v1, v14;
	v1 =	vsel vm9, $0x3F800000, v0  }
0x22c: {  	v61 =	vmul.f32 v61, v25;
	v59 =	vadd.f32 $-2.499999400e-01, v59;
	v56 =	vadd.f32 $-2.499999400e-01, v56;
	[tilespmem:$0x1FE10] =	vst v1;
	v1 =	vld [tilespmem:$0x1FD20]  }
0x22d: {  	v60 =	vadd.f32 $-2.499999400e-01, v60;
	v57 =	vmul.f32 v57, v30;
	v58 =	vmul.f32 v58, v37  }
0x22e: {  	v61 =	vadd.f32 $-2.499999400e-01, v61;
	v59 =	vmul.f32 v59, v31;
	v56 =	vmul.f32 v56, v36  }
0x22f: {  	v60 =	vmul.f32 v60, v32;
	v57 =	vadd.f32 $3.333333130e-01, v57;
	v58 =	vadd.f32 $3.333333130e-01, v58  }
0x230: {  	v61 =	vmul.f32 v61, v25;
	v59 =	vadd.f32 $3.333333130e-01, v59;
	v56 =	vadd.f32 $3.333333130e-01, v56  }
0x231: {  	v60 =	vadd.f32 $3.333333130e-01, v60;
	v9 =	vmul.f32 v57, v9;
	v20 =	vmul.f32 v1, v20;
	v1 =	vld [tilespmem:$0x1FD30]  }
0x232: {  	v16 =	vmul.f32 v58, v16;
	v57 =	vmul.f32 $5.000000000e-01, v62;
	v61 =	vadd.f32 $3.333333130e-01, v61  }
0x233: {  	v18 =	vmul.f32 v56, v18;
	v19 =	vmul.f32 v60, v19;
	v9 =	vsub.f32 v9, v24  }
0x234: {  	v16 =	vsub.f32 v16, v43;
	v11 =	vmul.f32 v22, v31;
	v8 =	vmul.f32 v61, v8  }
0x235: {  	v22 =	vmul.f32 $5.000000000e-01, v22;
	v18 =	vsub.f32 v18, v48;
	v19 =	vsub.f32 v19, v23  }
0x236: {  	v9 =	vadd.f32 v9, v30;
	v13 =	vmul.f32 v1, v13;
	v1 =	vsel vm10, $0x3F800000, v0  }
0x237: {  	v16 =	vadd.f32 v16, v37;
	v11 =	vmul.f32 v59, v11;
	v8 =	vsub.f32 v8, v45;
	[tilespmem:$0x1FE20] =	vst v1;
	v1 =	vld [tilespmem:$0x1FD40]  }
0x238: {  	v58 =	vmul.f32 $5.000000000e-01, v63;
	v18 =	vadd.f32 v18, v36;
	v19 =	vadd.f32 v19, v32  }
0x239: {  	v48 =	vld [tilespmem:$0x1FDF0];
	v11 =	vsub.f32 v11, v22;
	v8 =	vadd.f32 v8, v25;
	v59 =	vsel vm6, $0x3F800000, v0  }
0x23a: {  	v5 =	vadd.s32 $0xFFFFFF81, v5;
	v3 =	vadd.s32 $0xFFFFFF81, v3;
	v6 =	vadd.f32 v6, v59;
	v59 =	vld [tilespmem:$0x1FF20]  }
0x23b: {  	v5 =	vcvt.s32.f32 v5;
	v3 =	vcvt.s32.f32 v3;
	v2 =	vadd.s32 $0xFFFFFF81, v2;
	v43 =	vld [tilespmem:$0x1FDE0]  }
0x23c: {  	v11 =	vadd.f32 v11, v31;
	v2 =	vcvt.s32.f32 v2;
	v17 =	vmul.f32 v1, v17;
	v1 =	vld [tilespmem:$0x1FD50]  }
0x23d: {  	v53 =	vcvt.s32.f32 v53;
	v56 =	vsel vm7, $0x3F800000, v0;
	v21 =	vsub.f32 v21, v57;
	v57 =	vld [tilespmem:$0x1FD80]  }
0x23e: {  	v60 =	vsel vm5, $0x3F800000, v0;
	v61 =	vsel vm4, $0x3F800000, v0;
	v14 =	vsub.f32 v14, v58;
	v58 =	vld [tilespmem:$0x1FD90]  }
0x23f: {  	v63 =	vsel vm2, $0x3F800000, v0;
	v4 =	vadd.f32 v4, v60;
	v5 =	vadd.f32 v5, v61;
	v60 =	vld [tilespmem:$0x1FF30]  }
0x240: {  	v62 =	vsel vm3, $0x3F800000, v0;
	v3 =	vadd.f32 v3, v63;
	v13 =	vsub.f32 v13, v50;
	v50 =	vld [tilespmem:$0x1FE00]  }
0x241: {  	v22 =	vadd.f32 v52, v43;
	v52 =	vld [tilespmem:$0x1FE20];
	v10 =	vmul.f32 v1, v10;
	v1 =	vsel vm11, $0x3F800000, v0  }
0x242: {  	v7 =	vadd.f32 v7, v56;
	v4 =	vmul.f32 $6.931471820e-01, v4;
	v5 =	vmul.f32 $6.931471820e-01, v5;
	[tilespmem:$0x1FE50] =	vst v1;
	v1 =	vld [tilespmem:$0x1FD60]  }
0x243: {  	v3 =	vmul.f32 $6.931471820e-01, v3;
	v20 =	vsub.f32 v20, v49;
	v49 =	vmul.f32 v58, v57;
	v57 =	vld [tilespmem:$0x1FDC0]  }
0x244: {  	v7 =	vmul.f32 $6.931471820e-01, v7;
	v4 =	vadd.f32 v18, v4;
	v5 =	vadd.f32 v9, v5;
	v58 =	vld [tilespmem:$0x1FDD0]  }
0x245: {  	v6 =	vmul.f32 $6.931471820e-01, v6;
	v11 =	vadd.f32 v11, v3;
	v17 =	vsub.f32 v17, v51;
	v51 =	vld [tilespmem:$0x1FE10]  }
0x246: {  	v14 =	vadd.f32 v14, v26;
	v23 =	vmul.f32 v48, v50;
	v39 =	vadd.f32 v39, v52;
	v48 =	vld [tilespmem:$0x1FEB0]  }
0x247: {  	v20 =	vadd.f32 v20, v33;
	v13 =	vadd.f32 v13, v27;
	v15 =	vmul.f32 v1, v15;
	v1 =	vld [tilespmem:$0x1FD70]  }
0x248: {  	v39 =	vmul.f32 $6.931471820e-01, v39;
	v10 =	vsub.f32 v10, v44;
	v44 =	vcvt.s32.f32 v54;
	v54 =	vld [tilespmem:$0x1FDA0]  }
0x249: {  	v17 =	vadd.f32 v17, v34;
	v15 =	vsub.f32 v15, v46;
	v46 =	vcvt.s32.f32 v55;
	v55 =	vld [tilespmem:$0x1FDB0]  }
0x24a: {  	v24 =	vmul.f32 v58, v57;
	v52 =	vld [tilespmem:$0x1FED0];
	v20 =	vadd.f32 v20, v39;
	v43 =	vadd.f32 v53, v51  }
0x24b: {  	v22 =	vmul.f32 $6.931471820e-01, v22;
	v50 =	vadd.f32 v48, v48;
	v53 =	vld [tilespmem:$0x1FE30];
	v44 =	vadd.f32 v44, v62  }
0x24c: {  	v51 =	vld [tilespmem:$0x1FEC0];
	v20 =	vsub.f32 v20, v24;
	v43 =	vmul.f32 $6.931471820e-01, v43;
	v12 =	vmul.f32 v1, v12  }
0x24d: {  	v10 =	vadd.f32 v10, v28;
	v63 =	vmul.f32 $6.931471820e-01, v44;
	v44 =	vld [tilespmem:$0x1FEA0];
	v15 =	vadd.f32 v15, v35  }
0x24e: {  	v1 =	vsel vm12, $0x3F800000, v0;
	v12 =	vsub.f32 v12, v47;
	v47 =	vmul.f32 v55, v54;
	v54 =	vld [tilespmem:$0x1FE40]  }
0x24f: {  	v14 =	vadd.f32 v14, v43;
	v16 =	vadd.f32 v16, v63;
	[tilespmem:$0x1FE60] =	vst v1;
	v1 =	vsel vm13, $0x3F800000, v0;
	v55 =	vld [tilespmem:$0x1FE50]  }
0x250: {  	v0 =	vsel vm14, $0x3F800000, v0;
	v7 =	vadd.f32 v15, v7;
	[tilespmem:$0x1FE70] =	vst v1;
	v1 =	vimm.f32 $0.0e+00;
	v57 =	vld [tilespmem:$0x1FE60]  }
0x251: {  	v0 =	vadd.f32 v2, v0;
	v2 =	vadd.f32 v21, v38;
	v1 =	vsel vm15, $0x3F800000, v1;
	v58 =	vld [tilespmem:$0x1FE70]  }
0x252: {  	v32 =	vmul.f32 v60, v59;
	v1 =	vadd.f32 v46, v1;
	v12 =	vadd.f32 v12, v29  }
0x253: {  	v61 =	vld [tilespmem:$0x1FF40];
	v0 =	vmul.f32 $6.931471820e-01, v0;
	v46 =	vadd.f32 v44, v44;
	v2 =	vadd.f32 v2, v22  }
0x254: {  	v14 =	vsub.f32 v14, v47;
	v6 =	vadd.f32 v12, v6;
	v45 =	vmul.f32 v53, v54;
	v53 =	vld [tilespmem:$0x1FEE0]  }
0x255: {  	v29 =	vmul.f32 v51, v52;
	v0 =	vadd.f32 v19, v0;
	v40 =	vadd.f32 v40, v55;
	v55 =	vld [tilespmem:$0x1FEF0]  }
0x256: {  	v1 =	vmul.f32 $6.931471820e-01, v1;
	v41 =	vadd.f32 v41, v57;
	v57 =	vld [tilespmem:$0x1FF00];
	v42 =	vadd.f32 v42, v58  }
0x257: {  	v15 =	vmul.f32 v46, v44;
	v63 =	vsub.f32 v2, v49;
	v3 =	vsub.f32 v7, v29;
	v58 =	vld [tilespmem:$0x1FF10]  }
0x258: {  	v38 =	vld [tilespmem:$0x1FE80];
	v7 =	vsub.f32 v4, v32;
	v40 =	vmul.f32 $6.931471820e-01, v40;
	v62 =	vmul.f32 $6.931471820e-01, v42  }
0x259: {  	v8 =	vadd.f32 v8, v1;
	v4 =	vsub.f32 v16, v15;
	v41 =	vmul.f32 $6.931471820e-01, v41;
	v42 =	vld [tilespmem:$0x1FE90]  }
0x25a: {  	v13 =	vadd.f32 v13, v40;
	v10 =	vadd.f32 v10, v62;
	v62 =	vld [tilespmem:$0x1FF50]  }
0x25b: {  	v9 =	vmul.f32 v50, v48;
	v17 =	vadd.f32 v17, v41;
	v56 =	vadd.f32 v55, v55  }
0x25c: {  	p0 =	sne.s32 s12, $0x3E00;
	v54 =	vadd.f32 v53, v53;
	v22 =	vmul.f32 v57, v58;
	v23 =	vsub.f32 v13, v23  }
.Ltmp0:
0x25d: {  	v1 =	vsub.f32 v17, v45;
	v17 =	vadd.f32 v14, v63;
	v19 =	vmul.f32 v56, v55;
	(pc) =	sbr.rel @p0 .LBB2_2-.Ltmp0, $4  }
0x25e: {  	v18 =	vmul.f32 v54, v53;
	v25 =	vmul.f32 v38, v42;
	v13 =	vsub.f32 v6, v22  }
0x25f: {  	v14 =	vadd.f32 v23, v20;
	v6 =	vsub.f32 v8, v19;
	v21 =	vmul.f32 v61, v62  }
0x260: {  	s13 =	sshra.s32 s12, $0x2;
	v2 =	vsub.f32 v10, v25;
	v10 =	vsub.f32 v11, v9  }
0x261: {  	s12 =	sadd.s32 $0x200, s12;
	v11 =	vld [tilespmem:s13+$0x70];
	v12 =	vsub.f32 v5, v21;
	v5 =	vsub.f32 v0, v18  }
0x262: {  	v16 =	vld [tilespmem:s13+$0x1070]  }
0x263: {  	v39 =	vld [tilespmem:s13+$0x1000];
	v17 =	vadd.f32 $-3.224171400e+00, v17;
	v41 =	vadd.f32 v2, v1  }
0x264: {  	v25 =	vld [tilespmem:s13+$0x10];
	v14 =	vadd.f32 $-3.224171400e+00, v14;
	v13 =	vadd.f32 v13, v3  }
0x265: {  	v42 =	vld [tilespmem:s13+$0x1010];
	v10 =	vadd.f32 v10, v4;
	v7 =	vadd.f32 v12, v7  }
0x266: {  	v54 =	vadd.f32 v6, v5;
	v46 =	vadd.f32 $-3.224171400e+00, v41  }
0x267: {  	v36 =	vld [tilespmem:s13+$0x0];
	[tilespmem:s11+$0x2000] =	vst v17;
	v13 =	vadd.f32 $-3.224171400e+00, v13;
	v10 =	vadd.f32 $-3.224171400e+00, v10;
	v0 =	vmul.f32 $4.000000000e+00, v11  }
0x268: {  	v45 =	vld [tilespmem:s13+$0x20];
	[tilespmem:s11+$0x2010] =	vst v14;
	v7 =	vadd.f32 $-3.224171400e+00, v7;
	v59 =	vadd.f32 $-3.224171400e+00, v54;
	v8 =	vmul.f32 $4.000000000e+00, v16  }
0x269: {  	[tilespmem:$0x1FC20] =	vst v25;
	v21 =	vmul.f32 $4.000000000e+00, v39;
	v25 =	vmul.f32 $4.000000000e+00, v25;
	v9 =	vadd.f32 $-2.000000000e+00, v0  }
0x26a: {  	v48 =	vld [tilespmem:s13+$0x1020];
	v27 =	vmul.f32 $4.000000000e+00, v42;
	v15 =	vadd.f32 v0, v0;
	v18 =	vadd.f32 $-2.000000000e+00, v8  }
0x26b: {  	v0 =	vmul.f32 $3.000000000e+00, v0;
	v19 =	vadd.f32 v8, v8;
	v24 =	vadd.f32 $-2.000000000e+00, v21  }
0x26c: {  	[tilespmem:s11+$0x2020] =	vst v46;
	v8 =	vmul.f32 $3.000000000e+00, v8;
	v26 =	vadd.f32 v21, v21;
	v29 =	vadd.f32 $-2.000000000e+00, v25  }
0x26d: {  	[tilespmem:$0x1FC30] =	vst v42;
	v42 =	vadd.f32 v27, v27;
	v21 =	vmul.f32 $3.000000000e+00, v21;
	v9 =	vmul.f32 $1.442695020e+00, v9  }
0x26e: {  	v51 =	vld [tilespmem:s13+$0x30];
	v15 =	vadd.f32 $-8.000000000e+00, v15;
	v0 =	vadd.f32 $-1.800000000e+01, v0;
	v30 =	vmul.f32 $4.000000000e+00, v45  }
0x26f: {  	v18 =	vmul.f32 $1.442695020e+00, v18;
	v19 =	vadd.f32 $-8.000000000e+00, v19;
	v32 =	vmul.f32 $4.000000000e+00, v48  }
0x270: {  	[tilespmem:s11+$0x2030] =	vst v13;
	v8 =	vadd.f32 $-1.800000000e+01, v8;
	v24 =	vmul.f32 $1.442695020e+00, v24;
	v29 =	vmul.f32 $1.442695020e+00, v29  }
0x271: {  	v55 =	vld [tilespmem:s13+$0x1030];
	[tilespmem:s11+$0x2040] =	vst v7;
	v26 =	vadd.f32 $-8.000000000e+00, v26;
	v42 =	vadd.f32 $-8.000000000e+00, v42;
	v15 =	vmul.f32 $1.442695020e+00, v15  }
0x272: {  	v57 =	vld [tilespmem:s13+$0x40];
	[tilespmem:s11+$0x2050] =	vst v10;
	v21 =	vadd.f32 $-1.800000000e+01, v21;
	(erf) = vpow2.f32 v9;
	v0 =	vmul.f32 $1.442695020e+00, v0  }
0x273: {  	[tilespmem:$0x1FC40] =	vst v45;
	v33 =	vmul.f32 $4.000000000e+00, v51;
	v45 =	vadd.f32 v30, v30;
	v34 =	vmul.f32 $1.442695020e+00, v19  }
0x274: {  	v61 =	vld [tilespmem:s13+$0x1040];
	[tilespmem:s11+$0x2060] =	vst v59;
	v9 =	vimm.f32 $0.0e+00;
	(erf) = vpow2.f32 v18;
	v8 =	vmul.f32 $1.442695020e+00, v8  }
0x275: {  	[tilespmem:$0x1FC00] =	vst v36;
	v10 =	vld [tilespmem:s13+$0x50];
	v19 =	vmul.f32 $4.000000000e+00, v36;
	v36 =	vadd.f32 $-2.000000000e+00, v27;
	v27 =	vmul.f32 $3.000000000e+00, v27  }
0x276: {  	v13 =	vld [tilespmem:s13+$0x60];
	v46 =	vadd.f32 $-2.000000000e+00, v32;
	v26 =	vmul.f32 $1.442695020e+00, v26;
	v1 =	vmul.f32 $1.442695020e+00, v42  }
0x277: {  	[tilespmem:$0x1FC50] =	vst v48;
	v21 =	vmul.f32 $1.442695020e+00, v21;
	(erf) = vpow2.f32 v15;
	v48 =	vadd.f32 $-2.000000000e+00, v33  }
0x278: {  	(erf) = vpow2.f32 v34;
	v22 =	vadd.f32 $-2.000000000e+00, v19;
	v36 =	vmul.f32 $1.442695020e+00, v36  }
0x279: {  	v23 =	vadd.f32 v19, v19;
	v46 =	vmul.f32 $1.442695020e+00, v46;
	v19 =	vmul.f32 $3.000000000e+00, v19  }
0x27a: {  	v34 =	vadd.f32 v25, v25;
	v25 =	vmul.f32 $3.000000000e+00, v25;
	(erf) = vpow2.f32 v0  }
0x27b: {  	[tilespmem:$0x1FC10] =	vst v39;
	v27 =	vadd.f32 $-1.800000000e+01, v27;
	v39 =	vmul.f32 $4.000000000e+00, v10;
	v41 =	vmul.f32 $4.000000000e+00, v13  }
0x27c: {  	v48 =	vmul.f32 $1.442695020e+00, v48;
	(erf) = vpow2.f32 v8;
	v23 =	vadd.f32 $-8.000000000e+00, v23  }
0x27d: {  	v22 =	vmul.f32 $1.442695020e+00, v22;
	v19 =	vadd.f32 $-1.800000000e+01, v19;
	v25 =	vadd.f32 $-1.800000000e+01, v25  }
0x27e: {  	v34 =	vadd.f32 $-8.000000000e+00, v34;
	v27 =	vmul.f32 $1.442695020e+00, v27;
	v23 =	vmul.f32 $1.442695020e+00, v23;
	v35 =	vpop (erf)  }
0x27f: {  	v19 =	vmul.f32 $1.442695020e+00, v19;
	v25 =	vmul.f32 $1.442695020e+00, v25;
	v37 =	vpop (erf);
	v38 =	vadd.f32 $1.000000000e+00, v35  }
0x280: {  	v35 =	vmul.f32 $4.000000000e+00, v55;
	(erf) = vpow2.f32 v22;
	v15 =	vadd.f32 $1.000000000e+00, v37  }
0x281: {  	[tilespmem:$0x1FC80] =	vst v57;
	v40 =	vpop (erf);
	v37 =	vmul.f32 $4.000000000e+00, v57;
	v57 =	vadd.f32 v39, v39;
	(erf) = vpow2.f32 v24  }
0x282: {  	[tilespmem:$0x1FC60] =	vst v51;
	v20 =	vpop (erf);
	v18 =	vadd.f32 v40, v38;
	v38 =	vmul.f32 $4.000000000e+00, v61;
	v51 =	vadd.f32 v35, v35  }
0x283: {  	[tilespmem:$0x1FC90] =	vst v61;
	v61 =	vadd.f32 v41, v41;
	(erf) = vpow2.f32 v29;
	v15 =	vadd.f32 v20, v15;
	v43 =	vpop (erf)  }
0x284: {  	v29 =	vmul.f32 $1.442695020e+00, v34;
	v57 =	vadd.f32 $-8.000000000e+00, v57;
	v20 =	vadd.f32 v18, v43  }
0x285: {  	[tilespmem:$0x1FC70] =	vst v55;
	(erf) = vpow2.f32 v36;
	v44 =	vpop (erf);
	v54 =	vadd.f32 $-2.000000000e+00, v38;
	v55 =	vadd.f32 v38, v38  }
0x286: {  	v61 =	vadd.f32 $-8.000000000e+00, v61;
	v38 =	vmul.f32 $3.000000000e+00, v38;
	v15 =	vadd.f32 v15, v44  }
0x287: {  	v44 =	vadd.f32 $-2.000000000e+00, v30;
	v30 =	vmul.f32 $3.000000000e+00, v30;
	v57 =	vmul.f32 $1.442695020e+00, v57  }
0x288: {  	v47 =	vand.u32 $0x7FFFFF, v20;
	v54 =	vmul.f32 $1.442695020e+00, v54;
	v20 =	vshrl.u32 v20, $0x17  }
0x289: {  	v55 =	vadd.f32 $-8.000000000e+00, v55;
	v61 =	vmul.f32 $1.442695020e+00, v61;
	v49 =	vand.u32 $0x7FFFFF, v15  }
0x28a: {  	v14 =	vor.u32 $0x3F800000, v47;
	v47 =	vadd.f32 v32, v32;
	v44 =	vmul.f32 $1.442695020e+00, v44  }
0x28b: {  	v20 =	vadd.s32 $0xFFFFFF81, v20;
	v15 =	vshrl.u32 v15, $0x17;
	v12 =	vor.u32 $0x3F800000, v49  }
0x28c: {  	v32 =	vmul.f32 $3.000000000e+00, v32;
	v30 =	vadd.f32 $-1.800000000e+01, v30;
	v52 =	vmul.f32 $5.000000000e-01, v12  }
0x28d: {  	v50 =	vmul.f32 $5.000000000e-01, v14;
	vm1 =	vgt.f32 v14, $1.414213540e+00;
	vm0 =	vgt.f32 v12, $1.414213540e+00  }
0x28e: {  	v49 =	vadd.f32 v33, v33;
	v20 =	vcvt.s32.f32 v20;
	v56 =	vsel vm0, v52, v12  }
0x28f: {  	v15 =	vadd.s32 $0xFFFFFF81, v15;
	v33 =	vmul.f32 $3.000000000e+00, v33;
	v18 =	vadd.f32 $-1.000000000e+00, v56  }
0x290: {  	v55 =	vmul.f32 $1.442695020e+00, v55;
	v15 =	vcvt.s32.f32 v15;
	v32 =	vadd.f32 $-1.800000000e+01, v32  }
0x291: {  	(erf) = vpow2.f32 v44;
	v53 =	vsel vm1, v50, v14;
	v60 =	vmul.f32 $7.037683580e-02, v18  }
0x292: {  	v44 =	vadd.f32 v11, v11;
	v30 =	vmul.f32 $1.442695020e+00, v30;
	v17 =	vadd.f32 $-1.000000000e+00, v53  }
0x293: {  	v50 =	vadd.f32 $-2.000000000e+00, v35;
	v6 =	vsel vm0, $0x3F800000, v9;
	v62 =	vadd.f32 $-1.151461010e-01, v60  }
0x294: {  	v49 =	vadd.f32 $-8.000000000e+00, v49;
	v35 =	vmul.f32 $3.000000000e+00, v35;
	v58 =	vmul.f32 $7.037683580e-02, v17  }
0x295: {  	v33 =	vadd.f32 $-1.800000000e+01, v33;
	v52 =	vadd.f32 $-2.000000000e+00, v37;
	v28 =	vmul.f32 v62, v18  }
0x296: {  	(erf) = vpow2.f32 v46;
	v53 =	vadd.f32 v37, v37;
	v12 =	vadd.f32 $-1.151461010e-01, v58  }
0x297: {  	v37 =	vmul.f32 $3.000000000e+00, v37;
	(erf) = vpow2.f32 v48;
	v28 =	vadd.f32 $1.167699840e-01, v28  }
0x298: {  	v15 =	vadd.f32 v15, v6;
	v11 =	vmul.f32 v44, v11;
	v63 =	vmul.f32 v12, v17  }
0x299: {  	v32 =	vmul.f32 $1.442695020e+00, v32;
	v56 =	vadd.f32 $-2.000000000e+00, v39;
	v28 =	vmul.f32 v28, v18  }
0x29a: {  	v14 =	vld [tilespmem:s13+$0x1060];
	v50 =	vmul.f32 $1.442695020e+00, v50;
	v39 =	vmul.f32 $3.000000000e+00, v39;
	v31 =	vadd.f32 $1.167699840e-01, v63  }
0x29b: {  	v6 =	vmul.f32 $1.442695020e+00, v49;
	v33 =	vmul.f32 $1.442695020e+00, v33;
	v28 =	vadd.f32 $-1.242014100e-01, v28  }
0x29c: {  	v52 =	vmul.f32 $1.442695020e+00, v52;
	v31 =	vmul.f32 v31, v17  }
0x29d: {  	v51 =	vadd.f32 $-8.000000000e+00, v51;
	v3 =	vmul.f32 v17, v17;
	v28 =	vmul.f32 v28, v18  }
0x29e: {  	v15 =	vmul.f32 $6.931471820e-01, v15;
	v56 =	vmul.f32 $1.442695020e+00, v56;
	v31 =	vadd.f32 $-1.242014100e-01, v31  }
0x29f: {  	(erf) = vpow2.f32 v50;
	v43 =	vmul.f32 $4.000000000e+00, v14;
	v28 =	vadd.f32 $1.424932330e-01, v28  }
0x2a0: {  	v53 =	vadd.f32 $-8.000000000e+00, v53;
	v4 =	vmul.f32 v3, v17;
	v31 =	vmul.f32 v31, v17  }
0x2a1: {  	(erf) = vpow2.f32 v52;
	v28 =	vmul.f32 v28, v18  }
0x2a2: {  	v52 =	vmul.f32 $1.442695020e+00, v51;
	v53 =	vmul.f32 $1.442695020e+00, v53;
	v31 =	vadd.f32 $1.424932330e-01, v31  }
0x2a3: {  	v60 =	vadd.f32 $-2.000000000e+00, v41;
	v41 =	vmul.f32 $3.000000000e+00, v41;
	v28 =	vadd.f32 $-1.666805740e-01, v28  }
0x2a4: {  	v45 =	vadd.f32 $-8.000000000e+00, v45;
	(erf) = vpow2.f32 v54;
	v31 =	vmul.f32 v31, v17  }
0x2a5: {  	v12 =	vld [tilespmem:s13+$0x1050];
	v7 =	vadd.f32 $-2.000000000e+00, v43;
	v8 =	vadd.f32 v43, v43;
	v28 =	vmul.f32 v28, v18  }
0x2a6: {  	v0 =	vpop (erf);
	v43 =	vmul.f32 $3.000000000e+00, v43;
	(erf) = vpow2.f32 v56;
	v31 =	vadd.f32 $-1.666805740e-01, v31  }
0x2a7: {  	v62 =	vmul.f32 v18, v18;
	v60 =	vmul.f32 $1.442695020e+00, v60;
	v28 =	vadd.f32 $2.000071410e-01, v28  }
0x2a8: {  	v41 =	vadd.f32 $-1.800000000e+01, v41;
	v63 =	vsel vm1, $0x3F800000, v9;
	v31 =	vmul.f32 v31, v17  }
0x2a9: {  	v43 =	vadd.f32 $-1.800000000e+01, v43;
	v5 =	vmul.f32 v62, v18;
	v28 =	vmul.f32 v28, v18  }
0x2aa: {  	v20 =	vadd.f32 v20, v63;
	v40 =	vmul.f32 $4.000000000e+00, v12;
	v31 =	vadd.f32 $2.000071410e-01, v31  }
0x2ab: {  	v63 =	vmul.f32 $1.442695020e+00, v7;
	v62 =	vmul.f32 $5.000000000e-01, v62;
	v2 =	vadd.f32 $-2.499999400e-01, v28  }
0x2ac: {  	v41 =	vmul.f32 $1.442695020e+00, v41;
	v59 =	vadd.f32 v40, v40;
	v31 =	vmul.f32 v31, v17  }
0x2ad: {  	v43 =	vmul.f32 $1.442695020e+00, v43;
	v58 =	vadd.f32 $-2.000000000e+00, v40;
	v22 =	vmul.f32 v2, v18  }
0x2ae: {  	v40 =	vmul.f32 $3.000000000e+00, v40;
	v59 =	vadd.f32 $-8.000000000e+00, v59;
	v31 =	vadd.f32 $-2.499999400e-01, v31  }
0x2af: {  	v20 =	vmul.f32 $6.931471820e-01, v20;
	v58 =	vmul.f32 $1.442695020e+00, v58;
	v22 =	vadd.f32 $3.333333130e-01, v22  }
0x2b0: {  	v40 =	vadd.f32 $-1.800000000e+01, v40;
	v59 =	vmul.f32 $1.442695020e+00, v59;
	v31 =	vmul.f32 v31, v17;
	v2 =	vpop (erf)  }
0x2b1: {  	v38 =	vadd.f32 $-1.800000000e+01, v38;
	(erf) = vpow2.f32 v58;
	v22 =	vmul.f32 v22, v5;
	v5 =	vpop (erf)  }
0x2b2: {  	v47 =	vadd.f32 $-8.000000000e+00, v47;
	v40 =	vmul.f32 $1.442695020e+00, v40;
	(erf) = vpow2.f32 v60;
	v7 =	vpop (erf)  }
0x2b3: {  	v28 =	vmul.f32 $5.000000000e-01, v3;
	v31 =	vadd.f32 $3.333333130e-01, v31;
	(erf) = vpow2.f32 v63;
	v44 =	vpop (erf)  }
0x2b4: {  	v22 =	vsub.f32 v22, v62;
	v62 =	vadd.f32 v16, v16;
	(erf) = vpow2.f32 v23;
	v54 =	vpop (erf)  }
0x2b5: {  	v39 =	vadd.f32 $-1.800000000e+01, v39;
	v24 =	vmul.f32 v31, v4;
	(erf) = vpow2.f32 v26;
	v56 =	vpop (erf)  }
0x2b6: {  	v3 =	vmul.f32 $1.442695020e+00, v45;
	v31 =	vadd.f32 $-8.000000000e+00, v8;
	(erf) = vpow2.f32 v29;
	v58 =	vpop (erf)  }
0x2b7: {  	v4 =	vmul.f32 $1.442695020e+00, v47;
	v24 =	vsub.f32 v24, v28;
	(erf) = vpow2.f32 v1;
	v60 =	vpop (erf)  }
0x2b8: {  	v34 =	vadd.f32 $1.000000000e+00, v2;
	v16 =	vmul.f32 v62, v16;
	(erf) = vpow2.f32 v3;
	v62 =	vpop (erf)  }
0x2b9: {  	v31 =	vmul.f32 $1.442695020e+00, v31;
	v17 =	vadd.f32 v24, v17;
	(erf) = vpow2.f32 v4;
	v63 =	vpop (erf)  }
0x2ba: {  	v24 =	vadd.f32 $1.000000000e+00, v0;
	v44 =	vadd.f32 $1.000000000e+00, v44;
	(erf) = vpow2.f32 v6;
	v0 =	vpop (erf)  }
0x2bb: {  	v18 =	vadd.f32 v22, v18;
	v22 =	vadd.f32 $-1.800000000e+01, v35;
	(erf) = vpow2.f32 v52;
	v1 =	vpop (erf)  }
0x2bc: {  	v35 =	vadd.f32 $-1.800000000e+01, v37;
	v37 =	vadd.f32 $1.000000000e+00, v5;
	(erf) = vpow2.f32 v53;
	v2 =	vpop (erf)  }
0x2bd: {  	v23 =	vadd.f32 $1.000000000e+00, v54;
	v54 =	vmul.f32 $1.442695020e+00, v38;
	(erf) = vpow2.f32 v55;
	v3 =	vpop (erf)  }
0x2be: {  	v20 =	vadd.f32 v17, v20;
	v26 =	vadd.f32 $1.000000000e+00, v56;
	v4 =	vpop (erf);
	(erf) = vpow2.f32 v57  }
0x2bf: {  	v56 =	vmul.f32 $1.442695020e+00, v39;
	v17 =	vadd.f32 v18, v15;
	v5 =	vpop (erf);
	(erf) = vpow2.f32 v59  }
0x2c0: {  	v29 =	vadd.f32 $1.000000000e+00, v58;
	v22 =	vmul.f32 $1.442695020e+00, v22;
	v6 =	vpop (erf);
	(erf) = vpow2.f32 v61  }
0x2c1: {  	v15 =	vsub.f32 v20, v11;
	v20 =	vadd.f32 $1.000000000e+00, v7;
	v7 =	vpop (erf);
	(erf) = vpow2.f32 v31  }
0x2c2: {  	v51 =	vmul.f32 $1.442695020e+00, v35;
	v28 =	vadd.f32 $1.000000000e+00, v60;
	(erf) = vpow2.f32 v19;
	v53 =	vpop (erf)  }
0x2c3: {  	v18 =	vadd.f32 $1.000000000e+00, v62;
	v16 =	vsub.f32 v17, v16;
	(erf) = vpow2.f32 v21;
	v55 =	vpop (erf)  }
0x2c4: {  	v52 =	vadd.f32 $1.000000000e+00, v63;
	v11 =	vadd.f32 $1.000000000e+00, v0;
	v58 =	vpop (erf);
	(erf) = vpow2.f32 v25  }
0x2c5: {  	v45 =	vadd.f32 $1.000000000e+00, v2;
	v57 =	vadd.f32 $1.000000000e+00, v1;
	v59 =	vpop (erf);
	(erf) = vpow2.f32 v27  }
0x2c6: {  	v24 =	vadd.f32 v3, v24;
	v34 =	vadd.f32 v4, v34;
	v60 =	vpop (erf);
	(erf) = vpow2.f32 v30  }
0x2c7: {  	v37 =	vadd.f32 v5, v37;
	v20 =	vadd.f32 v6, v20;
	v61 =	vpop (erf);
	(erf) = vpow2.f32 v32  }
0x2c8: {  	v44 =	vadd.f32 v7, v44;
	v19 =	vadd.f32 v53, v23;
	v62 =	vpop (erf);
	(erf) = vpow2.f32 v33  }
0x2c9: {  	v63 =	vadd.f32 v55, v26;
	v1 =	vadd.f32 v58, v29;
	v0 =	vpop (erf);
	(erf) = vpow2.f32 v22  }
0x2ca: {  	v2 =	vadd.f32 v59, v28;
	v18 =	vadd.f32 v60, v18;
	v3 =	vpop (erf);
	(erf) = vpow2.f32 v51  }
0x2cb: {  	v35 =	vadd.f32 v61, v52;
	v11 =	vadd.f32 v62, v11;
	v4 =	vpop (erf);
	(erf) = vpow2.f32 v54  }
0x2cc: {  	v6 =	vadd.f32 v0, v57;
	v29 =	vadd.f32 v24, v4;
	v5 =	vpop (erf);
	(erf) = vpow2.f32 v56  }
0x2cd: {  	v7 =	vadd.f32 v3, v45;
	v31 =	vadd.f32 v34, v5;
	v45 =	vpop (erf);
	(erf) = vpow2.f32 v40  }
0x2ce: {  	v46 =	vand.u32 $0x7FFFFF, v29;
	v24 =	vadd.f32 v37, v45;
	v47 =	vpop (erf);
	(erf) = vpow2.f32 v41  }
0x2cf: {  	v48 =	vand.u32 $0x7FFFFF, v31;
	v27 =	vadd.f32 v20, v47;
	v49 =	vpop (erf);
	(erf) = vpow2.f32 v43  }
0x2d0: {  	v36 =	vor.u32 $0x3F800000, v46;
	v50 =	vand.u32 $0x7FFFFF, v24;
	v30 =	vadd.f32 v44, v49  }
0x2d1: {  	v51 =	vpop (erf);
	v37 =	vor.u32 $0x3F800000, v48;
	v5 =	vmul.f32 $5.000000000e-01, v36;
	vm13 =	vgt.f32 v36, $1.414213540e+00  }
0x2d2: {  	v52 =	vand.u32 $0x7FFFFF, v27;
	v21 =	vadd.f32 v19, v51;
	v53 =	vpop (erf);
	v38 =	vor.u32 $0x3F800000, v50  }
0x2d3: {  	vm12 =	vgt.f32 v37, $1.414213540e+00;
	v54 =	vand.u32 $0x7FFFFF, v30;
	v25 =	vadd.f32 v63, v53  }
0x2d4: {  	v55 =	vpop (erf);
	v39 =	vor.u32 $0x3F800000, v52;
	v8 =	vmul.f32 $5.000000000e-01, v38;
	vm9 =	vgt.f32 v38, $1.414213540e+00  }
0x2d5: {  	v36 =	vsel vm13, v5, v36;
	v56 =	vand.u32 $0x7FFFFF, v21;
	v28 =	vadd.f32 v1, v55  }
0x2d6: {  	v57 =	vpop (erf);
	v40 =	vor.u32 $0x3F800000, v54;
	vm11 =	vgt.f32 v39, $1.414213540e+00;
	v36 =	vadd.f32 $-1.000000000e+00, v36  }
0x2d7: {  	v21 =	vshrl.u32 v21, $0x17;
	v58 =	vand.u32 $0x7FFFFF, v25;
	v19 =	vadd.f32 v2, v57  }
0x2d8: {  	v33 =	vor.u32 $0x3F800000, v56;
	vm10 =	vgt.f32 v40, $1.414213540e+00;
	v38 =	vsel vm9, v8, v38  }
0x2d9: {  	v59 =	vpop (erf);
	v25 =	vshrl.u32 v25, $0x17;
	v21 =	vadd.s32 $0xFFFFFF81, v21;
	v60 =	vand.u32 $0x7FFFFF, v28  }
0x2da: {  	v22 =	vadd.f32 v18, v59;
	v48 =	vor.u32 $0x3F800000, v58;
	vm7 =	vgt.f32 v33, $1.414213540e+00  }
0x2db: {  	v61 =	vpop (erf);
	v58 =	vmul.f32 $7.037683580e-02, v36;
	v25 =	vadd.s32 $0xFFFFFF81, v25;
	v21 =	vcvt.s32.f32 v21  }
0x2dc: {  	v62 =	vand.u32 $0x7FFFFF, v19;
	v26 =	vadd.f32 v35, v61;
	v35 =	vor.u32 $0x3F800000, v60  }
0x2dd: {  	v60 =	vmul.f32 $5.000000000e-01, v39;
	v61 =	vmul.f32 $5.000000000e-01, v40;
	vm8 =	vgt.f32 v48, $1.414213540e+00  }
0x2de: {  	v63 =	vpop (erf);
	v25 =	vcvt.s32.f32 v25;
	v19 =	vshrl.u32 v19, $0x17;
	v23 =	vand.u32 $0x7FFFFF, v22  }
0x2df: {  	v18 =	vadd.f32 v11, v63;
	v41 =	vor.u32 $0x3F800000, v62;
	v62 =	vmul.f32 $5.000000000e-01, v33  }
0x2e0: {  	v0 =	vpop (erf);
	v63 =	vmul.f32 $5.000000000e-01, v48;
	vm6 =	vgt.f32 v35, $1.414213540e+00;
	v22 =	vshrl.u32 v22, $0x17  }
0x2e1: {  	v19 =	vadd.s32 $0xFFFFFF81, v19;
	v1 =	vand.u32 $0x7FFFFF, v26;
	v20 =	vadd.f32 v6, v0  }
0x2e2: {  	v32 =	vor.u32 $0x3F800000, v23;
	v0 =	vmul.f32 $5.000000000e-01, v35;
	vm4 =	vgt.f32 v41, $1.414213540e+00  }
0x2e3: {  	v39 =	vsel vm11, v60, v39;
	v40 =	vsel vm10, v61, v40;
	v26 =	vshrl.u32 v26, $0x17  }
0x2e4: {  	v2 =	vpop (erf);
	v22 =	vadd.s32 $0xFFFFFF81, v22;
	v19 =	vcvt.s32.f32 v19;
	v3 =	vand.u32 $0x7FFFFF, v18  }
0x2e5: {  	v23 =	vadd.f32 v7, v2;
	v11 =	vor.u32 $0x3F800000, v1;
	v7 =	vmul.f32 $5.000000000e-01, v37  }
0x2e6: {  	v1 =	vmul.f32 $5.000000000e-01, v41;
	v2 =	vmul.f32 $5.000000000e-01, v32;
	vm5 =	vgt.f32 v32, $1.414213540e+00  }
0x2e7: {  	v33 =	vsel vm7, v62, v33;
	v26 =	vadd.s32 $0xFFFFFF81, v26;
	v22 =	vcvt.s32.f32 v22  }
0x2e8: {  	v18 =	vshrl.u32 v18, $0x17;
	v42 =	vor.u32 $0x3F800000, v3;
	v4 =	vand.u32 $0x7FFFFF, v20  }
0x2e9: {  	v3 =	vmul.f32 $5.000000000e-01, v11;
	vm3 =	vgt.f32 v11, $1.414213540e+00;
	v35 =	vsel vm6, v0, v35  }
0x2ea: {  	v26 =	vcvt.s32.f32 v26;
	v20 =	vshrl.u32 v20, $0x17;
	v18 =	vadd.s32 $0xFFFFFF81, v18  }
0x2eb: {  	v43 =	vor.u32 $0x3F800000, v4;
	v6 =	vand.u32 $0x7FFFFF, v23;
	v47 =	vmul.f32 $5.000000000e-01, v42  }
0x2ec: {  	vm14 =	vgt.f32 v42, $1.414213540e+00;
	v37 =	vsel vm12, v7, v37;
	v4 =	vsel vm8, v63, v48  }
0x2ed: {  	v5 =	vsel vm4, v1, v41;
	v35 =	vadd.f32 $-1.000000000e+00, v35;
	v23 =	vshrl.u32 v23, $0x17  }
0x2ee: {  	v20 =	vadd.s32 $0xFFFFFF81, v20;
	v18 =	vcvt.s32.f32 v18;
	v44 =	vor.u32 $0x3F800000, v6  }
0x2ef: {  	v45 =	vmul.f32 $5.000000000e-01, v43;
	v34 =	vadd.f32 $-1.000000000e+00, v37;
	v37 =	vadd.f32 $-1.000000000e+00, v38  }
0x2f0: {  	v6 =	vsel vm5, v2, v32;
	v38 =	vadd.f32 $-1.000000000e+00, v39;
	v39 =	vadd.f32 $-1.000000000e+00, v40  }
0x2f1: {  	v7 =	vsel vm3, v3, v11;
	v40 =	vadd.f32 $-1.000000000e+00, v33;
	v41 =	vadd.f32 $-1.000000000e+00, v4  }
0x2f2: {  	v23 =	vadd.s32 $0xFFFFFF81, v23;
	v20 =	vcvt.s32.f32 v20;
	v46 =	vmul.f32 $5.000000000e-01, v44  }
0x2f3: {  	v32 =	vadd.f32 $-1.000000000e+00, v5;
	v2 =	vmul.f32 $7.037683580e-02, v35;
	v23 =	vcvt.s32.f32 v23  }
0x2f4: {  	v11 =	vadd.f32 $-1.151461010e-01, v58;
	v59 =	vmul.f32 $7.037683580e-02, v34;
	v60 =	vmul.f32 $7.037683580e-02, v37  }
0x2f5: {  	vm15 =	vgt.f32 v44, $1.414213540e+00;
	v61 =	vmul.f32 $7.037683580e-02, v38;
	v62 =	vmul.f32 $7.037683580e-02, v39  }
0x2f6: {  	v33 =	vadd.f32 $-1.000000000e+00, v6;
	v63 =	vmul.f32 $7.037683580e-02, v40;
	v0 =	vmul.f32 $7.037683580e-02, v41  }
0x2f7: {  	v52 =	vmul.f32 $7.037683580e-02, v32;
	v11 =	vmul.f32 v11, v36;
	v57 =	vadd.f32 $-1.151461010e-01, v2  }
0x2f8: {  	v48 =	vmul.f32 v39, v39;
	v1 =	vadd.f32 $-1.151461010e-01, v59;
	v49 =	vadd.f32 $-1.151461010e-01, v60  }
0x2f9: {  	v53 =	vmul.f32 $7.037683580e-02, v33;
	v50 =	vadd.f32 $-1.151461010e-01, v61;
	v51 =	vadd.f32 $-1.151461010e-01, v62  }
0x2fa: {  	v54 =	vadd.f32 $-1.151461010e-01, v63;
	v60 =	vsel vm14, v47, v42;
	v47 =	vmul.f32 v37, v37  }
0x2fb: {  	v63 =	vsel vm15, v46, v44;
	v46 =	vmul.f32 v38, v38;
	v57 =	vmul.f32 v57, v35  }
0x2fc: {  	v55 =	vadd.f32 $-1.151461010e-01, v0;
	v56 =	vmul.f32 v1, v34;
	v49 =	vmul.f32 v49, v37  }
0x2fd: {  	v11 =	vadd.f32 $1.167699840e-01, v11;
	v50 =	vmul.f32 v50, v38;
	v51 =	vmul.f32 v51, v39  }
0x2fe: {  	v42 =	vadd.f32 $-1.000000000e+00, v7;
	v54 =	vmul.f32 v54, v40;
	v55 =	vmul.f32 v55, v41  }
0x2ff: {  	vm2 =	vgt.f32 v43, $1.414213540e+00;
	v11 =	vmul.f32 v11, v36;
	v0 =	vmul.f32 v47, v37  }
0x300: {  	v17 =	vmul.f32 v42, v42;
	v57 =	vadd.f32 $1.167699840e-01, v57;
	v56 =	vadd.f32 $1.167699840e-01, v56  }
0x301: {  	v47 =	vmul.f32 $5.000000000e-01, v47;
	v49 =	vadd.f32 $1.167699840e-01, v49;
	v50 =	vadd.f32 $1.167699840e-01, v50  }
0x302: {  	v51 =	vadd.f32 $1.167699840e-01, v51;
	v54 =	vadd.f32 $1.167699840e-01, v54;
	v57 =	vmul.f32 v57, v35  }
0x303: {  	v55 =	vadd.f32 $1.167699840e-01, v55;
	v56 =	vmul.f32 v56, v34;
	v49 =	vmul.f32 v49, v37  }
0x304: {  	v11 =	vadd.f32 $-1.242014100e-01, v11;
	v50 =	vmul.f32 v50, v38;
	v51 =	vmul.f32 v51, v39  }
0x305: {  	v54 =	vmul.f32 v54, v40;
	v57 =	vadd.f32 $-1.242014100e-01, v57;
	v56 =	vadd.f32 $-1.242014100e-01, v56  }
0x306: {  	v55 =	vmul.f32 v55, v41;
	v49 =	vadd.f32 $-1.242014100e-01, v49;
	v50 =	vadd.f32 $-1.242014100e-01, v50  }
0x307: {  	v11 =	vmul.f32 v11, v36;
	v51 =	vadd.f32 $-1.242014100e-01, v51;
	v54 =	vadd.f32 $-1.242014100e-01, v54  }
0x308: {  	v55 =	vadd.f32 $-1.242014100e-01, v55;
	v57 =	vmul.f32 v57, v35;
	v56 =	vmul.f32 v56, v34  }
0x309: {  	v11 =	vadd.f32 $1.424932330e-01, v11;
	v49 =	vmul.f32 v49, v37;
	v50 =	vmul.f32 v50, v38  }
0x30a: {  	v51 =	vmul.f32 v51, v39;
	v54 =	vmul.f32 v54, v40;
	v57 =	vadd.f32 $1.424932330e-01, v57  }
0x30b: {  	v55 =	vmul.f32 v55, v41;
	v56 =	vadd.f32 $1.424932330e-01, v56;
	v49 =	vadd.f32 $1.424932330e-01, v49  }
0x30c: {  	v11 =	vmul.f32 v11, v36;
	v50 =	vadd.f32 $1.424932330e-01, v50;
	v51 =	vadd.f32 $1.424932330e-01, v51  }
0x30d: {  	v54 =	vadd.f32 $1.424932330e-01, v54;
	v57 =	vmul.f32 v57, v35;
	v56 =	vmul.f32 v56, v34  }
0x30e: {  	v55 =	vadd.f32 $1.424932330e-01, v55;
	v49 =	vmul.f32 v49, v37;
	v50 =	vmul.f32 v50, v38  }
0x30f: {  	v11 =	vadd.f32 $-1.666805740e-01, v11;
	v51 =	vmul.f32 v51, v39;
	v54 =	vmul.f32 v54, v40  }
0x310: {  	v55 =	vmul.f32 v55, v41;
	v57 =	vadd.f32 $-1.666805740e-01, v57;
	v56 =	vadd.f32 $-1.666805740e-01, v56  }
0x311: {  	v11 =	vmul.f32 v11, v36;
	v49 =	vadd.f32 $-1.666805740e-01, v49;
	v50 =	vadd.f32 $-1.666805740e-01, v50  }
0x312: {  	v51 =	vadd.f32 $-1.666805740e-01, v51;
	v54 =	vadd.f32 $-1.666805740e-01, v54;
	v59 =	vmul.f32 v57, v35  }
0x313: {  	v55 =	vadd.f32 $-1.666805740e-01, v55;
	v56 =	vmul.f32 v56, v34;
	v49 =	vmul.f32 v49, v37  }
0x314: {  	v11 =	vadd.f32 $2.000071410e-01, v11;
	v50 =	vmul.f32 v50, v38;
	v51 =	vmul.f32 v51, v39  }
0x315: {  	v54 =	vmul.f32 v54, v40;
	v55 =	vmul.f32 v55, v41;
	v56 =	vadd.f32 $2.000071410e-01, v56  }
0x316: {  	v11 =	vmul.f32 v11, v36;
	v49 =	vadd.f32 $2.000071410e-01, v49;
	v50 =	vadd.f32 $2.000071410e-01, v50  }
0x317: {  	v51 =	vadd.f32 $2.000071410e-01, v51;
	v54 =	vadd.f32 $2.000071410e-01, v54;
	v56 =	vmul.f32 v56, v34  }
0x318: {  	v55 =	vadd.f32 $2.000071410e-01, v55;
	v49 =	vmul.f32 v49, v37;
	v50 =	vmul.f32 v50, v38  }
0x319: {  	v11 =	vadd.f32 $-2.499999400e-01, v11;
	v51 =	vmul.f32 v51, v39;
	v54 =	vmul.f32 v54, v40  }
0x31a: {  	v55 =	vmul.f32 v55, v41;
	v56 =	vadd.f32 $-2.499999400e-01, v56;
	v49 =	vadd.f32 $-2.499999400e-01, v49  }
0x31b: {  	v11 =	vmul.f32 v11, v36;
	v50 =	vadd.f32 $-2.499999400e-01, v50;
	v51 =	vadd.f32 $-2.499999400e-01, v51  }
0x31c: {  	v54 =	vadd.f32 $-2.499999400e-01, v54;
	v56 =	vmul.f32 v56, v34;
	v3 =	vmul.f32 v49, v37  }
0x31d: {  	v55 =	vadd.f32 $-2.499999400e-01, v55;
	v5 =	vmul.f32 v50, v38;
	v61 =	vmul.f32 v51, v39  }
0x31e: {  	v45 =	vsel vm2, v45, v43;
	v43 =	vmul.f32 v54, v40;
	v51 =	vmul.f32 v36, v36  }
0x31f: {  	v44 =	vadd.f32 $-1.000000000e+00, v45;
	v62 =	vmul.f32 v55, v41;
	v50 =	vmul.f32 v34, v34  }
0x320: {  	v11 =	vadd.f32 $3.333333130e-01, v11;
	v49 =	vmul.f32 v40, v40;
	v6 =	vmul.f32 v51, v36  }
0x321: {  	v4 =	vmul.f32 v50, v34;
	v57 =	vadd.f32 $3.333333130e-01, v3;
	v3 =	vmul.f32 $7.037683580e-02, v44  }
0x322: {  	v7 =	vadd.f32 $3.333333130e-01, v56;
	v51 =	vmul.f32 $5.000000000e-01, v51;
	v50 =	vmul.f32 $5.000000000e-01, v50  }
0x323: {  	v15 =	vadd.f32 v16, v15;
	v54 =	vmul.f32 v11, v6;
	v6 =	vmul.f32 v46, v38  }
0x324: {  	v5 =	vadd.f32 $3.333333130e-01, v5;
	v55 =	vmul.f32 v7, v4;
	v4 =	vmul.f32 v48, v39  }
0x325: {  	v56 =	vmul.f32 v57, v0;
	v0 =	vadd.f32 $-1.151461010e-01, v52;
	v52 =	vmul.f32 v41, v41  }
0x326: {  	v7 =	vadd.f32 $3.333333130e-01, v61;
	v61 =	vmul.f32 $7.037683580e-02, v42;
	v46 =	vmul.f32 $5.000000000e-01, v46  }
0x327: {  	v53 =	vadd.f32 $-1.151461010e-01, v53;
	v48 =	vmul.f32 $5.000000000e-01, v48;
	v57 =	vmul.f32 v5, v6  }
0x328: {  	v5 =	vadd.f32 $3.333333130e-01, v43;
	v58 =	vmul.f32 v7, v4;
	v7 =	vadd.f32 $2.000071410e-01, v59  }
0x329: {  	v6 =	vmul.f32 v49, v40;
	v4 =	vadd.f32 $3.333333130e-01, v62;
	v43 =	vadd.f32 $-1.000000000e+00, v60  }
0x32a: {  	v0 =	vmul.f32 v0, v32;
	v61 =	vadd.f32 $-1.151461010e-01, v61;
	v62 =	vadd.f32 $-1.151461010e-01, v3  }
0x32b: {  	v3 =	vmul.f32 v32, v32;
	v51 =	vsub.f32 v54, v51;
	v49 =	vmul.f32 $5.000000000e-01, v49  }
0x32c: {  	v50 =	vsub.f32 v55, v50;
	v55 =	vmul.f32 $5.000000000e-01, v17;
	v11 =	vmul.f32 v5, v6  }
0x32d: {  	v47 =	vsub.f32 v56, v47;
	v5 =	vmul.f32 v52, v41;
	v6 =	vmul.f32 v7, v35  }
0x32e: {  	v54 =	vsel vm10, $0x3F800000, v9;
	v7 =	vmul.f32 v53, v33;
	v8 =	vmul.f32 $7.037683580e-02, v43  }
0x32f: {  	v0 =	vadd.f32 $1.167699840e-01, v0;
	v61 =	vmul.f32 v61, v42;
	v46 =	vsub.f32 v57, v46  }
0x330: {  	v48 =	vsub.f32 v58, v48;
	v52 =	vmul.f32 $5.000000000e-01, v52;
	v57 =	vshrl.u32 v29, $0x17  }
0x331: {  	v58 =	vshrl.u32 v31, $0x17;
	v29 =	vshrl.u32 v27, $0x17;
	v31 =	vshrl.u32 v30, $0x17  }
0x332: {  	v51 =	vadd.f32 v51, v36;
	v53 =	vmul.f32 v4, v5;
	v60 =	vadd.f32 $-2.499999400e-01, v6  }
0x333: {  	v45 =	vadd.f32 $1.167699840e-01, v7;
	v59 =	vadd.f32 $-1.151461010e-01, v8;
	v7 =	vmul.f32 v35, v35  }
0x334: {  	v4 =	vmul.f32 v0, v32;
	v0 =	vmul.f32 v17, v42;
	v17 =	vadd.s32 $0xFFFFFF81, v29  }
0x335: {  	v6 =	vmul.f32 v62, v44;
	v61 =	vadd.f32 $1.167699840e-01, v61;
	v17 =	vcvt.s32.f32 v17  }
0x336: {  	v11 =	vsub.f32 v11, v49;
	v60 =	vmul.f32 v60, v35;
	v45 =	vmul.f32 v45, v33  }
0x337: {  	v49 =	vsel vm9, $0x3F800000, v9;
	v5 =	vmul.f32 v7, v35;
	v59 =	vmul.f32 v59, v43  }
0x338: {  	v1 =	vadd.f32 $-1.242014100e-01, v4;
	v52 =	vsub.f32 v53, v52;
	v53 =	vsel vm11, $0x3F800000, v9  }
0x339: {  	v61 =	vmul.f32 v61, v42;
	v11 =	vadd.f32 v11, v40;
	v17 =	vadd.f32 v17, v53  }
0x33a: {  	v7 =	vmul.f32 $5.000000000e-01, v7;
	v53 =	vadd.f32 v50, v34;
	v60 =	vadd.f32 $3.333333130e-01, v60  }
0x33b: {  	v45 =	vadd.f32 $-1.242014100e-01, v45;
	v59 =	vadd.f32 $1.167699840e-01, v59;
	v1 =	vmul.f32 v1, v32  }
0x33c: {  	v61 =	vadd.f32 $-1.242014100e-01, v61;
	v17 =	vmul.f32 $6.931471820e-01, v17;
	v8 =	vmul.f32 v60, v5  }
0x33d: {  	v4 =	vmul.f32 v45, v33;
	v45 =	vadd.f32 $-1.000000000e+00, v63;
	v60 =	vadd.f32 $1.167699840e-01, v6  }
0x33e: {  	v59 =	vmul.f32 v59, v43;
	v1 =	vadd.f32 $1.424932330e-01, v1;
	v61 =	vmul.f32 v61, v42  }
0x33f: {  	v6 =	vmul.f32 v3, v32;
	v3 =	vmul.f32 $5.000000000e-01, v3;
	v62 =	vadd.f32 $1.424932330e-01, v4  }
0x340: {  	v60 =	vmul.f32 v60, v44;
	v63 =	vmul.f32 $7.037683580e-02, v45;
	v59 =	vadd.f32 $-1.242014100e-01, v59  }
0x341: {  	v1 =	vmul.f32 v1, v32;
	v61 =	vadd.f32 $1.424932330e-01, v61;
	v4 =	vmul.f32 v33, v33  }
0x342: {  	v7 =	vsub.f32 v8, v7;
	v62 =	vmul.f32 v62, v33;
	v63 =	vadd.f32 $-1.151461010e-01, v63  }
0x343: {  	v60 =	vadd.f32 $-1.242014100e-01, v60;
	v59 =	vmul.f32 v59, v43;
	v1 =	vadd.f32 $-1.666805740e-01, v1  }
0x344: {  	v61 =	vmul.f32 v61, v42;
	v7 =	vadd.f32 v7, v35;
	v62 =	vadd.f32 $-1.666805740e-01, v62  }
0x345: {  	v60 =	vmul.f32 v60, v44;
	v59 =	vadd.f32 $1.424932330e-01, v59;
	v1 =	vmul.f32 v1, v32  }
0x346: {  	v63 =	vmul.f32 v63, v45;
	v61 =	vadd.f32 $-1.666805740e-01, v61;
	v62 =	vmul.f32 v62, v33  }
0x347: {  	v60 =	vadd.f32 $1.424932330e-01, v60;
	v59 =	vmul.f32 v59, v43;
	v1 =	vadd.f32 $2.000071410e-01, v1  }
0x348: {  	v63 =	vadd.f32 $1.167699840e-01, v63;
	v61 =	vmul.f32 v61, v42;
	v62 =	vadd.f32 $2.000071410e-01, v62  }
0x349: {  	v60 =	vmul.f32 v60, v44;
	v59 =	vadd.f32 $-1.666805740e-01, v59;
	v1 =	vmul.f32 v1, v32  }
0x34a: {  	v63 =	vmul.f32 v63, v45;
	v61 =	vadd.f32 $2.000071410e-01, v61;
	v62 =	vmul.f32 v62, v33  }
0x34b: {  	v60 =	vadd.f32 $-1.666805740e-01, v60;
	v59 =	vmul.f32 v59, v43;
	v1 =	vadd.f32 $-2.499999400e-01, v1  }
0x34c: {  	v63 =	vadd.f32 $-1.242014100e-01, v63;
	v61 =	vmul.f32 v61, v42;
	v62 =	vadd.f32 $-2.499999400e-01, v62  }
0x34d: {  	v60 =	vmul.f32 v60, v44;
	v59 =	vadd.f32 $2.000071410e-01, v59;
	v1 =	vmul.f32 v1, v32  }
0x34e: {  	v63 =	vmul.f32 v63, v45;
	v61 =	vadd.f32 $-2.499999400e-01, v61;
	v62 =	vmul.f32 v62, v33  }
0x34f: {  	v60 =	vadd.f32 $2.000071410e-01, v60;
	v59 =	vmul.f32 v59, v43;
	v5 =	vadd.f32 $3.333333130e-01, v1  }
0x350: {  	v1 =	vmul.f32 v4, v33;
	v63 =	vadd.f32 $1.424932330e-01, v63;
	v61 =	vmul.f32 v61, v42  }
0x351: {  	v4 =	vmul.f32 $5.000000000e-01, v4;
	v62 =	vadd.f32 $3.333333130e-01, v62;
	v60 =	vmul.f32 v60, v44  }
0x352: {  	v5 =	vmul.f32 v5, v6;
	v2 =	vadd.f32 $-2.499999400e-01, v59;
	v59 =	vmul.f32 v63, v45  }
0x353: {  	v61 =	vadd.f32 $3.333333130e-01, v61;
	v63 =	vmul.f32 v44, v44;
	v6 =	vmul.f32 v62, v1  }
0x354: {  	v60 =	vadd.f32 $-2.499999400e-01, v60;
	v2 =	vmul.f32 v2, v43;
	v62 =	vmul.f32 v43, v43  }
0x355: {  	v59 =	vadd.f32 $-1.666805740e-01, v59;
	v0 =	vmul.f32 v61, v0;
	v61 =	vmul.f32 v63, v44  }
0x356: {  	v3 =	vsub.f32 v5, v3;
	v5 =	vadd.s32 $0xFFFFFF81, v57;
	v57 =	vsel vm8, $0x3F800000, v9  }
0x357: {  	v5 =	vcvt.s32.f32 v5;
	v25 =	vadd.f32 v25, v57;
	v60 =	vmul.f32 v60, v44  }
0x358: {  	v59 =	vmul.f32 v59, v45;
	v2 =	vadd.f32 $3.333333130e-01, v2;
	v1 =	vmul.f32 v62, v43  }
0x359: {  	v56 =	vmul.f32 $5.000000000e-01, v62;
	v4 =	vsub.f32 v6, v4;
	v0 =	vsub.f32 v0, v55  }
0x35a: {  	v6 =	vadd.s32 $0xFFFFFF81, v58;
	v62 =	vsel vm12, $0x3F800000, v9;
	v55 =	vshrl.u32 v28, $0x17  }
0x35b: {  	v58 =	vsel vm6, $0x3F800000, v9;
	v3 =	vadd.f32 v3, v32;
	v6 =	vcvt.s32.f32 v6  }
0x35c: {  	v27 =	vadd.s32 $0xFFFFFF81, v55;
	v55 =	vadd.f32 v46, v38;
	v25 =	vmul.f32 $6.931471820e-01, v25  }
0x35d: {  	v60 =	vadd.f32 $3.333333130e-01, v60;
	v1 =	vmul.f32 v2, v1;
	v59 =	vadd.f32 $2.000071410e-01, v59  }
0x35e: {  	v57 =	vld [tilespmem:$0x1FC00];
	v27 =	vcvt.s32.f32 v27;
	v4 =	vadd.f32 v4, v33;
	v0 =	vadd.f32 v0, v42  }
0x35f: {  	v6 =	vadd.f32 v6, v62;
	v62 =	vsel vm14, $0x3F800000, v9;
	v17 =	vadd.f32 v55, v17  }
0x360: {  	v55 =	vadd.f32 v13, v13;
	v16 =	vmul.f32 v60, v61;
	v2 =	vmul.f32 v59, v45  }
0x361: {  	v60 =	vmul.f32 v45, v45;
	v1 =	vsub.f32 v1, v56;
	v59 =	vmul.f32 $5.000000000e-01, v63  }
0x362: {  	v63 =	vshrl.u32 v24, $0x17;
	v24 =	vadd.s32 $0xFFFFFF81, v31;
	v27 =	vadd.f32 v27, v58  }
0x363: {  	v56 =	vsel vm7, $0x3F800000, v9;
	v18 =	vadd.f32 v18, v62;
	v58 =	vadd.f32 v57, v57  }
0x364: {  	v24 =	vcvt.s32.f32 v24;
	v21 =	vadd.f32 v21, v56;
	v56 =	vadd.f32 v48, v39  }
0x365: {  	v6 =	vmul.f32 $6.931471820e-01, v6;
	v13 =	vmul.f32 v55, v13;
	v2 =	vadd.f32 $-2.499999400e-01, v2  }
0x366: {  	v61 =	vmul.f32 v60, v45;
	v60 =	vmul.f32 $5.000000000e-01, v60;
	v8 =	vsub.f32 v16, v59  }
0x367: {  	v40 =	vld [tilespmem:$0x1FC40];
	v16 =	vadd.s32 $0xFFFFFF81, v63;
	v59 =	vsel vm4, $0x3F800000, v9;
	v63 =	vsel vm2, $0x3F800000, v9  }
0x368: {  	v36 =	vmul.f32 v58, v57;
	v1 =	vadd.f32 v1, v43;
	v57 =	vadd.f32 v14, v14  }
0x369: {  	v27 =	vmul.f32 $6.931471820e-01, v27;
	v24 =	vadd.f32 v24, v54;
	v19 =	vadd.f32 v19, v59  }
0x36a: {  	v62 =	vld [tilespmem:$0x1FC20];
	v18 =	vmul.f32 $6.931471820e-01, v18;
	v20 =	vadd.f32 v20, v63;
	v54 =	vadd.f32 v47, v37  }
0x36b: {  	v16 =	vcvt.s32.f32 v16;
	v59 =	vadd.f32 v52, v41;
	v6 =	vadd.f32 v53, v6  }
0x36c: {  	v21 =	vmul.f32 $6.931471820e-01, v21;
	v41 =	vadd.f32 v40, v40;
	v53 =	vadd.f32 v10, v10  }
0x36d: {  	v2 =	vmul.f32 v2, v45;
	v8 =	vadd.f32 v8, v44;
	v7 =	vadd.f32 v7, v27  }
0x36e: {  	v43 =	vld [tilespmem:$0x1FC50];
	v1 =	vadd.f32 v1, v18;
	v16 =	vadd.f32 v16, v49;
	v49 =	vsel vm15, $0x3F800000, v9  }
0x36f: {  	v37 =	vld [tilespmem:$0x1FC30];
	v63 =	vadd.f32 v62, v62;
	v24 =	vmul.f32 $6.931471820e-01, v24;
	v11 =	vadd.f32 v11, v21  }
0x370: {  	v47 =	vld [tilespmem:$0x1FC70];
	v19 =	vmul.f32 $6.931471820e-01, v19;
	v34 =	vadd.f32 v59, v25;
	v59 =	vadd.f32 $-3.224171400e+00, v15  }
0x371: {  	v20 =	vmul.f32 $6.931471820e-01, v20;
	v2 =	vadd.f32 $3.333333130e-01, v2;
	v23 =	vadd.f32 v23, v49  }
0x372: {  	v18 =	vmul.f32 v41, v40;
	v24 =	vadd.f32 v56, v24;
	v3 =	vadd.f32 v3, v19  }
0x373: {  	v16 =	vmul.f32 $6.931471820e-01, v16;
	v8 =	vadd.f32 v8, v20;
	v44 =	vadd.f32 v43, v43  }
0x374: {  	v2 =	vmul.f32 v2, v61;
	v61 =	vsel vm13, $0x3F800000, v9;
	v39 =	vadd.f32 v37, v37  }
0x375: {  	v49 =	vld [tilespmem:$0x1FC80];
	v42 =	vmul.f32 $6.931471820e-01, v23;
	v48 =	vadd.f32 v47, v47;
	v5 =	vadd.f32 v5, v61  }
0x376: {  	v61 =	vsel vm3, $0x3F800000, v9;
	v16 =	vadd.f32 v54, v16;
	v18 =	vsub.f32 v24, v18  }
0x377: {  	v20 =	vmul.f32 v44, v43;
	v54 =	vadd.f32 v12, v12;
	v8 =	vsub.f32 v8, v13  }
0x378: {  	v2 =	vsub.f32 v2, v60;
	v60 =	vsel vm5, $0x3F800000, v9;
	v9 =	vmul.f32 v63, v62  }
0x379: {  	v26 =	vadd.f32 v26, v61;
	v19 =	vmul.f32 v39, v37;
	v23 =	vmul.f32 v48, v47  }
0x37a: {  	v22 =	vadd.f32 v22, v60;
	v5 =	vmul.f32 $6.931471820e-01, v5;
	v50 =	vadd.f32 v49, v49  }
0x37b: {  	v11 =	vsub.f32 v11, v20;
	v12 =	vmul.f32 v54, v12;
	v2 =	vadd.f32 v2, v45  }
0x37c: {  	v60 =	vld [tilespmem:$0x1FC10];
	v35 =	vmul.f32 $6.931471820e-01, v26;
	v9 =	vsub.f32 v16, v9;
	v17 =	vsub.f32 v17, v19  }
0x37d: {  	v14 =	vmul.f32 v57, v14;
	v45 =	vld [tilespmem:$0x1FC60];
	v7 =	vsub.f32 v7, v23;
	v5 =	vadd.f32 v51, v5  }
0x37e: {  	v33 =	vmul.f32 $6.931471820e-01, v22;
	v51 =	vld [tilespmem:$0x1FC90];
	v1 =	vsub.f32 v1, v12;
	v0 =	vadd.f32 v0, v35  }
0x37f: {  	v25 =	vmul.f32 v50, v49;
	v2 =	vadd.f32 v2, v42;
	v58 =	vadd.f32 v17, v9  }
0x380: {  	v10 =	vmul.f32 v53, v10;
	v4 =	vadd.f32 v4, v33;
	v5 =	vsub.f32 v5, v36  }
0x381: {  	v3 =	vsub.f32 v3, v25;
	v61 =	vadd.f32 v60, v60  }
0x382: {  	v0 =	vsub.f32 v0, v10;
	v2 =	vsub.f32 v2, v14  }
0x383: {  	v46 =	vadd.f32 v45, v45;
	v38 =	vmul.f32 v61, v60;
	v52 =	vadd.f32 v51, v51  }
0x384: {  	v60 =	vadd.f32 v11, v18;
	v0 =	vadd.f32 v1, v0  }
0x385: {  	v2 =	vadd.f32 v2, v8;
	v21 =	vmul.f32 v46, v45;
	v6 =	vsub.f32 v6, v38  }
0x386: {  	v16 =	vmul.f32 v52, v51;
	v61 =	vadd.f32 $-3.224171400e+00, v60;
	v0 =	vadd.f32 $-3.224171400e+00, v0  }
0x387: {  	[tilespmem:s13+$0x2070] =	vst v59;
	v63 =	vadd.f32 $-3.224171400e+00, v2;
	v56 =	vsub.f32 v34, v21  }
0x388: {  	v4 =	vsub.f32 v4, v16;
	v5 =	vadd.f32 v6, v5;
	[tilespmem:s13+$0x2020] =	vst v61  }
0x389: {  	v6 =	vadd.f32 $-3.224171400e+00, v58;
	[tilespmem:s13+$0x2050] =	vst v0;
	v7 =	vadd.f32 v7, v56  }
0x38a: {  	[tilespmem:s13+$0x2060] =	vst v63;
	v5 =	vadd.f32 $-3.224171400e+00, v5;
	v3 =	vadd.f32 v4, v3  }
0x38b: {  	[tilespmem:s13+$0x2010] =	vst v6;
	v62 =	vadd.f32 $-3.224171400e+00, v7  }
0x38c: {  	s10 =	sadd.s32 $0x1, s10;
	[tilespmem:s13+$0x2000] =	vst v5;
	v3 =	vadd.f32 $-3.224171400e+00, v3  }
0x38d: {  	p0 =	sne.s32 s10, s6;
	[tilespmem:s13+$0x2030] =	vst v62  }
.Ltmp1:
0x38e: {  	[tilespmem:s13+$0x2040] =	vst v3;
	(pc) =	sbr.rel @p0 .LBB2_1-.Ltmp1, $4  }
0x38f: {  	[hbm4b:s5+s2] =	stream.linear.scatter [tilespmem:s9], [sflag:$0x1], $0x1000, $0x38;
	[tilespmem:$0x3000] =	vst v63  }
0x390: {  	_ =	swait.ge [sflag:s7], $0x1000  }
0x391: {  	[sflag:s7] =	ssyncset.done $0x0  }
0x392: {  	[sflag:s7] =	ssyncadd.s32 $0xFFFFF000  }
0x393: {  	_ =	sfence.sel $0x180000  }
0x394: {  	[bflag:$0x0] =	sbarrier.arrive $0xFFFF  }
0x395: {  	p0 =	sne.s32 s1, $0x0;
	_ =	strace $0x90000047  }
0x396: {  	s0 =	sadd.s32 @!p0 $0x100000, s0;
	[bflag:$0x2] =	sbarrier.arrive $0xFFFF  }
0x397: {  	[sflag:s0] =	ssyncadd.tile.s32 @!p0 $0x1;
	_ =	shalt  }
.Lfunc_end2:
_tile_overlayer_lowered:
.L_overlay_start_2:
0x398: {  	(tag) =	ssettag $0x2  }
0x399: {  	s0 =	rddreg [dreg:$0x0];
	s2 =	stileid.u32  }
0x39a: {  	s1 =	rddreg [dreg:$0x1];
	p0 =	sne.s32 s2, $0x0  }
0x39b: {  	s3 =	rddreg [dreg:$0x2];
	[bflag:$0x3] =	sbarrier.arrive $0xFFFF;
	s2 =	simm.s32 @!p0 $0x1C01  }
0x39c: {  	[timem:s3], [sflag:s2] =	dma.local @!p0 [hbm:s0], s1  }
0x39d: {  	s0 =	simm.s32 @!p0 $0x1  }
0x39e: {  	_ =	swait.ge @!p0 [sflag:s0], s1  }
0x39f: {  	s1 =	ssub.s32 @!p0 $0x0, s1;
	[sflag:s0] =	ssyncset.done @!p0 $0x0  }
0x3a0: {  	[sflag:s0] =	ssyncadd.s32 @!p0 s1  }
0x3a1: {  	[bflag:$0x3] =	sbarrier.arrive $0xFFFF  }
0x3a2: {  	_ =	shalt  }

</sc_bundles>
